<compile_context>
chip_gen: v7x
topology: tpu7x:2x2x1
jax: 0.10.2.dev20260603
libtpu: 0.0.44.dev20260713+nightly
codegen_flags: <defaults>
</compile_context>

<pallas_src>
import functools

import jax
import jax.numpy as jnp
from jax import lax
from jax.experimental import pallas as pl
from jax.experimental.pallas import tpu as pltpu
from jax.experimental.pallas import tpu_sc as plsc

N = 10000
E = 320000
D = 128

NC = 2
NS = 16
NW = NC * NS
EPT = E // NW
K = 125
NCH = EPT // K
NP = 10112
RPT = NP // NS


def _sc_agg(h, idx4):
    mesh = plsc.VectorSubcoreMesh(core_axis_name="c", subcore_axis_name="s")

    @functools.partial(
        pl.kernel,
        mesh=mesh,
        out_type=jax.ShapeDtypeStruct((NC, NP, D), jnp.float32),
        scratch_types=[
            pltpu.VMEM((4, 2, K), jnp.int32),
            pltpu.VMEM((3, K, D), jnp.float32),
            pltpu.VMEM_SHARED((NP, D), jnp.float32),
            pltpu.SemaphoreType.DMA((3,)),
            pltpu.SemaphoreType.DMA((4,)),
        ],
    )
    def agg_kernel(h_hbm, idx_hbm, out_hbm, idx_v, rows_v, acc_sh,
                   sem_g, sem_i):
        c = lax.axis_index("c")
        s = lax.axis_index("s")
        wid = s * NC + c

        pltpu.async_copy(idx_hbm.at[wid, 0], idx_v.at[0], sem_i.at[0])
        pltpu.async_copy(idx_hbm.at[wid, 1], idx_v.at[1], sem_i.at[1])
        pltpu.async_copy(idx_hbm.at[wid, 2], idx_v.at[2], sem_i.at[2])

        def zrow(i, _):
            for j in range(D // 16):
                rows_v[0, i, pl.ds(j * 16, 16)] = jnp.zeros((16,), jnp.float32)
            return 0
        lax.fori_loop(0, K, zrow, 0)

        ZCH = (K // 8) * 8

        def zcp(k, _):
            pltpu.sync_copy(rows_v.at[0, pl.ds(0, ZCH)],
                            acc_sh.at[pl.ds(s * RPT + k * ZCH, ZCH)])
            return 0
        lax.fori_loop(0, RPT // ZCH, zcp, 0)
        if RPT % ZCH:
            pltpu.sync_copy(rows_v.at[0, pl.ds(0, RPT % ZCH)],
                            acc_sh.at[pl.ds(s * RPT + (RPT // ZCH) * ZCH,
                                            RPT % ZCH)])

        pltpu.make_async_copy(idx_hbm.at[wid, 0], idx_v.at[0],
                              sem_i.at[0]).wait()
        pltpu.async_copy(h_hbm.at[idx_v.at[0, 0]], rows_v.at[0],
                         sem_g.at[0])
        pltpu.make_async_copy(idx_hbm.at[wid, 1], idx_v.at[1],
                              sem_i.at[1]).wait()
        pltpu.async_copy(h_hbm.at[idx_v.at[1, 0]], rows_v.at[1],
                         sem_g.at[1])
        plsc.subcore_barrier()

        def body(j, _):
            buf = lax.rem(j, 3)
            ib = lax.rem(j, 4)
            ib2 = lax.rem(j + 2, 4)
            ib3 = lax.rem(j + 3, 4)

            @pl.when(j + 3 < NCH)
            def _():
                pltpu.async_copy(idx_hbm.at[wid, j + 3], idx_v.at[ib3],
                                 sem_i.at[ib3])

            @pl.when(j + 2 < NCH)
            def _():
                pltpu.make_async_copy(idx_hbm.at[wid, j + 2],
                                      idx_v.at[ib2], sem_i.at[ib2]).wait()
                pltpu.async_copy(h_hbm.at[idx_v.at[ib2, 0]],
                                 rows_v.at[lax.rem(j + 2, 3)],
                                 sem_g.at[lax.rem(j + 2, 3)])

            pltpu.make_async_copy(h_hbm.at[idx_v.at[ib, 0]],
                                  rows_v.at[buf], sem_g.at[buf]).wait()
            pltpu.sync_copy(rows_v.at[buf],
                            acc_sh.at[pl.ds(s * RPT, K)], add=False)
            return 0
        lax.fori_loop(0, NCH, body, 0)
        plsc.subcore_barrier()

        pltpu.sync_copy(acc_sh.at[pl.ds(s * RPT, RPT)],
                        out_hbm.at[c, pl.ds(s * RPT, RPT)])

    return agg_kernel(h, idx4)


BN = 2000


def _tc_layer(h, agg, W, b, relu):
    def body(h_ref, a_ref, w_ref, b_ref, o_ref):
        acc = h_ref[...] + a_ref[0] + a_ref[1]
        r = lax.dot_general(acc, w_ref[...], (((1,), (1,)), ((), ())),
                            preferred_element_type=jnp.float32)
        r = r + b_ref[...]
        o_ref[...] = jnp.maximum(r, 0.0) if relu else r

    row_spec = pl.BlockSpec((BN, D), lambda i: (i, 0))
    return pl.pallas_call(
        body,
        grid=(N // BN,),
        in_specs=[row_spec,
                  pl.BlockSpec((2, BN, D), lambda i: (0, i, 0)),
                  pl.BlockSpec((D, D), lambda i: (0, 0)),
                  pl.BlockSpec((1, D), lambda i: (0, 0))],
        out_specs=row_spec,
        out_shape=jax.ShapeDtypeStruct((N, D), jnp.float32),
    )(h, agg, W, b.reshape(1, D))


def kernel(x, edge_index, W1, b1, Wm, bm, W2, b2):
    idx4 = edge_index.reshape(2, NW, NCH, K).transpose(1, 2, 0, 3)
    h = x
    for W, b, relu in ((W1, b1, True), (Wm, bm, True), (W2, b2, False)):
        agg = _sc_agg(h, idx4)
        h = _tc_layer(h, agg, W, b, relu)
    return h

# --- scband reference (transcript-rebuilt; emitter-appended) ---
"""Pipeline reference for scband-gin-model-ben-x-45792941310041 (READ-ONLY COPY).

The authoritative reference and input builder live on the scoring server;
editing this copy changes nothing except your own understanding.
"""

import jax, jax.numpy as jnp
import numpy as np

N = 10000
E = 320000
D = 128
NHID = 128
DOUT = 128


def _init_linear(key, in_dim, out_dim):
    k1, k2 = jax.random.split(key)
    s = 1.0 / np.sqrt(in_dim)
    W = jax.random.uniform(k1, (out_dim, in_dim), minval=-s, maxval=s, dtype=jnp.float32)
    b = jax.random.uniform(k2, (out_dim,), minval=-s, maxval=s, dtype=jnp.float32)
    return W, b


def setup_inputs(seed: int = 0) -> dict:
    key = jax.random.key(seed)
    ks = jax.random.split(key, 5)
    x = jax.random.normal(ks[0], (N, D), dtype=jnp.float32)
    edge_index = jax.random.randint(ks[1], (2, E), 0, N, dtype=jnp.int32)
    W1, b1 = _init_linear(ks[2], D, NHID)
    Wm, bm = _init_linear(ks[3], NHID, NHID)
    W2, b2 = _init_linear(ks[4], NHID, DOUT)
    return {"x": x, "edge_index": edge_index, "W1": W1, "b1": b1, "Wm": Wm, "bm": bm, "W2": W2, "b2": b2}


def _gin_conv(h, edge_index, W, b, eps=0.0):
    # message: gather source node features, aggregate (sum) at destination
    src = edge_index[0]
    dst = edge_index[1]
    msg = jnp.take(h, src, axis=0)
    agg = jax.ops.segment_sum(msg, dst, num_segments=N)
    out = (1.0 + eps) * h + agg
    return out @ W.T + b


def reference(x, edge_index, W1, b1, Wm, bm, W2, b2):
    # dropout is identity in eval mode
    h = jax.nn.relu(_gin_conv(x, edge_index, W1, b1))
    h = jax.nn.relu(_gin_conv(h, edge_index, Wm, bm))
    out = _gin_conv(h, edge_index, W2, b2)
    return out

if __name__ == "__main__":
    import jax
    _d = setup_inputs()
    print(jax.jit(kernel)(*tuple(_d.values())))

</pallas_src>

<mosaic_0001>
#map = affine_map<(d0, d1) -> (0, 0)>
#map1 = affine_map<(d0, d1) -> (0, 0, 0, 0)>
#map2 = affine_map<(d0, d1) -> (0, 0, 0)>
module attributes {stable_mosaic.version = 14 : i64} {
  func.func @agg_kernel(%arg0: i32, %arg1: i32, %arg2: memref<10000x128xf32, #tpu.memory_space<hbm>>, %arg3: memref<32x80x2x125xi32, #tpu.memory_space<hbm>>, %arg4: memref<2x10112x128xf32, #tpu.memory_space<hbm>>, %arg5: memref<4x2x125xi32, #tpu.memory_space<vmem>>, %arg6: memref<3x125x128xf32, #tpu.memory_space<vmem>>, %arg7: memref<10112x128xf32, #tpu.memory_space<vmem_shared>>, %arg8: memref<3x!tpu.dma_semaphore, #tpu.memory_space<semaphore_mem>>, %arg9: memref<4x!tpu.dma_semaphore, #tpu.memory_space<semaphore_mem>>) attributes {dimension_semantics = [#tpu.dimension_semantics<core_parallel>, #tpu.dimension_semantics<subcore_parallel>], iteration_bounds = array<i64: 2, 16>, scalar_prefetch = 0 : i64, scratch_operands = 5 : i64, tpu.core_type = #tpu.core_type<sc_vector_subcore>, window_params = [{transform_indices = #map}, {transform_indices = #map1}, {transform_indices = #map2}]} {
    %mul3A = arith.constant 2 : i32
    %mul3A_0 = arith.muli %arg1, %mul3A : i32
    %add3A = arith.addi %mul3A_0, %arg0 : i32
    %dma_start3A = arith.constant 0 : i32
    %dma_start3A_1 = arith.constant 0 : i32
    %dma_start3A_2 = arith.constant 0 : i32
    %dma_start3A_3 = arith.constant 0 : i32
    %dma_start3A_4 = arith.constant 0 : i32
    %dma_start3A_5 = tpu.memref_slice %arg5[%dma_start3A_1, %dma_start3A_3, %dma_start3A_4] : memref<4x2x125xi32, #tpu.memory_space<vmem>> -> memref<1x2x125xi32, #tpu.memory_space<vmem>>
    %dma_start3A_6 = tpu.memref_squeeze %dma_start3A_5 : memref<1x2x125xi32, #tpu.memory_space<vmem>> -> memref<2x125xi32, #tpu.memory_space<vmem>>
    %dma_start3A_7 = arith.constant 0 : i32
    %dma_start3A_8 = arith.constant 0 : i32
    %dma_start3A_9 = tpu.memref_slice %arg3[%add3A, %dma_start3A, %dma_start3A_7, %dma_start3A_8] : memref<32x80x2x125xi32, #tpu.memory_space<hbm>> -> memref<1x1x2x125xi32, #tpu.memory_space<hbm>>
    %dma_start3A_10 = tpu.memref_squeeze %dma_start3A_9 : memref<1x1x2x125xi32, #tpu.memory_space<hbm>> -> memref<2x125xi32, #tpu.memory_space<hbm>>
    %dma_start3A_11 = tpu.memref_slice %arg9[%dma_start3A_2] : memref<4x!tpu.dma_semaphore, #tpu.memory_space<semaphore_mem>> -> memref<1x!tpu.dma_semaphore, #tpu.memory_space<semaphore_mem>>
    %dma_start3A_12 = tpu.memref_squeeze %dma_start3A_11 : memref<1x!tpu.dma_semaphore, #tpu.memory_space<semaphore_mem>> -> memref<!tpu.dma_semaphore, #tpu.memory_space<semaphore_mem>>
    %dma_start3A_13 = arith.constant 0 : i32
    %dma_start3A_14 = arith.constant 0 : i32
    %dma_start3A_15 = tpu.memref_slice %arg5[%dma_start3A_1, %dma_start3A_13, %dma_start3A_14] : memref<4x2x125xi32, #tpu.memory_space<vmem>> -> memref<1x2x125xi32, #tpu.memory_space<vmem>>
    %dma_start3A_16 = tpu.memref_squeeze %dma_start3A_15 : memref<1x2x125xi32, #tpu.memory_space<vmem>> -> memref<2x125xi32, #tpu.memory_space<vmem>>
    %dma_start3A_17 = arith.constant 0 : i32
    %dma_start3A_18 = arith.constant 0 : i32
    %dma_start3A_19 = tpu.memref_slice %arg3[%add3A, %dma_start3A, %dma_start3A_17, %dma_start3A_18] : memref<32x80x2x125xi32, #tpu.memory_space<hbm>> -> memref<1x1x2x125xi32, #tpu.memory_space<hbm>>
    %dma_start3A_20 = tpu.memref_squeeze %dma_start3A_19 : memref<1x1x2x125xi32, #tpu.memory_space<hbm>> -> memref<2x125xi32, #tpu.memory_space<hbm>>
    tpu.enqueue_dma source(%dma_start3A_20 : memref<2x125xi32, #tpu.memory_space<hbm>>) target(%dma_start3A_16 : memref<2x125xi32, #tpu.memory_space<vmem>>) target_semaphore(%dma_start3A_12 : memref<!tpu.dma_semaphore, #tpu.memory_space<semaphore_mem>>)
    %dma_start3A_21 = arith.constant 1 : i32
    %dma_start3A_22 = arith.constant 1 : i32
    %dma_start3A_23 = arith.constant 1 : i32
    %dma_start3A_24 = arith.constant 0 : i32
    %dma_start3A_25 = arith.constant 0 : i32
    %dma_start3A_26 = tpu.memref_slice %arg5[%dma_start3A_22, %dma_start3A_24, %dma_start3A_25] : memref<4x2x125xi32, #tpu.memory_space<vmem>> -> memref<1x2x125xi32, #tpu.memory_space<vmem>>
    %dma_start3A_27 = tpu.memref_squeeze %dma_start3A_26 : memref<1x2x125xi32, #tpu.memory_space<vmem>> -> memref<2x125xi32, #tpu.memory_space<vmem>>
    %dma_start3A_28 = arith.constant 0 : i32
    %dma_start3A_29 = arith.constant 0 : i32
    %dma_start3A_30 = tpu.memref_slice %arg3[%add3A, %dma_start3A_21, %dma_start3A_28, %dma_start3A_29] : memref<32x80x2x125xi32, #tpu.memory_space<hbm>> -> memref<1x1x2x125xi32, #tpu.memory_space<hbm>>
    %dma_start3A_31 = tpu.memref_squeeze %dma_start3A_30 : memref<1x1x2x125xi32, #tpu.memory_space<hbm>> -> memref<2x125xi32, #tpu.memory_space<hbm>>
    %dma_start3A_32 = tpu.memref_slice %arg9[%dma_start3A_23] : memref<4x!tpu.dma_semaphore, #tpu.memory_space<semaphore_mem>> -> memref<1x!tpu.dma_semaphore, #tpu.memory_space<semaphore_mem>>
    %dma_start3A_33 = tpu.memref_squeeze %dma_start3A_32 : memref<1x!tpu.dma_semaphore, #tpu.memory_space<semaphore_mem>> -> memref<!tpu.dma_semaphore, #tpu.memory_space<semaphore_mem>>
    %dma_start3A_34 = arith.constant 0 : i32
    %dma_start3A_35 = arith.constant 0 : i32
    %dma_start3A_36 = tpu.memref_slice %arg5[%dma_start3A_22, %dma_start3A_34, %dma_start3A_35] : memref<4x2x125xi32, #tpu.memory_space<vmem>> -> memref<1x2x125xi32, #tpu.memory_space<vmem>>
    %dma_start3A_37 = tpu.memref_squeeze %dma_start3A_36 : memref<1x2x125xi32, #tpu.memory_space<vmem>> -> memref<2x125xi32, #tpu.memory_space<vmem>>
    %dma_start3A_38 = arith.constant 0 : i32
    %dma_start3A_39 = arith.constant 0 : i32
    %dma_start3A_40 = tpu.memref_slice %arg3[%add3A, %dma_start3A_21, %dma_start3A_38, %dma_start3A_39] : memref<32x80x2x125xi32, #tpu.memory_space<hbm>> -> memref<1x1x2x125xi32, #tpu.memory_space<hbm>>
    %dma_start3A_41 = tpu.memref_squeeze %dma_start3A_40 : memref<1x1x2x125xi32, #tpu.memory_space<hbm>> -> memref<2x125xi32, #tpu.memory_space<hbm>>
    tpu.enqueue_dma source(%dma_start3A_41 : memref<2x125xi32, #tpu.memory_space<hbm>>) target(%dma_start3A_37 : memref<2x125xi32, #tpu.memory_space<vmem>>) target_semaphore(%dma_start3A_33 : memref<!tpu.dma_semaphore, #tpu.memory_space<semaphore_mem>>)
    %dma_start3A_42 = arith.constant 2 : i32
    %dma_start3A_43 = arith.constant 2 : i32
    %dma_start3A_44 = arith.constant 2 : i32
    %dma_start3A_45 = arith.constant 0 : i32
    %dma_start3A_46 = arith.constant 0 : i32
    %dma_start3A_47 = tpu.memref_slice %arg5[%dma_start3A_43, %dma_start3A_45, %dma_start3A_46] : memref<4x2x125xi32, #tpu.memory_space<vmem>> -> memref<1x2x125xi32, #tpu.memory_space<vmem>>
    %dma_start3A_48 = tpu.memref_squeeze %dma_start3A_47 : memref<1x2x125xi32, #tpu.memory_space<vmem>> -> memref<2x125xi32, #tpu.memory_space<vmem>>
    %dma_start3A_49 = arith.constant 0 : i32
    %dma_start3A_50 = arith.constant 0 : i32
    %dma_start3A_51 = tpu.memref_slice %arg3[%add3A, %dma_start3A_42, %dma_start3A_49, %dma_start3A_50] : memref<32x80x2x125xi32, #tpu.memory_space<hbm>> -> memref<1x1x2x125xi32, #tpu.memory_space<hbm>>
    %dma_start3A_52 = tpu.memref_squeeze %dma_start3A_51 : memref<1x1x2x125xi32, #tpu.memory_space<hbm>> -> memref<2x125xi32, #tpu.memory_space<hbm>>
    %dma_start3A_53 = tpu.memref_slice %arg9[%dma_start3A_44] : memref<4x!tpu.dma_semaphore, #tpu.memory_space<semaphore_mem>> -> memref<1x!tpu.dma_semaphore, #tpu.memory_space<semaphore_mem>>
    %dma_start3A_54 = tpu.memref_squeeze %dma_start3A_53 : memref<1x!tpu.dma_semaphore, #tpu.memory_space<semaphore_mem>> -> memref<!tpu.dma_semaphore, #tpu.memory_space<semaphore_mem>>
    %dma_start3A_55 = arith.constant 0 : i32
    %dma_start3A_56 = arith.constant 0 : i32
    %dma_start3A_57 = tpu.memref_slice %arg5[%dma_start3A_43, %dma_start3A_55, %dma_start3A_56] : memref<4x2x125xi32, #tpu.memory_space<vmem>> -> memref<1x2x125xi32, #tpu.memory_space<vmem>>
    %dma_start3A_58 = tpu.memref_squeeze %dma_start3A_57 : memref<1x2x125xi32, #tpu.memory_space<vmem>> -> memref<2x125xi32, #tpu.memory_space<vmem>>
    %dma_start3A_59 = arith.constant 0 : i32
    %dma_start3A_60 = arith.constant 0 : i32
    %dma_start3A_61 = tpu.memref_slice %arg3[%add3A, %dma_start3A_42, %dma_start3A_59, %dma_start3A_60] : memref<32x80x2x125xi32, #tpu.memory_space<hbm>> -> memref<1x1x2x125xi32, #tpu.memory_space<hbm>>
    %dma_start3A_62 = tpu.memref_squeeze %dma_start3A_61 : memref<1x1x2x125xi32, #tpu.memory_space<hbm>> -> memref<2x125xi32, #tpu.memory_space<hbm>>
    tpu.enqueue_dma source(%dma_start3A_62 : memref<2x125xi32, #tpu.memory_space<hbm>>) target(%dma_start3A_58 : memref<2x125xi32, #tpu.memory_space<vmem>>) target_semaphore(%dma_start3A_54 : memref<!tpu.dma_semaphore, #tpu.memory_space<semaphore_mem>>)
    %scan3A = arith.constant 0 : i32
    %scan3A_63 = arith.constant 0 : i32
    %scan3A_64 = arith.constant 125 : i32
    %scan3A_65 = arith.addi %scan3A_63, %scan3A_64 : i32
    %scan3A_66 = arith.constant 1 : i32
    %scan3A_67 = scf.for %scan3A_165 = %scan3A_63 to %scan3A_65 step %scan3A_66 iter_args(%scan3A_166 = %scan3A) -> (i32)  : i32 {
      %broadcast_in_dim3A = arith.constant 0.000000e+00 : f32
      %broadcast_in_dim3A_167 = vector.broadcast %broadcast_in_dim3A : f32 to vector<16xf32>
      %swap3A = arith.constant 0 : i32
      %swap3A_168 = arith.index_cast %swap3A : i32 to index
      %swap3A_169 = arith.index_cast %scan3A_165 : i32 to index
      %swap3A_170 = arith.constant 0 : index
      %swap3A_171 = tpu.vector_load %arg6[%swap3A_168, %swap3A_169, %swap3A_170] {strides = array<i32>} : memref<3x125x128xf32, #tpu.memory_space<vmem>>, vector<1x1x16xf32>,
      %swap3A_172 = vector.shape_cast %swap3A_171 : vector<1x1x16xf32> to vector<16xf32>
      %swap3A_173 = vector.shape_cast %broadcast_in_dim3A_167 : vector<16xf32> to vector<1x1x16xf32>
      tpu.vector_store %arg6[%swap3A_168, %swap3A_169, %swap3A_170], %swap3A_173 {strides = array<i32>} : memref<3x125x128xf32, #tpu.memory_space<vmem>>, vector<1x1x16xf32>,
      %broadcast_in_dim3A_174 = arith.constant 0.000000e+00 : f32
      %broadcast_in_dim3A_175 = vector.broadcast %broadcast_in_dim3A_174 : f32 to vector<16xf32>
      %swap3A_176 = arith.constant 0 : i32
      %swap3A_177 = arith.index_cast %swap3A_176 : i32 to index
      %swap3A_178 = arith.index_cast %scan3A_165 : i32 to index
      %swap3A_179 = arith.constant 16 : index
      %swap3A_180 = tpu.vector_load %arg6[%swap3A_177, %swap3A_178, %swap3A_179] {strides = array<i32>} : memref<3x125x128xf32, #tpu.memory_space<vmem>>, vector<1x1x16xf32>,
      %swap3A_181 = vector.shape_cast %swap3A_180 : vector<1x1x16xf32> to vector<16xf32>
      %swap3A_182 = vector.shape_cast %broadcast_in_dim3A_175 : vector<16xf32> to vector<1x1x16xf32>
      tpu.vector_store %arg6[%swap3A_177, %swap3A_178, %swap3A_179], %swap3A_182 {strides = array<i32>} : memref<3x125x128xf32, #tpu.memory_space<vmem>>, vector<1x1x16xf32>,
      %broadcast_in_dim3A_183 = arith.constant 0.000000e+00 : f32
      %broadcast_in_dim3A_184 = vector.broadcast %broadcast_in_dim3A_183 : f32 to vector<16xf32>
      %swap3A_185 = arith.constant 0 : i32
      %swap3A_186 = arith.index_cast %swap3A_185 : i32 to index
      %swap3A_187 = arith.index_cast %scan3A_165 : i32 to index
      %swap3A_188 = arith.constant 32 : index
      %swap3A_189 = tpu.vector_load %arg6[%swap3A_186, %swap3A_187, %swap3A_188] {strides = array<i32>} : memref<3x125x128xf32, #tpu.memory_space<vmem>>, vector<1x1x16xf32>,
      %swap3A_190 = vector.shape_cast %swap3A_189 : vector<1x1x16xf32> to vector<16xf32>
      %swap3A_191 = vector.shape_cast %broadcast_in_dim3A_184 : vector<16xf32> to vector<1x1x16xf32>
      tpu.vector_store %arg6[%swap3A_186, %swap3A_187, %swap3A_188], %swap3A_191 {strides = array<i32>} : memref<3x125x128xf32, #tpu.memory_space<vmem>>, vector<1x1x16xf32>,
      %broadcast_in_dim3A_192 = arith.constant 0.000000e+00 : f32
      %broadcast_in_dim3A_193 = vector.broadcast %broadcast_in_dim3A_192 : f32 to vector<16xf32>
      %swap3A_194 = arith.constant 0 : i32
      %swap3A_195 = arith.index_cast %swap3A_194 : i32 to index
      %swap3A_196 = arith.index_cast %scan3A_165 : i32 to index
      %swap3A_197 = arith.constant 48 : index
      %swap3A_198 = tpu.vector_load %arg6[%swap3A_195, %swap3A_196, %swap3A_197] {strides = array<i32>} : memref<3x125x128xf32, #tpu.memory_space<vmem>>, vector<1x1x16xf32>,
      %swap3A_199 = vector.shape_cast %swap3A_198 : vector<1x1x16xf32> to vector<16xf32>
      %swap3A_200 = vector.shape_cast %broadcast_in_dim3A_193 : vector<16xf32> to vector<1x1x16xf32>
      tpu.vector_store %arg6[%swap3A_195, %swap3A_196, %swap3A_197], %swap3A_200 {strides = array<i32>} : memref<3x125x128xf32, #tpu.memory_space<vmem>>, vector<1x1x16xf32>,
      %broadcast_in_dim3A_201 = arith.constant 0.000000e+00 : f32
      %broadcast_in_dim3A_202 = vector.broadcast %broadcast_in_dim3A_201 : f32 to vector<16xf32>
      %swap3A_203 = arith.constant 0 : i32
      %swap3A_204 = arith.index_cast %swap3A_203 : i32 to index
      %swap3A_205 = arith.index_cast %scan3A_165 : i32 to index
      %swap3A_206 = arith.constant 64 : index
      %swap3A_207 = tpu.vector_load %arg6[%swap3A_204, %swap3A_205, %swap3A_206] {strides = array<i32>} : memref<3x125x128xf32, #tpu.memory_space<vmem>>, vector<1x1x16xf32>,
      %swap3A_208 = vector.shape_cast %swap3A_207 : vector<1x1x16xf32> to vector<16xf32>
      %swap3A_209 = vector.shape_cast %broadcast_in_dim3A_202 : vector<16xf32> to vector<1x1x16xf32>
      tpu.vector_store %arg6[%swap3A_204, %swap3A_205, %swap3A_206], %swap3A_209 {strides = array<i32>} : memref<3x125x128xf32, #tpu.memory_space<vmem>>, vector<1x1x16xf32>,
      %broadcast_in_dim3A_210 = arith.constant 0.000000e+00 : f32
      %broadcast_in_dim3A_211 = vector.broadcast %broadcast_in_dim3A_210 : f32 to vector<16xf32>
      %swap3A_212 = arith.constant 0 : i32
      %swap3A_213 = arith.index_cast %swap3A_212 : i32 to index
      %swap3A_214 = arith.index_cast %scan3A_165 : i32 to index
      %swap3A_215 = arith.constant 80 : index
      %swap3A_216 = tpu.vector_load %arg6[%swap3A_213, %swap3A_214, %swap3A_215] {strides = array<i32>} : memref<3x125x128xf32, #tpu.memory_space<vmem>>, vector<1x1x16xf32>,
      %swap3A_217 = vector.shape_cast %swap3A_216 : vector<1x1x16xf32> to vector<16xf32>
      %swap3A_218 = vector.shape_cast %broadcast_in_dim3A_211 : vector<16xf32> to vector<1x1x16xf32>
      tpu.vector_store %arg6[%swap3A_213, %swap3A_214, %swap3A_215], %swap3A_218 {strides = array<i32>} : memref<3x125x128xf32, #tpu.memory_space<vmem>>, vector<1x1x16xf32>,
      %broadcast_in_dim3A_219 = arith.constant 0.000000e+00 : f32
      %broadcast_in_dim3A_220 = vector.broadcast %broadcast_in_dim3A_219 : f32 to vector<16xf32>
      %swap3A_221 = arith.constant 0 : i32
      %swap3A_222 = arith.index_cast %swap3A_221 : i32 to index
      %swap3A_223 = arith.index_cast %scan3A_165 : i32 to index
      %swap3A_224 = arith.constant 96 : index
      %swap3A_225 = tpu.vector_load %arg6[%swap3A_222, %swap3A_223, %swap3A_224] {strides = array<i32>} : memref<3x125x128xf32, #tpu.memory_space<vmem>>, vector<1x1x16xf32>,
      %swap3A_226 = vector.shape_cast %swap3A_225 : vector<1x1x16xf32> to vector<16xf32>
      %swap3A_227 = vector.shape_cast %broadcast_in_dim3A_220 : vector<16xf32> to vector<1x1x16xf32>
      tpu.vector_store %arg6[%swap3A_222, %swap3A_223, %swap3A_224], %swap3A_227 {strides = array<i32>} : memref<3x125x128xf32, #tpu.memory_space<vmem>>, vector<1x1x16xf32>,
      %broadcast_in_dim3A_228 = arith.constant 0.000000e+00 : f32
      %broadcast_in_dim3A_229 = vector.broadcast %broadcast_in_dim3A_228 : f32 to vector<16xf32>
      %swap3A_230 = arith.constant 0 : i32
      %swap3A_231 = arith.index_cast %swap3A_230 : i32 to index
      %swap3A_232 = arith.index_cast %scan3A_165 : i32 to index
      %swap3A_233 = arith.constant 112 : index
      %swap3A_234 = tpu.vector_load %arg6[%swap3A_231, %swap3A_232, %swap3A_233] {strides = array<i32>} : memref<3x125x128xf32, #tpu.memory_space<vmem>>, vector<1x1x16xf32>,
      %swap3A_235 = vector.shape_cast %swap3A_234 : vector<1x1x16xf32> to vector<16xf32>
      %swap3A_236 = vector.shape_cast %broadcast_in_dim3A_229 : vector<16xf32> to vector<1x1x16xf32>
      tpu.vector_store %arg6[%swap3A_231, %swap3A_232, %swap3A_233], %swap3A_236 {strides = array<i32>} : memref<3x125x128xf32, #tpu.memory_space<vmem>>, vector<1x1x16xf32>,
      %scan3A_237 = arith.constant 0 : i32
      scf.yield %scan3A_237 : i32
    }
    %scan3A_68 = arith.constant 125 : i32
    %scan3A_69 = arith.constant 0 : i32
    %scan3A_70 = arith.constant 0 : i32
    %scan3A_71 = arith.constant 5 : i32
    %scan3A_72 = arith.addi %scan3A_70, %scan3A_71 : i32
    %scan3A_73 = arith.constant 1 : i32
    %scan3A_74 = scf.for %scan3A_165 = %scan3A_70 to %scan3A_72 step %scan3A_73 iter_args(%scan3A_166 = %scan3A_69) -> (i32)  : i32 {
      %mul3A_167 = arith.constant 632 : i32
      %mul3A_168 = arith.muli %arg1, %mul3A_167 : i32
      %mul3A_169 = arith.constant 120 : i32
      %mul3A_170 = arith.muli %scan3A_165, %mul3A_169 : i32
      %add3A_171 = arith.addi %mul3A_168, %mul3A_170 : i32
      %run_scoped3A_172 = arith.constant 0 : i32
      "tpu.region"() ({
        %run_scoped3A_174 = tpu.sem_alloc : memref<!tpu.dma_semaphore, #tpu.memory_space<semaphore_mem>>
        %dma_start3A_175 = arith.constant 0 : i32
        %dma_start3A_176 = arith.constant 0 : i32
        %dma_start3A_177 = tpu.memref_slice %arg6[%run_scoped3A_172, %dma_start3A_175, %dma_start3A_176] : memref<3x125x128xf32, #tpu.memory_space<vmem>> -> memref<1x120x128xf32, #tpu.memory_space<vmem>>
        %dma_start3A_178 = tpu.memref_squeeze %dma_start3A_177 : memref<1x120x128xf32, #tpu.memory_space<vmem>> -> memref<120x128xf32, #tpu.memory_space<vmem>>
        %dma_start3A_179 = arith.constant 0 : i32
        %dma_start3A_180 = tpu.memref_slice %arg7[%add3A_171, %dma_start3A_179] : memref<10112x128xf32, #tpu.memory_space<vmem_shared>> -> memref<120x128xf32, #tpu.memory_space<vmem_shared>>
        %dma_start3A_181 = arith.constant 0 : i32
        %dma_start3A_182 = tpu.memref_slice %arg7[%add3A_171, %dma_start3A_181] : memref<10112x128xf32, #tpu.memory_space<vmem_shared>> -> memref<120x128xf32, #tpu.memory_space<vmem_shared>>
        %dma_start3A_183 = arith.constant 0 : i32
        %dma_start3A_184 = arith.constant 0 : i32
        %dma_start3A_185 = tpu.memref_slice %arg6[%run_scoped3A_172, %dma_start3A_183, %dma_start3A_184] : memref<3x125x128xf32, #tpu.memory_space<vmem>> -> memref<1x120x128xf32, #tpu.memory_space<vmem>>
        %dma_start3A_186 = tpu.memref_squeeze %dma_start3A_185 : memref<1x120x128xf32, #tpu.memory_space<vmem>> -> memref<120x128xf32, #tpu.memory_space<vmem>>
        tpu.enqueue_dma source(%dma_start3A_186 : memref<120x128xf32, #tpu.memory_space<vmem>>) target(%dma_start3A_182 : memref<120x128xf32, #tpu.memory_space<vmem_shared>>) target_semaphore(%run_scoped3A_174 : memref<!tpu.dma_semaphore, #tpu.memory_space<semaphore_mem>>)
        %dma_wait3A_187 = arith.constant 0 : i32
        %dma_wait3A_188 = arith.constant 0 : i32
        %dma_wait3A_189 = tpu.memref_slice %arg6[%run_scoped3A_172, %dma_wait3A_187, %dma_wait3A_188] : memref<3x125x128xf32, #tpu.memory_space<vmem>> -> memref<1x120x128xf32, #tpu.memory_space<vmem>>
        %dma_wait3A_190 = tpu.memref_squeeze %dma_wait3A_189 : memref<1x120x128xf32, #tpu.memory_space<vmem>> -> memref<120x128xf32, #tpu.memory_space<vmem>>
        %dma_wait3A_191 = arith.constant 0 : i32
        %dma_wait3A_192 = tpu.memref_slice %arg7[%add3A_171, %dma_wait3A_191] : memref<10112x128xf32, #tpu.memory_space<vmem_shared>> -> memref<120x128xf32, #tpu.memory_space<vmem_shared>>
        %dma_wait3A_193 = arith.constant 0 : i32
        %dma_wait3A_194 = tpu.memref_slice %arg7[%add3A_171, %dma_wait3A_193] : memref<10112x128xf32, #tpu.memory_space<vmem_shared>> -> memref<120x128xf32, #tpu.memory_space<vmem_shared>>
        %dma_wait3A_195 = arith.constant 0 : i32
        %dma_wait3A_196 = arith.constant 0 : i32
        %dma_wait3A_197 = tpu.memref_slice %arg6[%run_scoped3A_172, %dma_wait3A_195, %dma_wait3A_196] : memref<3x125x128xf32, #tpu.memory_space<vmem>> -> memref<1x120x128xf32, #tpu.memory_space<vmem>>
        %dma_wait3A_198 = tpu.memref_squeeze %dma_wait3A_197 : memref<1x120x128xf32, #tpu.memory_space<vmem>> -> memref<120x128xf32, #tpu.memory_space<vmem>>
        tpu.wait_dma2 semaphore(%run_scoped3A_174 : memref<!tpu.dma_semaphore, #tpu.memory_space<semaphore_mem>>) src(%dma_wait3A_198 : memref<120x128xf32, #tpu.memory_space<vmem>>) dst(%dma_wait3A_194 : memref<120x128xf32, #tpu.memory_space<vmem_shared>>)
        tpu.yield
      }) : () -> ()
      %scan3A_173 = arith.constant 0 : i32
      scf.yield %scan3A_173 : i32
    }
    %scan3A_75 = arith.constant 5 : i32
    %mul3A_76 = arith.constant 632 : i32
    %mul3A_77 = arith.muli %arg1, %mul3A_76 : i32
    %add3A_78 = arith.constant 600 : i32
    %add3A_79 = arith.addi %mul3A_77, %add3A_78 : i32
    %run_scoped3A = arith.constant 0 : i32
    "tpu.region"() ({
      %run_scoped3A_165 = tpu.sem_alloc : memref<!tpu.dma_semaphore, #tpu.memory_space<semaphore_mem>>
      %dma_start3A_166 = arith.constant 0 : i32
      %dma_start3A_167 = arith.constant 0 : i32
      %dma_start3A_168 = tpu.memref_slice %arg6[%run_scoped3A, %dma_start3A_166, %dma_start3A_167] : memref<3x125x128xf32, #tpu.memory_space<vmem>> -> memref<1x32x128xf32, #tpu.memory_space<vmem>>
      %dma_start3A_169 = tpu.memref_squeeze %dma_start3A_168 : memref<1x32x128xf32, #tpu.memory_space<vmem>> -> memref<32x128xf32, #tpu.memory_space<vmem>>
      %dma_start3A_170 = arith.constant 0 : i32
      %dma_start3A_171 = tpu.memref_slice %arg7[%add3A_79, %dma_start3A_170] : memref<10112x128xf32, #tpu.memory_space<vmem_shared>> -> memref<32x128xf32, #tpu.memory_space<vmem_shared>>
      %dma_start3A_172 = arith.constant 0 : i32
      %dma_start3A_173 = tpu.memref_slice %arg7[%add3A_79, %dma_start3A_172] : memref<10112x128xf32, #tpu.memory_space<vmem_shared>> -> memref<32x128xf32, #tpu.memory_space<vmem_shared>>
      %dma_start3A_174 = arith.constant 0 : i32
      %dma_start3A_175 = arith.constant 0 : i32
      %dma_start3A_176 = tpu.memref_slice %arg6[%run_scoped3A, %dma_start3A_174, %dma_start3A_175] : memref<3x125x128xf32, #tpu.memory_space<vmem>> -> memref<1x32x128xf32, #tpu.memory_space<vmem>>
      %dma_start3A_177 = tpu.memref_squeeze %dma_start3A_176 : memref<1x32x128xf32, #tpu.memory_space<vmem>> -> memref<32x128xf32, #tpu.memory_space<vmem>>
      tpu.enqueue_dma source(%dma_start3A_177 : memref<32x128xf32, #tpu.memory_space<vmem>>) target(%dma_start3A_173 : memref<32x128xf32, #tpu.memory_space<vmem_shared>>) target_semaphore(%run_scoped3A_165 : memref<!tpu.dma_semaphore, #tpu.memory_space<semaphore_mem>>)
      %dma_wait3A_178 = arith.constant 0 : i32
      %dma_wait3A_179 = arith.constant 0 : i32
      %dma_wait3A_180 = tpu.memref_slice %arg6[%run_scoped3A, %dma_wait3A_178, %dma_wait3A_179] : memref<3x125x128xf32, #tpu.memory_space<vmem>> -> memref<1x32x128xf32, #tpu.memory_space<vmem>>
      %dma_wait3A_181 = tpu.memref_squeeze %dma_wait3A_180 : memref<1x32x128xf32, #tpu.memory_space<vmem>> -> memref<32x128xf32, #tpu.memory_space<vmem>>
      %dma_wait3A_182 = arith.constant 0 : i32
      %dma_wait3A_183 = tpu.memref_slice %arg7[%add3A_79, %dma_wait3A_182] : memref<10112x128xf32, #tpu.memory_space<vmem_shared>> -> memref<32x128xf32, #tpu.memory_space<vmem_shared>>
      %dma_wait3A_184 = arith.constant 0 : i32
      %dma_wait3A_185 = tpu.memref_slice %arg7[%add3A_79, %dma_wait3A_184] : memref<10112x128xf32, #tpu.memory_space<vmem_shared>> -> memref<32x128xf32, #tpu.memory_space<vmem_shared>>
      %dma_wait3A_186 = arith.constant 0 : i32
      %dma_wait3A_187 = arith.constant 0 : i32
      %dma_wait3A_188 = tpu.memref_slice %arg6[%run_scoped3A, %dma_wait3A_186, %dma_wait3A_187] : memref<3x125x128xf32, #tpu.memory_space<vmem>> -> memref<1x32x128xf32, #tpu.memory_space<vmem>>
      %dma_wait3A_189 = tpu.memref_squeeze %dma_wait3A_188 : memref<1x32x128xf32, #tpu.memory_space<vmem>> -> memref<32x128xf32, #tpu.memory_space<vmem>>
      tpu.wait_dma2 semaphore(%run_scoped3A_165 : memref<!tpu.dma_semaphore, #tpu.memory_space<semaphore_mem>>) src(%dma_wait3A_189 : memref<32x128xf32, #tpu.memory_space<vmem>>) dst(%dma_wait3A_185 : memref<32x128xf32, #tpu.memory_space<vmem_shared>>)
      tpu.yield
    }) : () -> ()
    %dma_wait3A = arith.constant 0 : i32
    %dma_wait3A_80 = arith.constant 0 : i32
    %dma_wait3A_81 = arith.constant 0 : i32
    %dma_wait3A_82 = arith.constant 0 : i32
    %dma_wait3A_83 = arith.constant 0 : i32
    %dma_wait3A_84 = tpu.memref_slice %arg5[%dma_wait3A_80, %dma_wait3A_82, %dma_wait3A_83] : memref<4x2x125xi32, #tpu.memory_space<vmem>> -> memref<1x2x125xi32, #tpu.memory_space<vmem>>
    %dma_wait3A_85 = tpu.memref_squeeze %dma_wait3A_84 : memref<1x2x125xi32, #tpu.memory_space<vmem>> -> memref<2x125xi32, #tpu.memory_space<vmem>>
    %dma_wait3A_86 = arith.constant 0 : i32
    %dma_wait3A_87 = arith.constant 0 : i32
    %dma_wait3A_88 = tpu.memref_slice %arg3[%add3A, %dma_wait3A, %dma_wait3A_86, %dma_wait3A_87] : memref<32x80x2x125xi32, #tpu.memory_space<hbm>> -> memref<1x1x2x125xi32, #tpu.memory_space<hbm>>
    %dma_wait3A_89 = tpu.memref_squeeze %dma_wait3A_88 : memref<1x1x2x125xi32, #tpu.memory_space<hbm>> -> memref<2x125xi32, #tpu.memory_space<hbm>>
    %dma_wait3A_90 = tpu.memref_slice %arg9[%dma_wait3A_81] : memref<4x!tpu.dma_semaphore, #tpu.memory_space<semaphore_mem>> -> memref<1x!tpu.dma_semaphore, #tpu.memory_space<semaphore_mem>>
    %dma_wait3A_91 = tpu.memref_squeeze %dma_wait3A_90 : memref<1x!tpu.dma_semaphore, #tpu.memory_space<semaphore_mem>> -> memref<!tpu.dma_semaphore, #tpu.memory_space<semaphore_mem>>
    %dma_wait3A_92 = arith.constant 0 : i32
    %dma_wait3A_93 = arith.constant 0 : i32
    %dma_wait3A_94 = tpu.memref_slice %arg5[%dma_wait3A_80, %dma_wait3A_92, %dma_wait3A_93] : memref<4x2x125xi32, #tpu.memory_space<vmem>> -> memref<1x2x125xi32, #tpu.memory_space<vmem>>
    %dma_wait3A_95 = tpu.memref_squeeze %dma_wait3A_94 : memref<1x2x125xi32, #tpu.memory_space<vmem>> -> memref<2x125xi32, #tpu.memory_space<vmem>>
    %dma_wait3A_96 = arith.constant 0 : i32
    %dma_wait3A_97 = arith.constant 0 : i32
    %dma_wait3A_98 = tpu.memref_slice %arg3[%add3A, %dma_wait3A, %dma_wait3A_96, %dma_wait3A_97] : memref<32x80x2x125xi32, #tpu.memory_space<hbm>> -> memref<1x1x2x125xi32, #tpu.memory_space<hbm>>
    %dma_wait3A_99 = tpu.memref_squeeze %dma_wait3A_98 : memref<1x1x2x125xi32, #tpu.memory_space<hbm>> -> memref<2x125xi32, #tpu.memory_space<hbm>>
    tpu.wait_dma2 semaphore(%dma_wait3A_91 : memref<!tpu.dma_semaphore, #tpu.memory_space<semaphore_mem>>) src(%dma_wait3A_99 : memref<2x125xi32, #tpu.memory_space<hbm>>) dst(%dma_wait3A_95 : memref<2x125xi32, #tpu.memory_space<vmem>>)
    %dma_start3A_100 = arith.constant 0 : i32
    %dma_start3A_101 = arith.constant 0 : i32
    %dma_start3A_102 = arith.constant 0 : i32
    %dma_start3A_103 = arith.constant 0 : i32
    %dma_start3A_104 = arith.constant 0 : i32
    %dma_start3A_105 = arith.constant 0 : i32
    %dma_start3A_106 = tpu.memref_slice %arg6[%dma_start3A_102, %dma_start3A_104, %dma_start3A_105] : memref<3x125x128xf32, #tpu.memory_space<vmem>> -> memref<1x125x128xf32, #tpu.memory_space<vmem>>
    %dma_start3A_107 = tpu.memref_squeeze %dma_start3A_106 : memref<1x125x128xf32, #tpu.memory_space<vmem>> -> memref<125x128xf32, #tpu.memory_space<vmem>>
    %dma_start3A_108 = arith.constant 0 : i32
    %dma_start3A_109 = tpu.memref_slice %arg5[%dma_start3A_100, %dma_start3A_101, %dma_start3A_108] : memref<4x2x125xi32, #tpu.memory_space<vmem>> -> memref<1x1x125xi32, #tpu.memory_space<vmem>>
    %dma_start3A_110 = tpu.memref_squeeze %dma_start3A_109 : memref<1x1x125xi32, #tpu.memory_space<vmem>> -> memref<125xi32, #tpu.memory_space<vmem>>
    %dma_start3A_111 = arith.constant 0 : i32
    %dma_start3A_112 = arith.constant 0 : i32
    %dma_start3A_113 = tpu.memref_slice %arg2[%dma_start3A_111, %dma_start3A_112] : memref<10000x128xf32, #tpu.memory_space<hbm>> -> memref<10000x128xf32, #tpu.memory_space<hbm>>
    %dma_start3A_114 = tpu.memref_slice %arg8[%dma_start3A_103] : memref<3x!tpu.dma_semaphore, #tpu.memory_space<semaphore_mem>> -> memref<1x!tpu.dma_semaphore, #tpu.memory_space<semaphore_mem>>
    %dma_start3A_115 = tpu.memref_squeeze %dma_start3A_114 : memref<1x!tpu.dma_semaphore, #tpu.memory_space<semaphore_mem>> -> memref<!tpu.dma_semaphore, #tpu.memory_space<semaphore_mem>>
    tpu.enqueue_indirect_dma source(%dma_start3A_113 : memref<10000x128xf32, #tpu.memory_space<hbm>>) target(%dma_start3A_107 : memref<125x128xf32, #tpu.memory_space<vmem>>) offsets(%dma_start3A_110 : memref<125xi32, #tpu.memory_space<vmem>>) semaphore(%dma_start3A_115 : memref<!tpu.dma_semaphore, #tpu.memory_space<semaphore_mem>>)
    %dma_wait3A_116 = arith.constant 1 : i32
    %dma_wait3A_117 = arith.constant 1 : i32
    %dma_wait3A_118 = arith.constant 1 : i32
    %dma_wait3A_119 = arith.constant 0 : i32
    %dma_wait3A_120 = arith.constant 0 : i32
    %dma_wait3A_121 = tpu.memref_slice %arg5[%dma_wait3A_117, %dma_wait3A_119, %dma_wait3A_120] : memref<4x2x125xi32, #tpu.memory_space<vmem>> -> memref<1x2x125xi32, #tpu.memory_space<vmem>>
    %dma_wait3A_122 = tpu.memref_squeeze %dma_wait3A_121 : memref<1x2x125xi32, #tpu.memory_space<vmem>> -> memref<2x125xi32, #tpu.memory_space<vmem>>
    %dma_wait3A_123 = arith.constant 0 : i32
    %dma_wait3A_124 = arith.constant 0 : i32
    %dma_wait3A_125 = tpu.memref_slice %arg3[%add3A, %dma_wait3A_116, %dma_wait3A_123, %dma_wait3A_124] : memref<32x80x2x125xi32, #tpu.memory_space<hbm>> -> memref<1x1x2x125xi32, #tpu.memory_space<hbm>>
    %dma_wait3A_126 = tpu.memref_squeeze %dma_wait3A_125 : memref<1x1x2x125xi32, #tpu.memory_space<hbm>> -> memref<2x125xi32, #tpu.memory_space<hbm>>
    %dma_wait3A_127 = tpu.memref_slice %arg9[%dma_wait3A_118] : memref<4x!tpu.dma_semaphore, #tpu.memory_space<semaphore_mem>> -> memref<1x!tpu.dma_semaphore, #tpu.memory_space<semaphore_mem>>
    %dma_wait3A_128 = tpu.memref_squeeze %dma_wait3A_127 : memref<1x!tpu.dma_semaphore, #tpu.memory_space<semaphore_mem>> -> memref<!tpu.dma_semaphore, #tpu.memory_space<semaphore_mem>>
    %dma_wait3A_129 = arith.constant 0 : i32
    %dma_wait3A_130 = arith.constant 0 : i32
    %dma_wait3A_131 = tpu.memref_slice %arg5[%dma_wait3A_117, %dma_wait3A_129, %dma_wait3A_130] : memref<4x2x125xi32, #tpu.memory_space<vmem>> -> memref<1x2x125xi32, #tpu.memory_space<vmem>>
    %dma_wait3A_132 = tpu.memref_squeeze %dma_wait3A_131 : memref<1x2x125xi32, #tpu.memory_space<vmem>> -> memref<2x125xi32, #tpu.memory_space<vmem>>
    %dma_wait3A_133 = arith.constant 0 : i32
    %dma_wait3A_134 = arith.constant 0 : i32
    %dma_wait3A_135 = tpu.memref_slice %arg3[%add3A, %dma_wait3A_116, %dma_wait3A_133, %dma_wait3A_134] : memref<32x80x2x125xi32, #tpu.memory_space<hbm>> -> memref<1x1x2x125xi32, #tpu.memory_space<hbm>>
    %dma_wait3A_136 = tpu.memref_squeeze %dma_wait3A_135 : memref<1x1x2x125xi32, #tpu.memory_space<hbm>> -> memref<2x125xi32, #tpu.memory_space<hbm>>
    tpu.wait_dma2 semaphore(%dma_wait3A_128 : memref<!tpu.dma_semaphore, #tpu.memory_space<semaphore_mem>>) src(%dma_wait3A_136 : memref<2x125xi32, #tpu.memory_space<hbm>>) dst(%dma_wait3A_132 : memref<2x125xi32, #tpu.memory_space<vmem>>)
    %dma_start3A_137 = arith.constant 1 : i32
    %dma_start3A_138 = arith.constant 0 : i32
    %dma_start3A_139 = arith.constant 1 : i32
    %dma_start3A_140 = arith.constant 1 : i32
    %dma_start3A_141 = arith.constant 0 : i32
    %dma_start3A_142 = arith.constant 0 : i32
    %dma_start3A_143 = tpu.memref_slice %arg6[%dma_start3A_139, %dma_start3A_141, %dma_start3A_142] : memref<3x125x128xf32, #tpu.memory_space<vmem>> -> memref<1x125x128xf32, #tpu.memory_space<vmem>>
    %dma_start3A_144 = tpu.memref_squeeze %dma_start3A_143 : memref<1x125x128xf32, #tpu.memory_space<vmem>> -> memref<125x128xf32, #tpu.memory_space<vmem>>
    %dma_start3A_145 = arith.constant 0 : i32
    %dma_start3A_146 = tpu.memref_slice %arg5[%dma_start3A_137, %dma_start3A_138, %dma_start3A_145] : memref<4x2x125xi32, #tpu.memory_space<vmem>> -> memref<1x1x125xi32, #tpu.memory_space<vmem>>
    %dma_start3A_147 = tpu.memref_squeeze %dma_start3A_146 : memref<1x1x125xi32, #tpu.memory_space<vmem>> -> memref<125xi32, #tpu.memory_space<vmem>>
    %dma_start3A_148 = arith.constant 0 : i32
    %dma_start3A_149 = arith.constant 0 : i32
    %dma_start3A_150 = tpu.memref_slice %arg2[%dma_start3A_148, %dma_start3A_149] : memref<10000x128xf32, #tpu.memory_space<hbm>> -> memref<10000x128xf32, #tpu.memory_space<hbm>>
    %dma_start3A_151 = tpu.memref_slice %arg8[%dma_start3A_140] : memref<3x!tpu.dma_semaphore, #tpu.memory_space<semaphore_mem>> -> memref<1x!tpu.dma_semaphore, #tpu.memory_space<semaphore_mem>>
    %dma_start3A_152 = tpu.memref_squeeze %dma_start3A_151 : memref<1x!tpu.dma_semaphore, #tpu.memory_space<semaphore_mem>> -> memref<!tpu.dma_semaphore, #tpu.memory_space<semaphore_mem>>
    tpu.enqueue_indirect_dma source(%dma_start3A_150 : memref<10000x128xf32, #tpu.memory_space<hbm>>) target(%dma_start3A_144 : memref<125x128xf32, #tpu.memory_space<vmem>>) offsets(%dma_start3A_147 : memref<125xi32, #tpu.memory_space<vmem>>) semaphore(%dma_start3A_152 : memref<!tpu.dma_semaphore, #tpu.memory_space<semaphore_mem>>)
    %barrier3A = arith.constant 0 : index
    tpu.barrier barrier_id(%barrier3A)
    %scan3A_153 = arith.constant 0 : i32
    %scan3A_154 = arith.constant 0 : i32
    %scan3A_155 = arith.constant 80 : i32
    %scan3A_156 = arith.addi %scan3A_154, %scan3A_155 : i32
    %scan3A_157 = arith.constant 1 : i32
    %scan3A_158 = scf.for %scan3A_165 = %scan3A_154 to %scan3A_156 step %scan3A_157 iter_args(%scan3A_166 = %scan3A_153) -> (i32)  : i32 {
      %rem3A = arith.constant 3 : i32
      %rem3A_167 = arith.remsi %scan3A_165, %rem3A : i32
      %rem3A_168 = arith.constant 4 : i32
      %rem3A_169 = arith.remsi %scan3A_165, %rem3A_168 : i32
      %add3A_170 = arith.constant 2 : i32
      %add3A_171 = arith.addi %scan3A_165, %add3A_170 : i32
      %rem3A_172 = arith.constant 4 : i32
      %rem3A_173 = arith.remsi %add3A_171, %rem3A_172 : i32
      %add3A_174 = arith.constant 3 : i32
      %add3A_175 = arith.addi %scan3A_165, %add3A_174 : i32
      %rem3A_176 = arith.constant 4 : i32
      %rem3A_177 = arith.remsi %add3A_175, %rem3A_176 : i32
      %add3A_178 = arith.constant 3 : i32
      %add3A_179 = arith.addi %scan3A_165, %add3A_178 : i32
      %lt3A = arith.constant 80 : i32
      %lt3A_180 = arith.cmpi slt, %add3A_179, %lt3A : i32
      %convert_element_type3A = arith.extui %lt3A_180 : i1 to i32
      %cond3A = arith.constant 0 : i32
      %cond3A_181 = arith.cmpi ne, %convert_element_type3A, %cond3A : i32
      scf.if %cond3A_181 {
        %add3A_205 = arith.constant 3 : i32
        %add3A_206 = arith.addi %scan3A_165, %add3A_205 : i32
        %dma_start3A_207 = arith.constant 0 : i32
        %dma_start3A_208 = arith.constant 0 : i32
        %dma_start3A_209 = tpu.memref_slice %arg5[%rem3A_177, %dma_start3A_207, %dma_start3A_208] : memref<4x2x125xi32, #tpu.memory_space<vmem>> -> memref<1x2x125xi32, #tpu.memory_space<vmem>>
        %dma_start3A_210 = tpu.memref_squeeze %dma_start3A_209 : memref<1x2x125xi32, #tpu.memory_space<vmem>> -> memref<2x125xi32, #tpu.memory_space<vmem>>
        %dma_start3A_211 = arith.constant 0 : i32
        %dma_start3A_212 = arith.constant 0 : i32
        %dma_start3A_213 = tpu.memref_slice %arg3[%add3A, %add3A_206, %dma_start3A_211, %dma_start3A_212] : memref<32x80x2x125xi32, #tpu.memory_space<hbm>> -> memref<1x1x2x125xi32, #tpu.memory_space<hbm>>
        %dma_start3A_214 = tpu.memref_squeeze %dma_start3A_213 : memref<1x1x2x125xi32, #tpu.memory_space<hbm>> -> memref<2x125xi32, #tpu.memory_space<hbm>>
        %dma_start3A_215 = tpu.memref_slice %arg9[%rem3A_177] : memref<4x!tpu.dma_semaphore, #tpu.memory_space<semaphore_mem>> -> memref<1x!tpu.dma_semaphore, #tpu.memory_space<semaphore_mem>>
        %dma_start3A_216 = tpu.memref_squeeze %dma_start3A_215 : memref<1x!tpu.dma_semaphore, #tpu.memory_space<semaphore_mem>> -> memref<!tpu.dma_semaphore, #tpu.memory_space<semaphore_mem>>
        %dma_start3A_217 = arith.constant 0 : i32
        %dma_start3A_218 = arith.constant 0 : i32
        %dma_start3A_219 = tpu.memref_slice %arg5[%rem3A_177, %dma_start3A_217, %dma_start3A_218] : memref<4x2x125xi32, #tpu.memory_space<vmem>> -> memref<1x2x125xi32, #tpu.memory_space<vmem>>
        %dma_start3A_220 = tpu.memref_squeeze %dma_start3A_219 : memref<1x2x125xi32, #tpu.memory_space<vmem>> -> memref<2x125xi32, #tpu.memory_space<vmem>>
        %dma_start3A_221 = arith.constant 0 : i32
        %dma_start3A_222 = arith.constant 0 : i32
        %dma_start3A_223 = tpu.memref_slice %arg3[%add3A, %add3A_206, %dma_start3A_221, %dma_start3A_222] : memref<32x80x2x125xi32, #tpu.memory_space<hbm>> -> memref<1x1x2x125xi32, #tpu.memory_space<hbm>>
        %dma_start3A_224 = tpu.memref_squeeze %dma_start3A_223 : memref<1x1x2x125xi32, #tpu.memory_space<hbm>> -> memref<2x125xi32, #tpu.memory_space<hbm>>
        tpu.enqueue_dma source(%dma_start3A_224 : memref<2x125xi32, #tpu.memory_space<hbm>>) target(%dma_start3A_220 : memref<2x125xi32, #tpu.memory_space<vmem>>) target_semaphore(%dma_start3A_216 : memref<!tpu.dma_semaphore, #tpu.memory_space<semaphore_mem>>)
      } else {
      }
      %add3A_182 = arith.constant 2 : i32
      %add3A_183 = arith.addi %scan3A_165, %add3A_182 : i32
      %lt3A_184 = arith.constant 80 : i32
      %lt3A_185 = arith.cmpi slt, %add3A_183, %lt3A_184 : i32
      %convert_element_type3A_186 = arith.extui %lt3A_185 : i1 to i32
      %cond3A_187 = arith.constant 0 : i32
      %cond3A_188 = arith.cmpi ne, %convert_element_type3A_186, %cond3A_187 : i32
      scf.if %cond3A_188 {
        %add3A_205 = arith.constant 2 : i32
        %add3A_206 = arith.addi %scan3A_165, %add3A_205 : i32
        %dma_wait3A_207 = arith.constant 0 : i32
        %dma_wait3A_208 = arith.constant 0 : i32
        %dma_wait3A_209 = tpu.memref_slice %arg5[%rem3A_173, %dma_wait3A_207, %dma_wait3A_208] : memref<4x2x125xi32, #tpu.memory_space<vmem>> -> memref<1x2x125xi32, #tpu.memory_space<vmem>>
        %dma_wait3A_210 = tpu.memref_squeeze %dma_wait3A_209 : memref<1x2x125xi32, #tpu.memory_space<vmem>> -> memref<2x125xi32, #tpu.memory_space<vmem>>
        %dma_wait3A_211 = arith.constant 0 : i32
        %dma_wait3A_212 = arith.constant 0 : i32
        %dma_wait3A_213 = tpu.memref_slice %arg3[%add3A, %add3A_206, %dma_wait3A_211, %dma_wait3A_212] : memref<32x80x2x125xi32, #tpu.memory_space<hbm>> -> memref<1x1x2x125xi32, #tpu.memory_space<hbm>>
        %dma_wait3A_214 = tpu.memref_squeeze %dma_wait3A_213 : memref<1x1x2x125xi32, #tpu.memory_space<hbm>> -> memref<2x125xi32, #tpu.memory_space<hbm>>
        %dma_wait3A_215 = tpu.memref_slice %arg9[%rem3A_173] : memref<4x!tpu.dma_semaphore, #tpu.memory_space<semaphore_mem>> -> memref<1x!tpu.dma_semaphore, #tpu.memory_space<semaphore_mem>>
        %dma_wait3A_216 = tpu.memref_squeeze %dma_wait3A_215 : memref<1x!tpu.dma_semaphore, #tpu.memory_space<semaphore_mem>> -> memref<!tpu.dma_semaphore, #tpu.memory_space<semaphore_mem>>
        %dma_wait3A_217 = arith.constant 0 : i32
        %dma_wait3A_218 = arith.constant 0 : i32
        %dma_wait3A_219 = tpu.memref_slice %arg5[%rem3A_173, %dma_wait3A_217, %dma_wait3A_218] : memref<4x2x125xi32, #tpu.memory_space<vmem>> -> memref<1x2x125xi32, #tpu.memory_space<vmem>>
        %dma_wait3A_220 = tpu.memref_squeeze %dma_wait3A_219 : memref<1x2x125xi32, #tpu.memory_space<vmem>> -> memref<2x125xi32, #tpu.memory_space<vmem>>
        %dma_wait3A_221 = arith.constant 0 : i32
        %dma_wait3A_222 = arith.constant 0 : i32
        %dma_wait3A_223 = tpu.memref_slice %arg3[%add3A, %add3A_206, %dma_wait3A_221, %dma_wait3A_222] : memref<32x80x2x125xi32, #tpu.memory_space<hbm>> -> memref<1x1x2x125xi32, #tpu.memory_space<hbm>>
        %dma_wait3A_224 = tpu.memref_squeeze %dma_wait3A_223 : memref<1x1x2x125xi32, #tpu.memory_space<hbm>> -> memref<2x125xi32, #tpu.memory_space<hbm>>
        tpu.wait_dma2 semaphore(%dma_wait3A_216 : memref<!tpu.dma_semaphore, #tpu.memory_space<semaphore_mem>>) src(%dma_wait3A_224 : memref<2x125xi32, #tpu.memory_space<hbm>>) dst(%dma_wait3A_220 : memref<2x125xi32, #tpu.memory_space<vmem>>)
        %add3A_225 = arith.constant 2 : i32
        %add3A_226 = arith.addi %scan3A_165, %add3A_225 : i32
        %rem3A_227 = arith.constant 3 : i32
        %rem3A_228 = arith.remsi %add3A_226, %rem3A_227 : i32
        %add3A_229 = arith.constant 2 : i32
        %add3A_230 = arith.addi %scan3A_165, %add3A_229 : i32
        %rem3A_231 = arith.constant 3 : i32
        %rem3A_232 = arith.remsi %add3A_230, %rem3A_231 : i32
        %dma_start3A_233 = arith.constant 0 : i32
        %dma_start3A_234 = arith.constant 0 : i32
        %dma_start3A_235 = arith.constant 0 : i32
        %dma_start3A_236 = tpu.memref_slice %arg6[%rem3A_228, %dma_start3A_234, %dma_start3A_235] : memref<3x125x128xf32, #tpu.memory_space<vmem>> -> memref<1x125x128xf32, #tpu.memory_space<vmem>>
        %dma_start3A_237 = tpu.memref_squeeze %dma_start3A_236 : memref<1x125x128xf32, #tpu.memory_space<vmem>> -> memref<125x128xf32, #tpu.memory_space<vmem>>
        %dma_start3A_238 = arith.constant 0 : i32
        %dma_start3A_239 = tpu.memref_slice %arg5[%rem3A_173, %dma_start3A_233, %dma_start3A_238] : memref<4x2x125xi32, #tpu.memory_space<vmem>> -> memref<1x1x125xi32, #tpu.memory_space<vmem>>
        %dma_start3A_240 = tpu.memref_squeeze %dma_start3A_239 : memref<1x1x125xi32, #tpu.memory_space<vmem>> -> memref<125xi32, #tpu.memory_space<vmem>>
        %dma_start3A_241 = arith.constant 0 : i32
        %dma_start3A_242 = arith.constant 0 : i32
        %dma_start3A_243 = tpu.memref_slice %arg2[%dma_start3A_241, %dma_start3A_242] : memref<10000x128xf32, #tpu.memory_space<hbm>> -> memref<10000x128xf32, #tpu.memory_space<hbm>>
        %dma_start3A_244 = tpu.memref_slice %arg8[%rem3A_232] : memref<3x!tpu.dma_semaphore, #tpu.memory_space<semaphore_mem>> -> memref<1x!tpu.dma_semaphore, #tpu.memory_space<semaphore_mem>>
        %dma_start3A_245 = tpu.memref_squeeze %dma_start3A_244 : memref<1x!tpu.dma_semaphore, #tpu.memory_space<semaphore_mem>> -> memref<!tpu.dma_semaphore, #tpu.memory_space<semaphore_mem>>
        tpu.enqueue_indirect_dma source(%dma_start3A_243 : memref<10000x128xf32, #tpu.memory_space<hbm>>) target(%dma_start3A_237 : memref<125x128xf32, #tpu.memory_space<vmem>>) offsets(%dma_start3A_240 : memref<125xi32, #tpu.memory_space<vmem>>) semaphore(%dma_start3A_245 : memref<!tpu.dma_semaphore, #tpu.memory_space<semaphore_mem>>)
      } else {
      }
      %dma_wait3A_189 = arith.constant 0 : i32
      %dma_wait3A_190 = arith.constant 0 : i32
      %dma_wait3A_191 = arith.constant 0 : i32
      %dma_wait3A_192 = tpu.memref_slice %arg6[%rem3A_167, %dma_wait3A_190, %dma_wait3A_191] : memref<3x125x128xf32, #tpu.memory_space<vmem>> -> memref<1x125x128xf32, #tpu.memory_space<vmem>>
      %dma_wait3A_193 = tpu.memref_squeeze %dma_wait3A_192 : memref<1x125x128xf32, #tpu.memory_space<vmem>> -> memref<125x128xf32, #tpu.memory_space<vmem>>
      %dma_wait3A_194 = arith.constant 0 : i32
      %dma_wait3A_195 = tpu.memref_slice %arg5[%rem3A_169, %dma_wait3A_189, %dma_wait3A_194] : memref<4x2x125xi32, #tpu.memory_space<vmem>> -> memref<1x1x125xi32, #tpu.memory_space<vmem>>
      %dma_wait3A_196 = tpu.memref_squeeze %dma_wait3A_195 : memref<1x1x125xi32, #tpu.memory_space<vmem>> -> memref<125xi32, #tpu.memory_space<vmem>>
      %dma_wait3A_197 = arith.constant 0 : i32
      %dma_wait3A_198 = arith.constant 0 : i32
      %dma_wait3A_199 = tpu.memref_slice %arg2[%dma_wait3A_197, %dma_wait3A_198] : memref<10000x128xf32, #tpu.memory_space<hbm>> -> memref<10000x128xf32, #tpu.memory_space<hbm>>
      %dma_wait3A_200 = tpu.memref_slice %arg8[%rem3A_167] : memref<3x!tpu.dma_semaphore, #tpu.memory_space<semaphore_mem>> -> memref<1x!tpu.dma_semaphore, #tpu.memory_space<semaphore_mem>>
      %dma_wait3A_201 = tpu.memref_squeeze %dma_wait3A_200 : memref<1x!tpu.dma_semaphore, #tpu.memory_space<semaphore_mem>> -> memref<!tpu.dma_semaphore, #tpu.memory_space<semaphore_mem>>
      tpu.wait_indirect_dma semaphore(%dma_wait3A_201 : memref<!tpu.dma_semaphore, #tpu.memory_space<semaphore_mem>>) src(%dma_wait3A_199 : memref<10000x128xf32, #tpu.memory_space<hbm>>) dst(%dma_wait3A_193 : memref<125x128xf32, #tpu.memory_space<vmem>>)
      %mul3A_202 = arith.constant 632 : i32
      %mul3A_203 = arith.muli %arg1, %mul3A_202 : i32
      "tpu.region"() ({
        %run_scoped3A_205 = tpu.sem_alloc : memref<!tpu.dma_semaphore, #tpu.memory_space<semaphore_mem>>
        %dma_start3A_206 = arith.constant 0 : i32
        %dma_start3A_207 = arith.constant 0 : i32
        %dma_start3A_208 = tpu.memref_slice %arg6[%rem3A_167, %dma_start3A_206, %dma_start3A_207] : memref<3x125x128xf32, #tpu.memory_space<vmem>> -> memref<1x125x128xf32, #tpu.memory_space<vmem>>
        %dma_start3A_209 = tpu.memref_squeeze %dma_start3A_208 : memref<1x125x128xf32, #tpu.memory_space<vmem>> -> memref<125x128xf32, #tpu.memory_space<vmem>>
        %dma_start3A_210 = arith.constant 0 : i32
        %dma_start3A_211 = tpu.memref_slice %arg7[%mul3A_203, %dma_start3A_210] : memref<10112x128xf32, #tpu.memory_space<vmem_shared>> -> memref<125x128xf32, #tpu.memory_space<vmem_shared>>
        %dma_start3A_212 = arith.constant 0 : i32
        %dma_start3A_213 = tpu.memref_slice %arg7[%mul3A_203, %dma_start3A_212] : memref<10112x128xf32, #tpu.memory_space<vmem_shared>> -> memref<125x128xf32, #tpu.memory_space<vmem_shared>>
        %dma_start3A_214 = arith.constant 0 : i32
        %dma_start3A_215 = arith.constant 0 : i32
        %dma_start3A_216 = tpu.memref_slice %arg6[%rem3A_167, %dma_start3A_214, %dma_start3A_215] : memref<3x125x128xf32, #tpu.memory_space<vmem>> -> memref<1x125x128xf32, #tpu.memory_space<vmem>>
        %dma_start3A_217 = tpu.memref_squeeze %dma_start3A_216 : memref<1x125x128xf32, #tpu.memory_space<vmem>> -> memref<125x128xf32, #tpu.memory_space<vmem>>
        tpu.enqueue_dma source(%dma_start3A_217 : memref<125x128xf32, #tpu.memory_space<vmem>>) target(%dma_start3A_213 : memref<125x128xf32, #tpu.memory_space<vmem_shared>>) target_semaphore(%run_scoped3A_205 : memref<!tpu.dma_semaphore, #tpu.memory_space<semaphore_mem>>)
        %dma_wait3A_218 = arith.constant 0 : i32
        %dma_wait3A_219 = arith.constant 0 : i32
        %dma_wait3A_220 = tpu.memref_slice %arg6[%rem3A_167, %dma_wait3A_218, %dma_wait3A_219] : memref<3x125x128xf32, #tpu.memory_space<vmem>> -> memref<1x125x128xf32, #tpu.memory_space<vmem>>
        %dma_wait3A_221 = tpu.memref_squeeze %dma_wait3A_220 : memref<1x125x128xf32, #tpu.memory_space<vmem>> -> memref<125x128xf32, #tpu.memory_space<vmem>>
        %dma_wait3A_222 = arith.constant 0 : i32
        %dma_wait3A_223 = tpu.memref_slice %arg7[%mul3A_203, %dma_wait3A_222] : memref<10112x128xf32, #tpu.memory_space<vmem_shared>> -> memref<125x128xf32, #tpu.memory_space<vmem_shared>>
        %dma_wait3A_224 = arith.constant 0 : i32
        %dma_wait3A_225 = tpu.memref_slice %arg7[%mul3A_203, %dma_wait3A_224] : memref<10112x128xf32, #tpu.memory_space<vmem_shared>> -> memref<125x128xf32, #tpu.memory_space<vmem_shared>>
        %dma_wait3A_226 = arith.constant 0 : i32
        %dma_wait3A_227 = arith.constant 0 : i32
        %dma_wait3A_228 = tpu.memref_slice %arg6[%rem3A_167, %dma_wait3A_226, %dma_wait3A_227] : memref<3x125x128xf32, #tpu.memory_space<vmem>> -> memref<1x125x128xf32, #tpu.memory_space<vmem>>
        %dma_wait3A_229 = tpu.memref_squeeze %dma_wait3A_228 : memref<1x125x128xf32, #tpu.memory_space<vmem>> -> memref<125x128xf32, #tpu.memory_space<vmem>>
        tpu.wait_dma2 semaphore(%run_scoped3A_205 : memref<!tpu.dma_semaphore, #tpu.memory_space<semaphore_mem>>) src(%dma_wait3A_229 : memref<125x128xf32, #tpu.memory_space<vmem>>) dst(%dma_wait3A_225 : memref<125x128xf32, #tpu.memory_space<vmem_shared>>)
        tpu.yield
      }) : () -> ()
      %scan3A_204 = arith.constant 0 : i32
      scf.yield %scan3A_204 : i32
    }
    %scan3A_159 = arith.constant 80 : i32
    %barrier3A_160 = arith.constant 0 : index
    tpu.barrier barrier_id(%barrier3A_160)
    %mul3A_161 = arith.constant 632 : i32
    %mul3A_162 = arith.muli %arg1, %mul3A_161 : i32
    %mul3A_163 = arith.constant 632 : i32
    %mul3A_164 = arith.muli %arg1, %mul3A_163 : i32
    "tpu.region"() ({
      %run_scoped3A_165 = tpu.sem_alloc : memref<!tpu.dma_semaphore, #tpu.memory_space<semaphore_mem>>
      %dma_start3A_166 = arith.constant 0 : i32
      %dma_start3A_167 = tpu.memref_slice %arg4[%arg0, %mul3A_164, %dma_start3A_166] : memref<2x10112x128xf32, #tpu.memory_space<hbm>> -> memref<1x632x128xf32, #tpu.memory_space<hbm>>
      %dma_start3A_168 = tpu.memref_squeeze %dma_start3A_167 : memref<1x632x128xf32, #tpu.memory_space<hbm>> -> memref<632x128xf32, #tpu.memory_space<hbm>>
      %dma_start3A_169 = arith.constant 0 : i32
      %dma_start3A_170 = tpu.memref_slice %arg7[%mul3A_162, %dma_start3A_169] : memref<10112x128xf32, #tpu.memory_space<vmem_shared>> -> memref<632x128xf32, #tpu.memory_space<vmem_shared>>
      tpu.enqueue_dma source(%dma_start3A_170 : memref<632x128xf32, #tpu.memory_space<vmem_shared>>) target(%dma_start3A_168 : memref<632x128xf32, #tpu.memory_space<hbm>>) target_semaphore(%run_scoped3A_165 : memref<!tpu.dma_semaphore, #tpu.memory_space<semaphore_mem>>)
      %dma_wait3A_171 = arith.constant 0 : i32
      %dma_wait3A_172 = tpu.memref_slice %arg4[%arg0, %mul3A_164, %dma_wait3A_171] : memref<2x10112x128xf32, #tpu.memory_space<hbm>> -> memref<1x632x128xf32, #tpu.memory_space<hbm>>
      %dma_wait3A_173 = tpu.memref_squeeze %dma_wait3A_172 : memref<1x632x128xf32, #tpu.memory_space<hbm>> -> memref<632x128xf32, #tpu.memory_space<hbm>>
      %dma_wait3A_174 = arith.constant 0 : i32
      %dma_wait3A_175 = tpu.memref_slice %arg7[%mul3A_162, %dma_wait3A_174] : memref<10112x128xf32, #tpu.memory_space<vmem_shared>> -> memref<632x128xf32, #tpu.memory_space<vmem_shared>>
      tpu.wait_dma2 semaphore(%run_scoped3A_165 : memref<!tpu.dma_semaphore, #tpu.memory_space<semaphore_mem>>) src(%dma_wait3A_175 : memref<632x128xf32, #tpu.memory_space<vmem_shared>>) dst(%dma_wait3A_173 : memref<632x128xf32, #tpu.memory_space<hbm>>)
      tpu.yield
    }) : () -> ()
    return
  }
}

#map = affine_map<(d0, d1) -> (0, 0)>
#map1 = affine_map<(d0, d1) -> (0, 0, 0, 0)>
#map2 = affine_map<(d0, d1) -> (0, 0, 0)>
module attributes {stable_mosaic.version = 14 : i64} {
  func.func @agg_kernel(%arg0: i32, %arg1: i32, %arg2: memref<10000x128xf32, #tpu.memory_space<hbm>>, %arg3: memref<32x80x2x125xi32, #tpu.memory_space<hbm>>, %arg4: memref<2x10112x128xf32, #tpu.memory_space<hbm>>, %arg5: memref<4x2x125xi32, #tpu.memory_space<vmem>>, %arg6: memref<3x125x128xf32, #tpu.memory_space<vmem>>, %arg7: memref<10112x128xf32, #tpu.memory_space<vmem_shared>>, %arg8: memref<3x!tpu.dma_semaphore, #tpu.memory_space<semaphore_mem>>, %arg9: memref<4x!tpu.dma_semaphore, #tpu.memory_space<semaphore_mem>>) attributes {dimension_semantics = [#tpu.dimension_semantics<core_parallel>, #tpu.dimension_semantics<subcore_parallel>], iteration_bounds = array<i64: 2, 16>, scalar_prefetch = 0 : i64, scratch_operands = 5 : i64, tpu.core_type = #tpu.core_type<sc_vector_subcore>, window_params = [{transform_indices = #map}, {transform_indices = #map1}, {transform_indices = #map2}]} {
    %mul3A = arith.constant 2 : i32
    %mul3A_0 = arith.muli %arg1, %mul3A : i32
    %add3A = arith.addi %mul3A_0, %arg0 : i32
    %dma_start3A = arith.constant 0 : i32
    %dma_start3A_1 = arith.constant 0 : i32
    %dma_start3A_2 = arith.constant 0 : i32
    %dma_start3A_3 = arith.constant 0 : i32
    %dma_start3A_4 = arith.constant 0 : i32
    %dma_start3A_5 = tpu.memref_slice %arg5[%dma_start3A_1, %dma_start3A_3, %dma_start3A_4] : memref<4x2x125xi32, #tpu.memory_space<vmem>> -> memref<1x2x125xi32, #tpu.memory_space<vmem>>
    %dma_start3A_6 = tpu.memref_squeeze %dma_start3A_5 : memref<1x2x125xi32, #tpu.memory_space<vmem>> -> memref<2x125xi32, #tpu.memory_space<vmem>>
    %dma_start3A_7 = arith.constant 0 : i32
    %dma_start3A_8 = arith.constant 0 : i32
    %dma_start3A_9 = tpu.memref_slice %arg3[%add3A, %dma_start3A, %dma_start3A_7, %dma_start3A_8] : memref<32x80x2x125xi32, #tpu.memory_space<hbm>> -> memref<1x1x2x125xi32, #tpu.memory_space<hbm>>
    %dma_start3A_10 = tpu.memref_squeeze %dma_start3A_9 : memref<1x1x2x125xi32, #tpu.memory_space<hbm>> -> memref<2x125xi32, #tpu.memory_space<hbm>>
    %dma_start3A_11 = tpu.memref_slice %arg9[%dma_start3A_2] : memref<4x!tpu.dma_semaphore, #tpu.memory_space<semaphore_mem>> -> memref<1x!tpu.dma_semaphore, #tpu.memory_space<semaphore_mem>>
    %dma_start3A_12 = tpu.memref_squeeze %dma_start3A_11 : memref<1x!tpu.dma_semaphore, #tpu.memory_space<semaphore_mem>> -> memref<!tpu.dma_semaphore, #tpu.memory_space<semaphore_mem>>
    %dma_start3A_13 = arith.constant 0 : i32
    %dma_start3A_14 = arith.constant 0 : i32
    %dma_start3A_15 = tpu.memref_slice %arg5[%dma_start3A_1, %dma_start3A_13, %dma_start3A_14] : memref<4x2x125xi32, #tpu.memory_space<vmem>> -> memref<1x2x125xi32, #tpu.memory_space<vmem>>
    %dma_start3A_16 = tpu.memref_squeeze %dma_start3A_15 : memref<1x2x125xi32, #tpu.memory_space<vmem>> -> memref<2x125xi32, #tpu.memory_space<vmem>>
    %dma_start3A_17 = arith.constant 0 : i32
    %dma_start3A_18 = arith.constant 0 : i32
    %dma_start3A_19 = tpu.memref_slice %arg3[%add3A, %dma_start3A, %dma_start3A_17, %dma_start3A_18] : memref<32x80x2x125xi32, #tpu.memory_space<hbm>> -> memref<1x1x2x125xi32, #tpu.memory_space<hbm>>
    %dma_start3A_20 = tpu.memref_squeeze %dma_start3A_19 : memref<1x1x2x125xi32, #tpu.memory_space<hbm>> -> memref<2x125xi32, #tpu.memory_space<hbm>>
    tpu.enqueue_dma source(%dma_start3A_20 : memref<2x125xi32, #tpu.memory_space<hbm>>) target(%dma_start3A_16 : memref<2x125xi32, #tpu.memory_space<vmem>>) target_semaphore(%dma_start3A_12 : memref<!tpu.dma_semaphore, #tpu.memory_space<semaphore_mem>>)
    %dma_start3A_21 = arith.constant 1 : i32
    %dma_start3A_22 = arith.constant 1 : i32
    %dma_start3A_23 = arith.constant 1 : i32
    %dma_start3A_24 = arith.constant 0 : i32
    %dma_start3A_25 = arith.constant 0 : i32
    %dma_start3A_26 = tpu.memref_slice %arg5[%dma_start3A_22, %dma_start3A_24, %dma_start3A_25] : memref<4x2x125xi32, #tpu.memory_space<vmem>> -> memref<1x2x125xi32, #tpu.memory_space<vmem>>
    %dma_start3A_27 = tpu.memref_squeeze %dma_start3A_26 : memref<1x2x125xi32, #tpu.memory_space<vmem>> -> memref<2x125xi32, #tpu.memory_space<vmem>>
    %dma_start3A_28 = arith.constant 0 : i32
    %dma_start3A_29 = arith.constant 0 : i32
    %dma_start3A_30 = tpu.memref_slice %arg3[%add3A, %dma_start3A_21, %dma_start3A_28, %dma_start3A_29] : memref<32x80x2x125xi32, #tpu.memory_space<hbm>> -> memref<1x1x2x125xi32, #tpu.memory_space<hbm>>
    %dma_start3A_31 = tpu.memref_squeeze %dma_start3A_30 : memref<1x1x2x125xi32, #tpu.memory_space<hbm>> -> memref<2x125xi32, #tpu.memory_space<hbm>>
    %dma_start3A_32 = tpu.memref_slice %arg9[%dma_start3A_23] : memref<4x!tpu.dma_semaphore, #tpu.memory_space<semaphore_mem>> -> memref<1x!tpu.dma_semaphore, #tpu.memory_space<semaphore_mem>>
    %dma_start3A_33 = tpu.memref_squeeze %dma_start3A_32 : memref<1x!tpu.dma_semaphore, #tpu.memory_space<semaphore_mem>> -> memref<!tpu.dma_semaphore, #tpu.memory_space<semaphore_mem>>
    %dma_start3A_34 = arith.constant 0 : i32
    %dma_start3A_35 = arith.constant 0 : i32
    %dma_start3A_36 = tpu.memref_slice %arg5[%dma_start3A_22, %dma_start3A_34, %dma_start3A_35] : memref<4x2x125xi32, #tpu.memory_space<vmem>> -> memref<1x2x125xi32, #tpu.memory_space<vmem>>
    %dma_start3A_37 = tpu.memref_squeeze %dma_start3A_36 : memref<1x2x125xi32, #tpu.memory_space<vmem>> -> memref<2x125xi32, #tpu.memory_space<vmem>>
    %dma_start3A_38 = arith.constant 0 : i32
    %dma_start3A_39 = arith.constant 0 : i32
    %dma_start3A_40 = tpu.memref_slice %arg3[%add3A, %dma_start3A_21, %dma_start3A_38, %dma_start3A_39] : memref<32x80x2x125xi32, #tpu.memory_space<hbm>> -> memref<1x1x2x125xi32, #tpu.memory_space<hbm>>
    %dma_start3A_41 = tpu.memref_squeeze %dma_start3A_40 : memref<1x1x2x125xi32, #tpu.memory_space<hbm>> -> memref<2x125xi32, #tpu.memory_space<hbm>>
    tpu.enqueue_dma source(%dma_start3A_41 : memref<2x125xi32, #tpu.memory_space<hbm>>) target(%dma_start3A_37 : memref<2x125xi32, #tpu.memory_space<vmem>>) target_semaphore(%dma_start3A_33 : memref<!tpu.dma_semaphore, #tpu.memory_space<semaphore_mem>>)
    %dma_start3A_42 = arith.constant 2 : i32
    %dma_start3A_43 = arith.constant 2 : i32
    %dma_start3A_44 = arith.constant 2 : i32
    %dma_start3A_45 = arith.constant 0 : i32
    %dma_start3A_46 = arith.constant 0 : i32
    %dma_start3A_47 = tpu.memref_slice %arg5[%dma_start3A_43, %dma_start3A_45, %dma_start3A_46] : memref<4x2x125xi32, #tpu.memory_space<vmem>> -> memref<1x2x125xi32, #tpu.memory_space<vmem>>
    %dma_start3A_48 = tpu.memref_squeeze %dma_start3A_47 : memref<1x2x125xi32, #tpu.memory_space<vmem>> -> memref<2x125xi32, #tpu.memory_space<vmem>>
    %dma_start3A_49 = arith.constant 0 : i32
    %dma_start3A_50 = arith.constant 0 : i32
    %dma_start3A_51 = tpu.memref_slice %arg3[%add3A, %dma_start3A_42, %dma_start3A_49, %dma_start3A_50] : memref<32x80x2x125xi32, #tpu.memory_space<hbm>> -> memref<1x1x2x125xi32, #tpu.memory_space<hbm>>
    %dma_start3A_52 = tpu.memref_squeeze %dma_start3A_51 : memref<1x1x2x125xi32, #tpu.memory_space<hbm>> -> memref<2x125xi32, #tpu.memory_space<hbm>>
    %dma_start3A_53 = tpu.memref_slice %arg9[%dma_start3A_44] : memref<4x!tpu.dma_semaphore, #tpu.memory_space<semaphore_mem>> -> memref<1x!tpu.dma_semaphore, #tpu.memory_space<semaphore_mem>>
    %dma_start3A_54 = tpu.memref_squeeze %dma_start3A_53 : memref<1x!tpu.dma_semaphore, #tpu.memory_space<semaphore_mem>> -> memref<!tpu.dma_semaphore, #tpu.memory_space<semaphore_mem>>
    %dma_start3A_55 = arith.constant 0 : i32
    %dma_start3A_56 = arith.constant 0 : i32
    %dma_start3A_57 = tpu.memref_slice %arg5[%dma_start3A_43, %dma_start3A_55, %dma_start3A_56] : memref<4x2x125xi32, #tpu.memory_space<vmem>> -> memref<1x2x125xi32, #tpu.memory_space<vmem>>
    %dma_start3A_58 = tpu.memref_squeeze %dma_start3A_57 : memref<1x2x125xi32, #tpu.memory_space<vmem>> -> memref<2x125xi32, #tpu.memory_space<vmem>>
    %dma_start3A_59 = arith.constant 0 : i32
    %dma_start3A_60 = arith.constant 0 : i32
    %dma_start3A_61 = tpu.memref_slice %arg3[%add3A, %dma_start3A_42, %dma_start3A_59, %dma_start3A_60] : memref<32x80x2x125xi32, #tpu.memory_space<hbm>> -> memref<1x1x2x125xi32, #tpu.memory_space<hbm>>
    %dma_start3A_62 = tpu.memref_squeeze %dma_start3A_61 : memref<1x1x2x125xi32, #tpu.memory_space<hbm>> -> memref<2x125xi32, #tpu.memory_space<hbm>>
    tpu.enqueue_dma source(%dma_start3A_62 : memref<2x125xi32, #tpu.memory_space<hbm>>) target(%dma_start3A_58 : memref<2x125xi32, #tpu.memory_space<vmem>>) target_semaphore(%dma_start3A_54 : memref<!tpu.dma_semaphore, #tpu.memory_space<semaphore_mem>>)
    %scan3A = arith.constant 0 : i32
    %scan3A_63 = arith.constant 0 : i32
    %scan3A_64 = arith.constant 125 : i32
    %scan3A_65 = arith.addi %scan3A_63, %scan3A_64 : i32
    %scan3A_66 = arith.constant 1 : i32
    %scan3A_67 = scf.for %scan3A_165 = %scan3A_63 to %scan3A_65 step %scan3A_66 iter_args(%scan3A_166 = %scan3A) -> (i32)  : i32 {
      %broadcast_in_dim3A = arith.constant 0.000000e+00 : f32
      %broadcast_in_dim3A_167 = vector.broadcast %broadcast_in_dim3A : f32 to vector<16xf32>
      %swap3A = arith.constant 0 : i32
      %swap3A_168 = arith.index_cast %swap3A : i32 to index
      %swap3A_169 = arith.index_cast %scan3A_165 : i32 to index
      %swap3A_170 = arith.constant 0 : index
      %swap3A_171 = tpu.vector_load %arg6[%swap3A_168, %swap3A_169, %swap3A_170] {strides = array<i32>} : memref<3x125x128xf32, #tpu.memory_space<vmem>>, vector<1x1x16xf32>,
      %swap3A_172 = vector.shape_cast %swap3A_171 : vector<1x1x16xf32> to vector<16xf32>
      %swap3A_173 = vector.shape_cast %broadcast_in_dim3A_167 : vector<16xf32> to vector<1x1x16xf32>
      tpu.vector_store %arg6[%swap3A_168, %swap3A_169, %swap3A_170], %swap3A_173 {strides = array<i32>} : memref<3x125x128xf32, #tpu.memory_space<vmem>>, vector<1x1x16xf32>,
      %broadcast_in_dim3A_174 = arith.constant 0.000000e+00 : f32
      %broadcast_in_dim3A_175 = vector.broadcast %broadcast_in_dim3A_174 : f32 to vector<16xf32>
      %swap3A_176 = arith.constant 0 : i32
      %swap3A_177 = arith.index_cast %swap3A_176 : i32 to index
      %swap3A_178 = arith.index_cast %scan3A_165 : i32 to index
      %swap3A_179 = arith.constant 16 : index
      %swap3A_180 = tpu.vector_load %arg6[%swap3A_177, %swap3A_178, %swap3A_179] {strides = array<i32>} : memref<3x125x128xf32, #tpu.memory_space<vmem>>, vector<1x1x16xf32>,
      %swap3A_181 = vector.shape_cast %swap3A_180 : vector<1x1x16xf32> to vector<16xf32>
      %swap3A_182 = vector.shape_cast %broadcast_in_dim3A_175 : vector<16xf32> to vector<1x1x16xf32>
      tpu.vector_store %arg6[%swap3A_177, %swap3A_178, %swap3A_179], %swap3A_182 {strides = array<i32>} : memref<3x125x128xf32, #tpu.memory_space<vmem>>, vector<1x1x16xf32>,
      %broadcast_in_dim3A_183 = arith.constant 0.000000e+00 : f32
      %broadcast_in_dim3A_184 = vector.broadcast %broadcast_in_dim3A_183 : f32 to vector<16xf32>
      %swap3A_185 = arith.constant 0 : i32
      %swap3A_186 = arith.index_cast %swap3A_185 : i32 to index
      %swap3A_187 = arith.index_cast %scan3A_165 : i32 to index
      %swap3A_188 = arith.constant 32 : index
      %swap3A_189 = tpu.vector_load %arg6[%swap3A_186, %swap3A_187, %swap3A_188] {strides = array<i32>} : memref<3x125x128xf32, #tpu.memory_space<vmem>>, vector<1x1x16xf32>,
      %swap3A_190 = vector.shape_cast %swap3A_189 : vector<1x1x16xf32> to vector<16xf32>
      %swap3A_191 = vector.shape_cast %broadcast_in_dim3A_184 : vector<16xf32> to vector<1x1x16xf32>
      tpu.vector_store %arg6[%swap3A_186, %swap3A_187, %swap3A_188], %swap3A_191 {strides = array<i32>} : memref<3x125x128xf32, #tpu.memory_space<vmem>>, vector<1x1x16xf32>,
      %broadcast_in_dim3A_192 = arith.constant 0.000000e+00 : f32
      %broadcast_in_dim3A_193 = vector.broadcast %broadcast_in_dim3A_192 : f32 to vector<16xf32>
      %swap3A_194 = arith.constant 0 : i32
      %swap3A_195 = arith.index_cast %swap3A_194 : i32 to index
      %swap3A_196 = arith.index_cast %scan3A_165 : i32 to index
      %swap3A_197 = arith.constant 48 : index
      %swap3A_198 = tpu.vector_load %arg6[%swap3A_195, %swap3A_196, %swap3A_197] {strides = array<i32>} : memref<3x125x128xf32, #tpu.memory_space<vmem>>, vector<1x1x16xf32>,
      %swap3A_199 = vector.shape_cast %swap3A_198 : vector<1x1x16xf32> to vector<16xf32>
      %swap3A_200 = vector.shape_cast %broadcast_in_dim3A_193 : vector<16xf32> to vector<1x1x16xf32>
      tpu.vector_store %arg6[%swap3A_195, %swap3A_196, %swap3A_197], %swap3A_200 {strides = array<i32>} : memref<3x125x128xf32, #tpu.memory_space<vmem>>, vector<1x1x16xf32>,
      %broadcast_in_dim3A_201 = arith.constant 0.000000e+00 : f32
      %broadcast_in_dim3A_202 = vector.broadcast %broadcast_in_dim3A_201 : f32 to vector<16xf32>
      %swap3A_203 = arith.constant 0 : i32
      %swap3A_204 = arith.index_cast %swap3A_203 : i32 to index
      %swap3A_205 = arith.index_cast %scan3A_165 : i32 to index
      %swap3A_206 = arith.constant 64 : index
      %swap3A_207 = tpu.vector_load %arg6[%swap3A_204, %swap3A_205, %swap3A_206] {strides = array<i32>} : memref<3x125x128xf32, #tpu.memory_space<vmem>>, vector<1x1x16xf32>,
      %swap3A_208 = vector.shape_cast %swap3A_207 : vector<1x1x16xf32> to vector<16xf32>
      %swap3A_209 = vector.shape_cast %broadcast_in_dim3A_202 : vector<16xf32> to vector<1x1x16xf32>
      tpu.vector_store %arg6[%swap3A_204, %swap3A_205, %swap3A_206], %swap3A_209 {strides = array<i32>} : memref<3x125x128xf32, #tpu.memory_space<vmem>>, vector<1x1x16xf32>,
      %broadcast_in_dim3A_210 = arith.constant 0.000000e+00 : f32
      %broadcast_in_dim3A_211 = vector.broadcast %broadcast_in_dim3A_210 : f32 to vector<16xf32>
      %swap3A_212 = arith.constant 0 : i32
      %swap3A_213 = arith.index_cast %swap3A_212 : i32 to index
      %swap3A_214 = arith.index_cast %scan3A_165 : i32 to index
      %swap3A_215 = arith.constant 80 : index
      %swap3A_216 = tpu.vector_load %arg6[%swap3A_213, %swap3A_214, %swap3A_215] {strides = array<i32>} : memref<3x125x128xf32, #tpu.memory_space<vmem>>, vector<1x1x16xf32>,
      %swap3A_217 = vector.shape_cast %swap3A_216 : vector<1x1x16xf32> to vector<16xf32>
      %swap3A_218 = vector.shape_cast %broadcast_in_dim3A_211 : vector<16xf32> to vector<1x1x16xf32>
      tpu.vector_store %arg6[%swap3A_213, %swap3A_214, %swap3A_215], %swap3A_218 {strides = array<i32>} : memref<3x125x128xf32, #tpu.memory_space<vmem>>, vector<1x1x16xf32>,
      %broadcast_in_dim3A_219 = arith.constant 0.000000e+00 : f32
      %broadcast_in_dim3A_220 = vector.broadcast %broadcast_in_dim3A_219 : f32 to vector<16xf32>
      %swap3A_221 = arith.constant 0 : i32
      %swap3A_222 = arith.index_cast %swap3A_221 : i32 to index
      %swap3A_223 = arith.index_cast %scan3A_165 : i32 to index
      %swap3A_224 = arith.constant 96 : index
      %swap3A_225 = tpu.vector_load %arg6[%swap3A_222, %swap3A_223, %swap3A_224] {strides = array<i32>} : memref<3x125x128xf32, #tpu.memory_space<vmem>>, vector<1x1x16xf32>,
      %swap3A_226 = vector.shape_cast %swap3A_225 : vector<1x1x16xf32> to vector<16xf32>
      %swap3A_227 = vector.shape_cast %broadcast_in_dim3A_220 : vector<16xf32> to vector<1x1x16xf32>
      tpu.vector_store %arg6[%swap3A_222, %swap3A_223, %swap3A_224], %swap3A_227 {strides = array<i32>} : memref<3x125x128xf32, #tpu.memory_space<vmem>>, vector<1x1x16xf32>,
      %broadcast_in_dim3A_228 = arith.constant 0.000000e+00 : f32
      %broadcast_in_dim3A_229 = vector.broadcast %broadcast_in_dim3A_228 : f32 to vector<16xf32>
      %swap3A_230 = arith.constant 0 : i32
      %swap3A_231 = arith.index_cast %swap3A_230 : i32 to index
      %swap3A_232 = arith.index_cast %scan3A_165 : i32 to index
      %swap3A_233 = arith.constant 112 : index
      %swap3A_234 = tpu.vector_load %arg6[%swap3A_231, %swap3A_232, %swap3A_233] {strides = array<i32>} : memref<3x125x128xf32, #tpu.memory_space<vmem>>, vector<1x1x16xf32>,
      %swap3A_235 = vector.shape_cast %swap3A_234 : vector<1x1x16xf32> to vector<16xf32>
      %swap3A_236 = vector.shape_cast %broadcast_in_dim3A_229 : vector<16xf32> to vector<1x1x16xf32>
      tpu.vector_store %arg6[%swap3A_231, %swap3A_232, %swap3A_233], %swap3A_236 {strides = array<i32>} : memref<3x125x128xf32, #tpu.memory_space<vmem>>, vector<1x1x16xf32>,
      %scan3A_237 = arith.constant 0 : i32
      scf.yield %scan3A_237 : i32
    }
    %scan3A_68 = arith.constant 125 : i32
    %scan3A_69 = arith.constant 0 : i32
    %scan3A_70 = arith.constant 0 : i32
    %scan3A_71 = arith.constant 5 : i32
    %scan3A_72 = arith.addi %scan3A_70, %scan3A_71 : i32
    %scan3A_73 = arith.constant 1 : i32
    %scan3A_74 = scf.for %scan3A_165 = %scan3A_70 to %scan3A_72 step %scan3A_73 iter_args(%scan3A_166 = %scan3A_69) -> (i32)  : i32 {
      %mul3A_167 = arith.constant 632 : i32
      %mul3A_168 = arith.muli %arg1, %mul3A_167 : i32
      %mul3A_169 = arith.constant 120 : i32
      %mul3A_170 = arith.muli %scan3A_165, %mul3A_169 : i32
      %add3A_171 = arith.addi %mul3A_168, %mul3A_170 : i32
      %run_scoped3A_172 = arith.constant 0 : i32
      "tpu.region"() ({
        %run_scoped3A_174 = tpu.sem_alloc : memref<!tpu.dma_semaphore, #tpu.memory_space<semaphore_mem>>
        %dma_start3A_175 = arith.constant 0 : i32
        %dma_start3A_176 = arith.constant 0 : i32
        %dma_start3A_177 = tpu.memref_slice %arg6[%run_scoped3A_172, %dma_start3A_175, %dma_start3A_176] : memref<3x125x128xf32, #tpu.memory_space<vmem>> -> memref<1x120x128xf32, #tpu.memory_space<vmem>>
        %dma_start3A_178 = tpu.memref_squeeze %dma_start3A_177 : memref<1x120x128xf32, #tpu.memory_space<vmem>> -> memref<120x128xf32, #tpu.memory_space<vmem>>
        %dma_start3A_179 = arith.constant 0 : i32
        %dma_start3A_180 = tpu.memref_slice %arg7[%add3A_171, %dma_start3A_179] : memref<10112x128xf32, #tpu.memory_space<vmem_shared>> -> memref<120x128xf32, #tpu.memory_space<vmem_shared>>
        %dma_start3A_181 = arith.constant 0 : i32
        %dma_start3A_182 = tpu.memref_slice %arg7[%add3A_171, %dma_start3A_181] : memref<10112x128xf32, #tpu.memory_space<vmem_shared>> -> memref<120x128xf32, #tpu.memory_space<vmem_shared>>
        %dma_start3A_183 = arith.constant 0 : i32
        %dma_start3A_184 = arith.constant 0 : i32
        %dma_start3A_185 = tpu.memref_slice %arg6[%run_scoped3A_172, %dma_start3A_183, %dma_start3A_184] : memref<3x125x128xf32, #tpu.memory_space<vmem>> -> memref<1x120x128xf32, #tpu.memory_space<vmem>>
        %dma_start3A_186 = tpu.memref_squeeze %dma_start3A_185 : memref<1x120x128xf32, #tpu.memory_space<vmem>> -> memref<120x128xf32, #tpu.memory_space<vmem>>
        tpu.enqueue_dma source(%dma_start3A_186 : memref<120x128xf32, #tpu.memory_space<vmem>>) target(%dma_start3A_182 : memref<120x128xf32, #tpu.memory_space<vmem_shared>>) target_semaphore(%run_scoped3A_174 : memref<!tpu.dma_semaphore, #tpu.memory_space<semaphore_mem>>)
        %dma_wait3A_187 = arith.constant 0 : i32
        %dma_wait3A_188 = arith.constant 0 : i32
        %dma_wait3A_189 = tpu.memref_slice %arg6[%run_scoped3A_172, %dma_wait3A_187, %dma_wait3A_188] : memref<3x125x128xf32, #tpu.memory_space<vmem>> -> memref<1x120x128xf32, #tpu.memory_space<vmem>>
        %dma_wait3A_190 = tpu.memref_squeeze %dma_wait3A_189 : memref<1x120x128xf32, #tpu.memory_space<vmem>> -> memref<120x128xf32, #tpu.memory_space<vmem>>
        %dma_wait3A_191 = arith.constant 0 : i32
        %dma_wait3A_192 = tpu.memref_slice %arg7[%add3A_171, %dma_wait3A_191] : memref<10112x128xf32, #tpu.memory_space<vmem_shared>> -> memref<120x128xf32, #tpu.memory_space<vmem_shared>>
        %dma_wait3A_193 = arith.constant 0 : i32
        %dma_wait3A_194 = tpu.memref_slice %arg7[%add3A_171, %dma_wait3A_193] : memref<10112x128xf32, #tpu.memory_space<vmem_shared>> -> memref<120x128xf32, #tpu.memory_space<vmem_shared>>
        %dma_wait3A_195 = arith.constant 0 : i32
        %dma_wait3A_196 = arith.constant 0 : i32
        %dma_wait3A_197 = tpu.memref_slice %arg6[%run_scoped3A_172, %dma_wait3A_195, %dma_wait3A_196] : memref<3x125x128xf32, #tpu.memory_space<vmem>> -> memref<1x120x128xf32, #tpu.memory_space<vmem>>
        %dma_wait3A_198 = tpu.memref_squeeze %dma_wait3A_197 : memref<1x120x128xf32, #tpu.memory_space<vmem>> -> memref<120x128xf32, #tpu.memory_space<vmem>>
        tpu.wait_dma2 semaphore(%run_scoped3A_174 : memref<!tpu.dma_semaphore, #tpu.memory_space<semaphore_mem>>) src(%dma_wait3A_198 : memref<120x128xf32, #tpu.memory_space<vmem>>) dst(%dma_wait3A_194 : memref<120x128xf32, #tpu.memory_space<vmem_shared>>)
        tpu.yield
      }) : () -> ()
      %scan3A_173 = arith.constant 0 : i32
      scf.yield %scan3A_173 : i32
    }
    %scan3A_75 = arith.constant 5 : i32
    %mul3A_76 = arith.constant 632 : i32
    %mul3A_77 = arith.muli %arg1, %mul3A_76 : i32
    %add3A_78 = arith.constant 600 : i32
    %add3A_79 = arith.addi %mul3A_77, %add3A_78 : i32
    %run_scoped3A = arith.constant 0 : i32
    "tpu.region"() ({
      %run_scoped3A_165 = tpu.sem_alloc : memref<!tpu.dma_semaphore, #tpu.memory_space<semaphore_mem>>
      %dma_start3A_166 = arith.constant 0 : i32
      %dma_start3A_167 = arith.constant 0 : i32
      %dma_start3A_168 = tpu.memref_slice %arg6[%run_scoped3A, %dma_start3A_166, %dma_start3A_167] : memref<3x125x128xf32, #tpu.memory_space<vmem>> -> memref<1x32x128xf32, #tpu.memory_space<vmem>>
      %dma_start3A_169 = tpu.memref_squeeze %dma_start3A_168 : memref<1x32x128xf32, #tpu.memory_space<vmem>> -> memref<32x128xf32, #tpu.memory_space<vmem>>
      %dma_start3A_170 = arith.constant 0 : i32
      %dma_start3A_171 = tpu.memref_slice %arg7[%add3A_79, %dma_start3A_170] : memref<10112x128xf32, #tpu.memory_space<vmem_shared>> -> memref<32x128xf32, #tpu.memory_space<vmem_shared>>
      %dma_start3A_172 = arith.constant 0 : i32
      %dma_start3A_173 = tpu.memref_slice %arg7[%add3A_79, %dma_start3A_172] : memref<10112x128xf32, #tpu.memory_space<vmem_shared>> -> memref<32x128xf32, #tpu.memory_space<vmem_shared>>
      %dma_start3A_174 = arith.constant 0 : i32
      %dma_start3A_175 = arith.constant 0 : i32
      %dma_start3A_176 = tpu.memref_slice %arg6[%run_scoped3A, %dma_start3A_174, %dma_start3A_175] : memref<3x125x128xf32, #tpu.memory_space<vmem>> -> memref<1x32x128xf32, #tpu.memory_space<vmem>>
      %dma_start3A_177 = tpu.memref_squeeze %dma_start3A_176 : memref<1x32x128xf32, #tpu.memory_space<vmem>> -> memref<32x128xf32, #tpu.memory_space<vmem>>
      tpu.enqueue_dma source(%dma_start3A_177 : memref<32x128xf32, #tpu.memory_space<vmem>>) target(%dma_start3A_173 : memref<32x128xf32, #tpu.memory_space<vmem_shared>>) target_semaphore(%run_scoped3A_165 : memref<!tpu.dma_semaphore, #tpu.memory_space<semaphore_mem>>)
      %dma_wait3A_178 = arith.constant 0 : i32
      %dma_wait3A_179 = arith.constant 0 : i32
      %dma_wait3A_180 = tpu.memref_slice %arg6[%run_scoped3A, %dma_wait3A_178, %dma_wait3A_179] : memref<3x125x128xf32, #tpu.memory_space<vmem>> -> memref<1x32x128xf32, #tpu.memory_space<vmem>>
      %dma_wait3A_181 = tpu.memref_squeeze %dma_wait3A_180 : memref<1x32x128xf32, #tpu.memory_space<vmem>> -> memref<32x128xf32, #tpu.memory_space<vmem>>
      %dma_wait3A_182 = arith.constant 0 : i32
      %dma_wait3A_183 = tpu.memref_slice %arg7[%add3A_79, %dma_wait3A_182] : memref<10112x128xf32, #tpu.memory_space<vmem_shared>> -> memref<32x128xf32, #tpu.memory_space<vmem_shared>>
      %dma_wait3A_184 = arith.constant 0 : i32
      %dma_wait3A_185 = tpu.memref_slice %arg7[%add3A_79, %dma_wait3A_184] : memref<10112x128xf32, #tpu.memory_space<vmem_shared>> -> memref<32x128xf32, #tpu.memory_space<vmem_shared>>
      %dma_wait3A_186 = arith.constant 0 : i32
      %dma_wait3A_187 = arith.constant 0 : i32
      %dma_wait3A_188 = tpu.memref_slice %arg6[%run_scoped3A, %dma_wait3A_186, %dma_wait3A_187] : memref<3x125x128xf32, #tpu.memory_space<vmem>> -> memref<1x32x128xf32, #tpu.memory_space<vmem>>
      %dma_wait3A_189 = tpu.memref_squeeze %dma_wait3A_188 : memref<1x32x128xf32, #tpu.memory_space<vmem>> -> memref<32x128xf32, #tpu.memory_space<vmem>>
      tpu.wait_dma2 semaphore(%run_scoped3A_165 : memref<!tpu.dma_semaphore, #tpu.memory_space<semaphore_mem>>) src(%dma_wait3A_189 : memref<32x128xf32, #tpu.memory_space<vmem>>) dst(%dma_wait3A_185 : memref<32x128xf32, #tpu.memory_space<vmem_shared>>)
      tpu.yield
    }) : () -> ()
    %dma_wait3A = arith.constant 0 : i32
    %dma_wait3A_80 = arith.constant 0 : i32
    %dma_wait3A_81 = arith.constant 0 : i32
    %dma_wait3A_82 = arith.constant 0 : i32
    %dma_wait3A_83 = arith.constant 0 : i32
    %dma_wait3A_84 = tpu.memref_slice %arg5[%dma_wait3A_80, %dma_wait3A_82, %dma_wait3A_83] : memref<4x2x125xi32, #tpu.memory_space<vmem>> -> memref<1x2x125xi32, #tpu.memory_space<vmem>>
    %dma_wait3A_85 = tpu.memref_squeeze %dma_wait3A_84 : memref<1x2x125xi32, #tpu.memory_space<vmem>> -> memref<2x125xi32, #tpu.memory_space<vmem>>
    %dma_wait3A_86 = arith.constant 0 : i32
    %dma_wait3A_87 = arith.constant 0 : i32
    %dma_wait3A_88 = tpu.memref_slice %arg3[%add3A, %dma_wait3A, %dma_wait3A_86, %dma_wait3A_87] : memref<32x80x2x125xi32, #tpu.memory_space<hbm>> -> memref<1x1x2x125xi32, #tpu.memory_space<hbm>>
    %dma_wait3A_89 = tpu.memref_squeeze %dma_wait3A_88 : memref<1x1x2x125xi32, #tpu.memory_space<hbm>> -> memref<2x125xi32, #tpu.memory_space<hbm>>
    %dma_wait3A_90 = tpu.memref_slice %arg9[%dma_wait3A_81] : memref<4x!tpu.dma_semaphore, #tpu.memory_space<semaphore_mem>> -> memref<1x!tpu.dma_semaphore, #tpu.memory_space<semaphore_mem>>
    %dma_wait3A_91 = tpu.memref_squeeze %dma_wait3A_90 : memref<1x!tpu.dma_semaphore, #tpu.memory_space<semaphore_mem>> -> memref<!tpu.dma_semaphore, #tpu.memory_space<semaphore_mem>>
    %dma_wait3A_92 = arith.constant 0 : i32
    %dma_wait3A_93 = arith.constant 0 : i32
    %dma_wait3A_94 = tpu.memref_slice %arg5[%dma_wait3A_80, %dma_wait3A_92, %dma_wait3A_93] : memref<4x2x125xi32, #tpu.memory_space<vmem>> -> memref<1x2x125xi32, #tpu.memory_space<vmem>>
    %dma_wait3A_95 = tpu.memref_squeeze %dma_wait3A_94 : memref<1x2x125xi32, #tpu.memory_space<vmem>> -> memref<2x125xi32, #tpu.memory_space<vmem>>
    %dma_wait3A_96 = arith.constant 0 : i32
    %dma_wait3A_97 = arith.constant 0 : i32
    %dma_wait3A_98 = tpu.memref_slice %arg3[%add3A, %dma_wait3A, %dma_wait3A_96, %dma_wait3A_97] : memref<32x80x2x125xi32, #tpu.memory_space<hbm>> -> memref<1x1x2x125xi32, #tpu.memory_space<hbm>>
    %dma_wait3A_99 = tpu.memref_squeeze %dma_wait3A_98 : memref<1x1x2x125xi32, #tpu.memory_space<hbm>> -> memref<2x125xi32, #tpu.memory_space<hbm>>
    tpu.wait_dma2 semaphore(%dma_wait3A_91 : memref<!tpu.dma_semaphore, #tpu.memory_space<semaphore_mem>>) src(%dma_wait3A_99 : memref<2x125xi32, #tpu.memory_space<hbm>>) dst(%dma_wait3A_95 : memref<2x125xi32, #tpu.memory_space<vmem>>)
    %dma_start3A_100 = arith.constant 0 : i32
    %dma_start3A_101 = arith.constant 0 : i32
    %dma_start3A_102 = arith.constant 0 : i32
    %dma_start3A_103 = arith.constant 0 : i32
    %dma_start3A_104 = arith.constant 0 : i32
    %dma_start3A_105 = arith.constant 0 : i32
    %dma_start3A_106 = tpu.memref_slice %arg6[%dma_start3A_102, %dma_start3A_104, %dma_start3A_105] : memref<3x125x128xf32, #tpu.memory_space<vmem>> -> memref<1x125x128xf32, #tpu.memory_space<vmem>>
    %dma_start3A_107 = tpu.memref_squeeze %dma_start3A_106 : memref<1x125x128xf32, #tpu.memory_space<vmem>> -> memref<125x128xf32, #tpu.memory_space<vmem>>
    %dma_start3A_108 = arith.constant 0 : i32
    %dma_start3A_109 = tpu.memref_slice %arg5[%dma_start3A_100, %dma_start3A_101, %dma_start3A_108] : memref<4x2x125xi32, #tpu.memory_space<vmem>> -> memref<1x1x125xi32, #tpu.memory_space<vmem>>
    %dma_start3A_110 = tpu.memref_squeeze %dma_start3A_109 : memref<1x1x125xi32, #tpu.memory_space<vmem>> -> memref<125xi32, #tpu.memory_space<vmem>>
    %dma_start3A_111 = arith.constant 0 : i32
    %dma_start3A_112 = arith.constant 0 : i32
    %dma_start3A_113 = tpu.memref_slice %arg2[%dma_start3A_111, %dma_start3A_112] : memref<10000x128xf32, #tpu.memory_space<hbm>> -> memref<10000x128xf32, #tpu.memory_space<hbm>>
    %dma_start3A_114 = tpu.memref_slice %arg8[%dma_start3A_103] : memref<3x!tpu.dma_semaphore, #tpu.memory_space<semaphore_mem>> -> memref<1x!tpu.dma_semaphore, #tpu.memory_space<semaphore_mem>>
    %dma_start3A_115 = tpu.memref_squeeze %dma_start3A_114 : memref<1x!tpu.dma_semaphore, #tpu.memory_space<semaphore_mem>> -> memref<!tpu.dma_semaphore, #tpu.memory_space<semaphore_mem>>
    tpu.enqueue_indirect_dma source(%dma_start3A_113 : memref<10000x128xf32, #tpu.memory_space<hbm>>) target(%dma_start3A_107 : memref<125x128xf32, #tpu.memory_space<vmem>>) offsets(%dma_start3A_110 : memref<125xi32, #tpu.memory_space<vmem>>) semaphore(%dma_start3A_115 : memref<!tpu.dma_semaphore, #tpu.memory_space<semaphore_mem>>)
    %dma_wait3A_116 = arith.constant 1 : i32
    %dma_wait3A_117 = arith.constant 1 : i32
    %dma_wait3A_118 = arith.constant 1 : i32
    %dma_wait3A_119 = arith.constant 0 : i32
    %dma_wait3A_120 = arith.constant 0 : i32
    %dma_wait3A_121 = tpu.memref_slice %arg5[%dma_wait3A_117, %dma_wait3A_119, %dma_wait3A_120] : memref<4x2x125xi32, #tpu.memory_space<vmem>> -> memref<1x2x125xi32, #tpu.memory_space<vmem>>
    %dma_wait3A_122 = tpu.memref_squeeze %dma_wait3A_121 : memref<1x2x125xi32, #tpu.memory_space<vmem>> -> memref<2x125xi32, #tpu.memory_space<vmem>>
    %dma_wait3A_123 = arith.constant 0 : i32
    %dma_wait3A_124 = arith.constant 0 : i32
    %dma_wait3A_125 = tpu.memref_slice %arg3[%add3A, %dma_wait3A_116, %dma_wait3A_123, %dma_wait3A_124] : memref<32x80x2x125xi32, #tpu.memory_space<hbm>> -> memref<1x1x2x125xi32, #tpu.memory_space<hbm>>
    %dma_wait3A_126 = tpu.memref_squeeze %dma_wait3A_125 : memref<1x1x2x125xi32, #tpu.memory_space<hbm>> -> memref<2x125xi32, #tpu.memory_space<hbm>>
    %dma_wait3A_127 = tpu.memref_slice %arg9[%dma_wait3A_118] : memref<4x!tpu.dma_semaphore, #tpu.memory_space<semaphore_mem>> -> memref<1x!tpu.dma_semaphore, #tpu.memory_space<semaphore_mem>>
    %dma_wait3A_128 = tpu.memref_squeeze %dma_wait3A_127 : memref<1x!tpu.dma_semaphore, #tpu.memory_space<semaphore_mem>> -> memref<!tpu.dma_semaphore, #tpu.memory_space<semaphore_mem>>
    %dma_wait3A_129 = arith.constant 0 : i32
    %dma_wait3A_130 = arith.constant 0 : i32
    %dma_wait3A_131 = tpu.memref_slice %arg5[%dma_wait3A_117, %dma_wait3A_129, %dma_wait3A_130] : memref<4x2x125xi32, #tpu.memory_space<vmem>> -> memref<1x2x125xi32, #tpu.memory_space<vmem>>
    %dma_wait3A_132 = tpu.memref_squeeze %dma_wait3A_131 : memref<1x2x125xi32, #tpu.memory_space<vmem>> -> memref<2x125xi32, #tpu.memory_space<vmem>>
    %dma_wait3A_133 = arith.constant 0 : i32
    %dma_wait3A_134 = arith.constant 0 : i32
    %dma_wait3A_135 = tpu.memref_slice %arg3[%add3A, %dma_wait3A_116, %dma_wait3A_133, %dma_wait3A_134] : memref<32x80x2x125xi32, #tpu.memory_space<hbm>> -> memref<1x1x2x125xi32, #tpu.memory_space<hbm>>
    %dma_wait3A_136 = tpu.memref_squeeze %dma_wait3A_135 : memref<1x1x2x125xi32, #tpu.memory_space<hbm>> -> memref<2x125xi32, #tpu.memory_space<hbm>>
    tpu.wait_dma2 semaphore(%dma_wait3A_128 : memref<!tpu.dma_semaphore, #tpu.memory_space<semaphore_mem>>) src(%dma_wait3A_136 : memref<2x125xi32, #tpu.memory_space<hbm>>) dst(%dma_wait3A_132 : memref<2x125xi32, #tpu.memory_space<vmem>>)
    %dma_start3A_137 = arith.constant 1 : i32
    %dma_start3A_138 = arith.constant 0 : i32
    %dma_start3A_139 = arith.constant 1 : i32
    %dma_start3A_140 = arith.constant 1 : i32
    %dma_start3A_141 = arith.constant 0 : i32
    %dma_start3A_142 = arith.constant 0 : i32
    %dma_start3A_143 = tpu.memref_slice %arg6[%dma_start3A_139, %dma_start3A_141, %dma_start3A_142] : memref<3x125x128xf32, #tpu.memory_space<vmem>> -> memref<1x125x128xf32, #tpu.memory_space<vmem>>
    %dma_start3A_144 = tpu.memref_squeeze %dma_start3A_143 : memref<1x125x128xf32, #tpu.memory_space<vmem>> -> memref<125x128xf32, #tpu.memory_space<vmem>>
    %dma_start3A_145 = arith.constant 0 : i32
    %dma_start3A_146 = tpu.memref_slice %arg5[%dma_start3A_137, %dma_start3A_138, %dma_start3A_145] : memref<4x2x125xi32, #tpu.memory_space<vmem>> -> memref<1x1x125xi32, #tpu.memory_space<vmem>>
    %dma_start3A_147 = tpu.memref_squeeze %dma_start3A_146 : memref<1x1x125xi32, #tpu.memory_space<vmem>> -> memref<125xi32, #tpu.memory_space<vmem>>
    %dma_start3A_148 = arith.constant 0 : i32
    %dma_start3A_149 = arith.constant 0 : i32
    %dma_start3A_150 = tpu.memref_slice %arg2[%dma_start3A_148, %dma_start3A_149] : memref<10000x128xf32, #tpu.memory_space<hbm>> -> memref<10000x128xf32, #tpu.memory_space<hbm>>
    %dma_start3A_151 = tpu.memref_slice %arg8[%dma_start3A_140] : memref<3x!tpu.dma_semaphore, #tpu.memory_space<semaphore_mem>> -> memref<1x!tpu.dma_semaphore, #tpu.memory_space<semaphore_mem>>
    %dma_start3A_152 = tpu.memref_squeeze %dma_start3A_151 : memref<1x!tpu.dma_semaphore, #tpu.memory_space<semaphore_mem>> -> memref<!tpu.dma_semaphore, #tpu.memory_space<semaphore_mem>>
    tpu.enqueue_indirect_dma source(%dma_start3A_150 : memref<10000x128xf32, #tpu.memory_space<hbm>>) target(%dma_start3A_144 : memref<125x128xf32, #tpu.memory_space<vmem>>) offsets(%dma_start3A_147 : memref<125xi32, #tpu.memory_space<vmem>>) semaphore(%dma_start3A_152 : memref<!tpu.dma_semaphore, #tpu.memory_space<semaphore_mem>>)
    %barrier3A = arith.constant 0 : index
    tpu.barrier barrier_id(%barrier3A)
    %scan3A_153 = arith.constant 0 : i32
    %scan3A_154 = arith.constant 0 : i32
    %scan3A_155 = arith.constant 80 : i32
    %scan3A_156 = arith.addi %scan3A_154, %scan3A_155 : i32
    %scan3A_157 = arith.constant 1 : i32
    %scan3A_158 = scf.for %scan3A_165 = %scan3A_154 to %scan3A_156 step %scan3A_157 iter_args(%scan3A_166 = %scan3A_153) -> (i32)  : i32 {
      %rem3A = arith.constant 3 : i32
      %rem3A_167 = arith.remsi %scan3A_165, %rem3A : i32
      %rem3A_168 = arith.constant 4 : i32
      %rem3A_169 = arith.remsi %scan3A_165, %rem3A_168 : i32
      %add3A_170 = arith.constant 2 : i32
      %add3A_171 = arith.addi %scan3A_165, %add3A_170 : i32
      %rem3A_172 = arith.constant 4 : i32
      %rem3A_173 = arith.remsi %add3A_171, %rem3A_172 : i32
      %add3A_174 = arith.constant 3 : i32
      %add3A_175 = arith.addi %scan3A_165, %add3A_174 : i32
      %rem3A_176 = arith.constant 4 : i32
      %rem3A_177 = arith.remsi %add3A_175, %rem3A_176 : i32
      %add3A_178 = arith.constant 3 : i32
      %add3A_179 = arith.addi %scan3A_165, %add3A_178 : i32
      %lt3A = arith.constant 80 : i32
      %lt3A_180 = arith.cmpi slt, %add3A_179, %lt3A : i32
      %convert_element_type3A = arith.extui %lt3A_180 : i1 to i32
      %cond3A = arith.constant 0 : i32
      %cond3A_181 = arith.cmpi ne, %convert_element_type3A, %cond3A : i32
      scf.if %cond3A_181 {
        %add3A_205 = arith.constant 3 : i32
        %add3A_206 = arith.addi %scan3A_165, %add3A_205 : i32
        %dma_start3A_207 = arith.constant 0 : i32
        %dma_start3A_208 = arith.constant 0 : i32
        %dma_start3A_209 = tpu.memref_slice %arg5[%rem3A_177, %dma_start3A_207, %dma_start3A_208] : memref<4x2x125xi32, #tpu.memory_space<vmem>> -> memref<1x2x125xi32, #tpu.memory_space<vmem>>
        %dma_start3A_210 = tpu.memref_squeeze %dma_start3A_209 : memref<1x2x125xi32, #tpu.memory_space<vmem>> -> memref<2x125xi32, #tpu.memory_space<vmem>>
        %dma_start3A_211 = arith.constant 0 : i32
        %dma_start3A_212 = arith.constant 0 : i32
        %dma_start3A_213 = tpu.memref_slice %arg3[%add3A, %add3A_206, %dma_start3A_211, %dma_start3A_212] : memref<32x80x2x125xi32, #tpu.memory_space<hbm>> -> memref<1x1x2x125xi32, #tpu.memory_space<hbm>>
        %dma_start3A_214 = tpu.memref_squeeze %dma_start3A_213 : memref<1x1x2x125xi32, #tpu.memory_space<hbm>> -> memref<2x125xi32, #tpu.memory_space<hbm>>
        %dma_start3A_215 = tpu.memref_slice %arg9[%rem3A_177] : memref<4x!tpu.dma_semaphore, #tpu.memory_space<semaphore_mem>> -> memref<1x!tpu.dma_semaphore, #tpu.memory_space<semaphore_mem>>
        %dma_start3A_216 = tpu.memref_squeeze %dma_start3A_215 : memref<1x!tpu.dma_semaphore, #tpu.memory_space<semaphore_mem>> -> memref<!tpu.dma_semaphore, #tpu.memory_space<semaphore_mem>>
        %dma_start3A_217 = arith.constant 0 : i32
        %dma_start3A_218 = arith.constant 0 : i32
        %dma_start3A_219 = tpu.memref_slice %arg5[%rem3A_177, %dma_start3A_217, %dma_start3A_218] : memref<4x2x125xi32, #tpu.memory_space<vmem>> -> memref<1x2x125xi32, #tpu.memory_space<vmem>>
        %dma_start3A_220 = tpu.memref_squeeze %dma_start3A_219 : memref<1x2x125xi32, #tpu.memory_space<vmem>> -> memref<2x125xi32, #tpu.memory_space<vmem>>
        %dma_start3A_221 = arith.constant 0 : i32
        %dma_start3A_222 = arith.constant 0 : i32
        %dma_start3A_223 = tpu.memref_slice %arg3[%add3A, %add3A_206, %dma_start3A_221, %dma_start3A_222] : memref<32x80x2x125xi32, #tpu.memory_space<hbm>> -> memref<1x1x2x125xi32, #tpu.memory_space<hbm>>
        %dma_start3A_224 = tpu.memref_squeeze %dma_start3A_223 : memref<1x1x2x125xi32, #tpu.memory_space<hbm>> -> memref<2x125xi32, #tpu.memory_space<hbm>>
        tpu.enqueue_dma source(%dma_start3A_224 : memref<2x125xi32, #tpu.memory_space<hbm>>) target(%dma_start3A_220 : memref<2x125xi32, #tpu.memory_space<vmem>>) target_semaphore(%dma_start3A_216 : memref<!tpu.dma_semaphore, #tpu.memory_space<semaphore_mem>>)
      } else {
      }
      %add3A_182 = arith.constant 2 : i32
      %add3A_183 = arith.addi %scan3A_165, %add3A_182 : i32
      %lt3A_184 = arith.constant 80 : i32
      %lt3A_185 = arith.cmpi slt, %add3A_183, %lt3A_184 : i32
      %convert_element_type3A_186 = arith.extui %lt3A_185 : i1 to i32
      %cond3A_187 = arith.constant 0 : i32
      %cond3A_188 = arith.cmpi ne, %convert_element_type3A_186, %cond3A_187 : i32
      scf.if %cond3A_188 {
        %add3A_205 = arith.constant 2 : i32
        %add3A_206 = arith.addi %scan3A_165, %add3A_205 : i32
        %dma_wait3A_207 = arith.constant 0 : i32
        %dma_wait3A_208 = arith.constant 0 : i32
        %dma_wait3A_209 = tpu.memref_slice %arg5[%rem3A_173, %dma_wait3A_207, %dma_wait3A_208] : memref<4x2x125xi32, #tpu.memory_space<vmem>> -> memref<1x2x125xi32, #tpu.memory_space<vmem>>
        %dma_wait3A_210 = tpu.memref_squeeze %dma_wait3A_209 : memref<1x2x125xi32, #tpu.memory_space<vmem>> -> memref<2x125xi32, #tpu.memory_space<vmem>>
        %dma_wait3A_211 = arith.constant 0 : i32
        %dma_wait3A_212 = arith.constant 0 : i32
        %dma_wait3A_213 = tpu.memref_slice %arg3[%add3A, %add3A_206, %dma_wait3A_211, %dma_wait3A_212] : memref<32x80x2x125xi32, #tpu.memory_space<hbm>> -> memref<1x1x2x125xi32, #tpu.memory_space<hbm>>
        %dma_wait3A_214 = tpu.memref_squeeze %dma_wait3A_213 : memref<1x1x2x125xi32, #tpu.memory_space<hbm>> -> memref<2x125xi32, #tpu.memory_space<hbm>>
        %dma_wait3A_215 = tpu.memref_slice %arg9[%rem3A_173] : memref<4x!tpu.dma_semaphore, #tpu.memory_space<semaphore_mem>> -> memref<1x!tpu.dma_semaphore, #tpu.memory_space<semaphore_mem>>
        %dma_wait3A_216 = tpu.memref_squeeze %dma_wait3A_215 : memref<1x!tpu.dma_semaphore, #tpu.memory_space<semaphore_mem>> -> memref<!tpu.dma_semaphore, #tpu.memory_space<semaphore_mem>>
        %dma_wait3A_217 = arith.constant 0 : i32
        %dma_wait3A_218 = arith.constant 0 : i32
        %dma_wait3A_219 = tpu.memref_slice %arg5[%rem3A_173, %dma_wait3A_217, %dma_wait3A_218] : memref<4x2x125xi32, #tpu.memory_space<vmem>> -> memref<1x2x125xi32, #tpu.memory_space<vmem>>
        %dma_wait3A_220 = tpu.memref_squeeze %dma_wait3A_219 : memref<1x2x125xi32, #tpu.memory_space<vmem>> -> memref<2x125xi32, #tpu.memory_space<vmem>>
        %dma_wait3A_221 = arith.constant 0 : i32
        %dma_wait3A_222 = arith.constant 0 : i32
        %dma_wait3A_223 = tpu.memref_slice %arg3[%add3A, %add3A_206, %dma_wait3A_221, %dma_wait3A_222] : memref<32x80x2x125xi32, #tpu.memory_space<hbm>> -> memref<1x1x2x125xi32, #tpu.memory_space<hbm>>
        %dma_wait3A_224 = tpu.memref_squeeze %dma_wait3A_223 : memref<1x1x2x125xi32, #tpu.memory_space<hbm>> -> memref<2x125xi32, #tpu.memory_space<hbm>>
        tpu.wait_dma2 semaphore(%dma_wait3A_216 : memref<!tpu.dma_semaphore, #tpu.memory_space<semaphore_mem>>) src(%dma_wait3A_224 : memref<2x125xi32, #tpu.memory_space<hbm>>) dst(%dma_wait3A_220 : memref<2x125xi32, #tpu.memory_space<vmem>>)
        %add3A_225 = arith.constant 2 : i32
        %add3A_226 = arith.addi %scan3A_165, %add3A_225 : i32
        %rem3A_227 = arith.constant 3 : i32
        %rem3A_228 = arith.remsi %add3A_226, %rem3A_227 : i32
        %add3A_229 = arith.constant 2 : i32
        %add3A_230 = arith.addi %scan3A_165, %add3A_229 : i32
        %rem3A_231 = arith.constant 3 : i32
        %rem3A_232 = arith.remsi %add3A_230, %rem3A_231 : i32
        %dma_start3A_233 = arith.constant 0 : i32
        %dma_start3A_234 = arith.constant 0 : i32
        %dma_start3A_235 = arith.constant 0 : i32
        %dma_start3A_236 = tpu.memref_slice %arg6[%rem3A_228, %dma_start3A_234, %dma_start3A_235] : memref<3x125x128xf32, #tpu.memory_space<vmem>> -> memref<1x125x128xf32, #tpu.memory_space<vmem>>
        %dma_start3A_237 = tpu.memref_squeeze %dma_start3A_236 : memref<1x125x128xf32, #tpu.memory_space<vmem>> -> memref<125x128xf32, #tpu.memory_space<vmem>>
        %dma_start3A_238 = arith.constant 0 : i32
        %dma_start3A_239 = tpu.memref_slice %arg5[%rem3A_173, %dma_start3A_233, %dma_start3A_238] : memref<4x2x125xi32, #tpu.memory_space<vmem>> -> memref<1x1x125xi32, #tpu.memory_space<vmem>>
        %dma_start3A_240 = tpu.memref_squeeze %dma_start3A_239 : memref<1x1x125xi32, #tpu.memory_space<vmem>> -> memref<125xi32, #tpu.memory_space<vmem>>
        %dma_start3A_241 = arith.constant 0 : i32
        %dma_start3A_242 = arith.constant 0 : i32
        %dma_start3A_243 = tpu.memref_slice %arg2[%dma_start3A_241, %dma_start3A_242] : memref<10000x128xf32, #tpu.memory_space<hbm>> -> memref<10000x128xf32, #tpu.memory_space<hbm>>
        %dma_start3A_244 = tpu.memref_slice %arg8[%rem3A_232] : memref<3x!tpu.dma_semaphore, #tpu.memory_space<semaphore_mem>> -> memref<1x!tpu.dma_semaphore, #tpu.memory_space<semaphore_mem>>
        %dma_start3A_245 = tpu.memref_squeeze %dma_start3A_244 : memref<1x!tpu.dma_semaphore, #tpu.memory_space<semaphore_mem>> -> memref<!tpu.dma_semaphore, #tpu.memory_space<semaphore_mem>>
        tpu.enqueue_indirect_dma source(%dma_start3A_243 : memref<10000x128xf32, #tpu.memory_space<hbm>>) target(%dma_start3A_237 : memref<125x128xf32, #tpu.memory_space<vmem>>) offsets(%dma_start3A_240 : memref<125xi32, #tpu.memory_space<vmem>>) semaphore(%dma_start3A_245 : memref<!tpu.dma_semaphore, #tpu.memory_space<semaphore_mem>>)
      } else {
      }
      %dma_wait3A_189 = arith.constant 0 : i32
      %dma_wait3A_190 = arith.constant 0 : i32
      %dma_wait3A_191 = arith.constant 0 : i32
      %dma_wait3A_192 = tpu.memref_slice %arg6[%rem3A_167, %dma_wait3A_190, %dma_wait3A_191] : memref<3x125x128xf32, #tpu.memory_space<vmem>> -> memref<1x125x128xf32, #tpu.memory_space<vmem>>
      %dma_wait3A_193 = tpu.memref_squeeze %dma_wait3A_192 : memref<1x125x128xf32, #tpu.memory_space<vmem>> -> memref<125x128xf32, #tpu.memory_space<vmem>>
      %dma_wait3A_194 = arith.constant 0 : i32
      %dma_wait3A_195 = tpu.memref_slice %arg5[%rem3A_169, %dma_wait3A_189, %dma_wait3A_194] : memref<4x2x125xi32, #tpu.memory_space<vmem>> -> memref<1x1x125xi32, #tpu.memory_space<vmem>>
      %dma_wait3A_196 = tpu.memref_squeeze %dma_wait3A_195 : memref<1x1x125xi32, #tpu.memory_space<vmem>> -> memref<125xi32, #tpu.memory_space<vmem>>
      %dma_wait3A_197 = arith.constant 0 : i32
      %dma_wait3A_198 = arith.constant 0 : i32
      %dma_wait3A_199 = tpu.memref_slice %arg2[%dma_wait3A_197, %dma_wait3A_198] : memref<10000x128xf32, #tpu.memory_space<hbm>> -> memref<10000x128xf32, #tpu.memory_space<hbm>>
      %dma_wait3A_200 = tpu.memref_slice %arg8[%rem3A_167] : memref<3x!tpu.dma_semaphore, #tpu.memory_space<semaphore_mem>> -> memref<1x!tpu.dma_semaphore, #tpu.memory_space<semaphore_mem>>
      %dma_wait3A_201 = tpu.memref_squeeze %dma_wait3A_200 : memref<1x!tpu.dma_semaphore, #tpu.memory_space<semaphore_mem>> -> memref<!tpu.dma_semaphore, #tpu.memory_space<semaphore_mem>>
      tpu.wait_indirect_dma semaphore(%dma_wait3A_201 : memref<!tpu.dma_semaphore, #tpu.memory_space<semaphore_mem>>) src(%dma_wait3A_199 : memref<10000x128xf32, #tpu.memory_space<hbm>>) dst(%dma_wait3A_193 : memref<125x128xf32, #tpu.memory_space<vmem>>)
      %mul3A_202 = arith.constant 632 : i32
      %mul3A_203 = arith.muli %arg1, %mul3A_202 : i32
      "tpu.region"() ({
        %run_scoped3A_205 = tpu.sem_alloc : memref<!tpu.dma_semaphore, #tpu.memory_space<semaphore_mem>>
        %dma_start3A_206 = arith.constant 0 : i32
        %dma_start3A_207 = arith.constant 0 : i32
        %dma_start3A_208 = tpu.memref_slice %arg6[%rem3A_167, %dma_start3A_206, %dma_start3A_207] : memref<3x125x128xf32, #tpu.memory_space<vmem>> -> memref<1x125x128xf32, #tpu.memory_space<vmem>>
        %dma_start3A_209 = tpu.memref_squeeze %dma_start3A_208 : memref<1x125x128xf32, #tpu.memory_space<vmem>> -> memref<125x128xf32, #tpu.memory_space<vmem>>
        %dma_start3A_210 = arith.constant 0 : i32
        %dma_start3A_211 = tpu.memref_slice %arg7[%mul3A_203, %dma_start3A_210] : memref<10112x128xf32, #tpu.memory_space<vmem_shared>> -> memref<125x128xf32, #tpu.memory_space<vmem_shared>>
        %dma_start3A_212 = arith.constant 0 : i32
        %dma_start3A_213 = tpu.memref_slice %arg7[%mul3A_203, %dma_start3A_212] : memref<10112x128xf32, #tpu.memory_space<vmem_shared>> -> memref<125x128xf32, #tpu.memory_space<vmem_shared>>
        %dma_start3A_214 = arith.constant 0 : i32
        %dma_start3A_215 = arith.constant 0 : i32
        %dma_start3A_216 = tpu.memref_slice %arg6[%rem3A_167, %dma_start3A_214, %dma_start3A_215] : memref<3x125x128xf32, #tpu.memory_space<vmem>> -> memref<1x125x128xf32, #tpu.memory_space<vmem>>
        %dma_start3A_217 = tpu.memref_squeeze %dma_start3A_216 : memref<1x125x128xf32, #tpu.memory_space<vmem>> -> memref<125x128xf32, #tpu.memory_space<vmem>>
        tpu.enqueue_dma source(%dma_start3A_217 : memref<125x128xf32, #tpu.memory_space<vmem>>) target(%dma_start3A_213 : memref<125x128xf32, #tpu.memory_space<vmem_shared>>) target_semaphore(%run_scoped3A_205 : memref<!tpu.dma_semaphore, #tpu.memory_space<semaphore_mem>>)
        %dma_wait3A_218 = arith.constant 0 : i32
        %dma_wait3A_219 = arith.constant 0 : i32
        %dma_wait3A_220 = tpu.memref_slice %arg6[%rem3A_167, %dma_wait3A_218, %dma_wait3A_219] : memref<3x125x128xf32, #tpu.memory_space<vmem>> -> memref<1x125x128xf32, #tpu.memory_space<vmem>>
        %dma_wait3A_221 = tpu.memref_squeeze %dma_wait3A_220 : memref<1x125x128xf32, #tpu.memory_space<vmem>> -> memref<125x128xf32, #tpu.memory_space<vmem>>
        %dma_wait3A_222 = arith.constant 0 : i32
        %dma_wait3A_223 = tpu.memref_slice %arg7[%mul3A_203, %dma_wait3A_222] : memref<10112x128xf32, #tpu.memory_space<vmem_shared>> -> memref<125x128xf32, #tpu.memory_space<vmem_shared>>
        %dma_wait3A_224 = arith.constant 0 : i32
        %dma_wait3A_225 = tpu.memref_slice %arg7[%mul3A_203, %dma_wait3A_224] : memref<10112x128xf32, #tpu.memory_space<vmem_shared>> -> memref<125x128xf32, #tpu.memory_space<vmem_shared>>
        %dma_wait3A_226 = arith.constant 0 : i32
        %dma_wait3A_227 = arith.constant 0 : i32
        %dma_wait3A_228 = tpu.memref_slice %arg6[%rem3A_167, %dma_wait3A_226, %dma_wait3A_227] : memref<3x125x128xf32, #tpu.memory_space<vmem>> -> memref<1x125x128xf32, #tpu.memory_space<vmem>>
        %dma_wait3A_229 = tpu.memref_squeeze %dma_wait3A_228 : memref<1x125x128xf32, #tpu.memory_space<vmem>> -> memref<125x128xf32, #tpu.memory_space<vmem>>
        tpu.wait_dma2 semaphore(%run_scoped3A_205 : memref<!tpu.dma_semaphore, #tpu.memory_space<semaphore_mem>>) src(%dma_wait3A_229 : memref<125x128xf32, #tpu.memory_space<vmem>>) dst(%dma_wait3A_225 : memref<125x128xf32, #tpu.memory_space<vmem_shared>>)
        tpu.yield
      }) : () -> ()
      %scan3A_204 = arith.constant 0 : i32
      scf.yield %scan3A_204 : i32
    }
    %scan3A_159 = arith.constant 80 : i32
    %barrier3A_160 = arith.constant 0 : index
    tpu.barrier barrier_id(%barrier3A_160)
    %mul3A_161 = arith.constant 632 : i32
    %mul3A_162 = arith.muli %arg1, %mul3A_161 : i32
    %mul3A_163 = arith.constant 632 : i32
    %mul3A_164 = arith.muli %arg1, %mul3A_163 : i32
    "tpu.region"() ({
      %run_scoped3A_165 = tpu.sem_alloc : memref<!tpu.dma_semaphore, #tpu.memory_space<semaphore_mem>>
      %dma_start3A_166 = arith.constant 0 : i32
      %dma_start3A_167 = tpu.memref_slice %arg4[%arg0, %mul3A_164, %dma_start3A_166] : memref<2x10112x128xf32, #tpu.memory_space<hbm>> -> memref<1x632x128xf32, #tpu.memory_space<hbm>>
      %dma_start3A_168 = tpu.memref_squeeze %dma_start3A_167 : memref<1x632x128xf32, #tpu.memory_space<hbm>> -> memref<632x128xf32, #tpu.memory_space<hbm>>
      %dma_start3A_169 = arith.constant 0 : i32
      %dma_start3A_170 = tpu.memref_slice %arg7[%mul3A_162, %dma_start3A_169] : memref<10112x128xf32, #tpu.memory_space<vmem_shared>> -> memref<632x128xf32, #tpu.memory_space<vmem_shared>>
      tpu.enqueue_dma source(%dma_start3A_170 : memref<632x128xf32, #tpu.memory_space<vmem_shared>>) target(%dma_start3A_168 : memref<632x128xf32, #tpu.memory_space<hbm>>) target_semaphore(%run_scoped3A_165 : memref<!tpu.dma_semaphore, #tpu.memory_space<semaphore_mem>>)
      %dma_wait3A_171 = arith.constant 0 : i32
      %dma_wait3A_172 = tpu.memref_slice %arg4[%arg0, %mul3A_164, %dma_wait3A_171] : memref<2x10112x128xf32, #tpu.memory_space<hbm>> -> memref<1x632x128xf32, #tpu.memory_space<hbm>>
      %dma_wait3A_173 = tpu.memref_squeeze %dma_wait3A_172 : memref<1x632x128xf32, #tpu.memory_space<hbm>> -> memref<632x128xf32, #tpu.memory_space<hbm>>
      %dma_wait3A_174 = arith.constant 0 : i32
      %dma_wait3A_175 = tpu.memref_slice %arg7[%mul3A_162, %dma_wait3A_174] : memref<10112x128xf32, #tpu.memory_space<vmem_shared>> -> memref<632x128xf32, #tpu.memory_space<vmem_shared>>
      tpu.wait_dma2 semaphore(%run_scoped3A_165 : memref<!tpu.dma_semaphore, #tpu.memory_space<semaphore_mem>>) src(%dma_wait3A_175 : memref<632x128xf32, #tpu.memory_space<vmem_shared>>) dst(%dma_wait3A_173 : memref<632x128xf32, #tpu.memory_space<hbm>>)
      tpu.yield
    }) : () -> ()
    return
  }
}

#map = affine_map<(d0, d1) -> (0, 0)>
#map1 = affine_map<(d0, d1) -> (0, 0, 0, 0)>
#map2 = affine_map<(d0, d1) -> (0, 0, 0)>
module attributes {stable_mosaic.version = 14 : i64} {
  func.func @agg_kernel(%arg0: i32, %arg1: i32, %arg2: memref<10000x128xf32, #tpu.memory_space<hbm>>, %arg3: memref<32x80x2x125xi32, #tpu.memory_space<hbm>>, %arg4: memref<2x10112x128xf32, #tpu.memory_space<hbm>>, %arg5: memref<4x2x125xi32, #tpu.memory_space<vmem>>, %arg6: memref<3x125x128xf32, #tpu.memory_space<vmem>>, %arg7: memref<10112x128xf32, #tpu.memory_space<vmem_shared>>, %arg8: memref<3x!tpu.dma_semaphore, #tpu.memory_space<semaphore_mem>>, %arg9: memref<4x!tpu.dma_semaphore, #tpu.memory_space<semaphore_mem>>) attributes {dimension_semantics = [#tpu.dimension_semantics<core_parallel>, #tpu.dimension_semantics<subcore_parallel>], iteration_bounds = array<i64: 2, 16>, scalar_prefetch = 0 : i64, scratch_operands = 5 : i64, tpu.core_type = #tpu.core_type<sc_vector_subcore>, window_params = [{transform_indices = #map}, {transform_indices = #map1}, {transform_indices = #map2}]} {
    %mul3A = arith.constant 2 : i32
    %mul3A_0 = arith.muli %arg1, %mul3A : i32
    %add3A = arith.addi %mul3A_0, %arg0 : i32
    %dma_start3A = arith.constant 0 : i32
    %dma_start3A_1 = arith.constant 0 : i32
    %dma_start3A_2 = arith.constant 0 : i32
    %dma_start3A_3 = arith.constant 0 : i32
    %dma_start3A_4 = arith.constant 0 : i32
    %dma_start3A_5 = tpu.memref_slice %arg5[%dma_start3A_1, %dma_start3A_3, %dma_start3A_4] : memref<4x2x125xi32, #tpu.memory_space<vmem>> -> memref<1x2x125xi32, #tpu.memory_space<vmem>>
    %dma_start3A_6 = tpu.memref_squeeze %dma_start3A_5 : memref<1x2x125xi32, #tpu.memory_space<vmem>> -> memref<2x125xi32, #tpu.memory_space<vmem>>
    %dma_start3A_7 = arith.constant 0 : i32
    %dma_start3A_8 = arith.constant 0 : i32
    %dma_start3A_9 = tpu.memref_slice %arg3[%add3A, %dma_start3A, %dma_start3A_7, %dma_start3A_8] : memref<32x80x2x125xi32, #tpu.memory_space<hbm>> -> memref<1x1x2x125xi32, #tpu.memory_space<hbm>>
    %dma_start3A_10 = tpu.memref_squeeze %dma_start3A_9 : memref<1x1x2x125xi32, #tpu.memory_space<hbm>> -> memref<2x125xi32, #tpu.memory_space<hbm>>
    %dma_start3A_11 = tpu.memref_slice %arg9[%dma_start3A_2] : memref<4x!tpu.dma_semaphore, #tpu.memory_space<semaphore_mem>> -> memref<1x!tpu.dma_semaphore, #tpu.memory_space<semaphore_mem>>
    %dma_start3A_12 = tpu.memref_squeeze %dma_start3A_11 : memref<1x!tpu.dma_semaphore, #tpu.memory_space<semaphore_mem>> -> memref<!tpu.dma_semaphore, #tpu.memory_space<semaphore_mem>>
    %dma_start3A_13 = arith.constant 0 : i32
    %dma_start3A_14 = arith.constant 0 : i32
    %dma_start3A_15 = tpu.memref_slice %arg5[%dma_start3A_1, %dma_start3A_13, %dma_start3A_14] : memref<4x2x125xi32, #tpu.memory_space<vmem>> -> memref<1x2x125xi32, #tpu.memory_space<vmem>>
    %dma_start3A_16 = tpu.memref_squeeze %dma_start3A_15 : memref<1x2x125xi32, #tpu.memory_space<vmem>> -> memref<2x125xi32, #tpu.memory_space<vmem>>
    %dma_start3A_17 = arith.constant 0 : i32
    %dma_start3A_18 = arith.constant 0 : i32
    %dma_start3A_19 = tpu.memref_slice %arg3[%add3A, %dma_start3A, %dma_start3A_17, %dma_start3A_18] : memref<32x80x2x125xi32, #tpu.memory_space<hbm>> -> memref<1x1x2x125xi32, #tpu.memory_space<hbm>>
    %dma_start3A_20 = tpu.memref_squeeze %dma_start3A_19 : memref<1x1x2x125xi32, #tpu.memory_space<hbm>> -> memref<2x125xi32, #tpu.memory_space<hbm>>
    tpu.enqueue_dma source(%dma_start3A_20 : memref<2x125xi32, #tpu.memory_space<hbm>>) target(%dma_start3A_16 : memref<2x125xi32, #tpu.memory_space<vmem>>) target_semaphore(%dma_start3A_12 : memref<!tpu.dma_semaphore, #tpu.memory_space<semaphore_mem>>)
    %dma_start3A_21 = arith.constant 1 : i32
    %dma_start3A_22 = arith.constant 1 : i32
    %dma_start3A_23 = arith.constant 1 : i32
    %dma_start3A_24 = arith.constant 0 : i32
    %dma_start3A_25 = arith.constant 0 : i32
    %dma_start3A_26 = tpu.memref_slice %arg5[%dma_start3A_22, %dma_start3A_24, %dma_start3A_25] : memref<4x2x125xi32, #tpu.memory_space<vmem>> -> memref<1x2x125xi32, #tpu.memory_space<vmem>>
    %dma_start3A_27 = tpu.memref_squeeze %dma_start3A_26 : memref<1x2x125xi32, #tpu.memory_space<vmem>> -> memref<2x125xi32, #tpu.memory_space<vmem>>
    %dma_start3A_28 = arith.constant 0 : i32
    %dma_start3A_29 = arith.constant 0 : i32
    %dma_start3A_30 = tpu.memref_slice %arg3[%add3A, %dma_start3A_21, %dma_start3A_28, %dma_start3A_29] : memref<32x80x2x125xi32, #tpu.memory_space<hbm>> -> memref<1x1x2x125xi32, #tpu.memory_space<hbm>>
    %dma_start3A_31 = tpu.memref_squeeze %dma_start3A_30 : memref<1x1x2x125xi32, #tpu.memory_space<hbm>> -> memref<2x125xi32, #tpu.memory_space<hbm>>
    %dma_start3A_32 = tpu.memref_slice %arg9[%dma_start3A_23] : memref<4x!tpu.dma_semaphore, #tpu.memory_space<semaphore_mem>> -> memref<1x!tpu.dma_semaphore, #tpu.memory_space<semaphore_mem>>
    %dma_start3A_33 = tpu.memref_squeeze %dma_start3A_32 : memref<1x!tpu.dma_semaphore, #tpu.memory_space<semaphore_mem>> -> memref<!tpu.dma_semaphore, #tpu.memory_space<semaphore_mem>>
    %dma_start3A_34 = arith.constant 0 : i32
    %dma_start3A_35 = arith.constant 0 : i32
    %dma_start3A_36 = tpu.memref_slice %arg5[%dma_start3A_22, %dma_start3A_34, %dma_start3A_35] : memref<4x2x125xi32, #tpu.memory_space<vmem>> -> memref<1x2x125xi32, #tpu.memory_space<vmem>>
    %dma_start3A_37 = tpu.memref_squeeze %dma_start3A_36 : memref<1x2x125xi32, #tpu.memory_space<vmem>> -> memref<2x125xi32, #tpu.memory_space<vmem>>
    %dma_start3A_38 = arith.constant 0 : i32
    %dma_start3A_39 = arith.constant 0 : i32
    %dma_start3A_40 = tpu.memref_slice %arg3[%add3A, %dma_start3A_21, %dma_start3A_38, %dma_start3A_39] : memref<32x80x2x125xi32, #tpu.memory_space<hbm>> -> memref<1x1x2x125xi32, #tpu.memory_space<hbm>>
    %dma_start3A_41 = tpu.memref_squeeze %dma_start3A_40 : memref<1x1x2x125xi32, #tpu.memory_space<hbm>> -> memref<2x125xi32, #tpu.memory_space<hbm>>
    tpu.enqueue_dma source(%dma_start3A_41 : memref<2x125xi32, #tpu.memory_space<hbm>>) target(%dma_start3A_37 : memref<2x125xi32, #tpu.memory_space<vmem>>) target_semaphore(%dma_start3A_33 : memref<!tpu.dma_semaphore, #tpu.memory_space<semaphore_mem>>)
    %dma_start3A_42 = arith.constant 2 : i32
    %dma_start3A_43 = arith.constant 2 : i32
    %dma_start3A_44 = arith.constant 2 : i32
    %dma_start3A_45 = arith.constant 0 : i32
    %dma_start3A_46 = arith.constant 0 : i32
    %dma_start3A_47 = tpu.memref_slice %arg5[%dma_start3A_43, %dma_start3A_45, %dma_start3A_46] : memref<4x2x125xi32, #tpu.memory_space<vmem>> -> memref<1x2x125xi32, #tpu.memory_space<vmem>>
    %dma_start3A_48 = tpu.memref_squeeze %dma_start3A_47 : memref<1x2x125xi32, #tpu.memory_space<vmem>> -> memref<2x125xi32, #tpu.memory_space<vmem>>
    %dma_start3A_49 = arith.constant 0 : i32
    %dma_start3A_50 = arith.constant 0 : i32
    %dma_start3A_51 = tpu.memref_slice %arg3[%add3A, %dma_start3A_42, %dma_start3A_49, %dma_start3A_50] : memref<32x80x2x125xi32, #tpu.memory_space<hbm>> -> memref<1x1x2x125xi32, #tpu.memory_space<hbm>>
    %dma_start3A_52 = tpu.memref_squeeze %dma_start3A_51 : memref<1x1x2x125xi32, #tpu.memory_space<hbm>> -> memref<2x125xi32, #tpu.memory_space<hbm>>
    %dma_start3A_53 = tpu.memref_slice %arg9[%dma_start3A_44] : memref<4x!tpu.dma_semaphore, #tpu.memory_space<semaphore_mem>> -> memref<1x!tpu.dma_semaphore, #tpu.memory_space<semaphore_mem>>
    %dma_start3A_54 = tpu.memref_squeeze %dma_start3A_53 : memref<1x!tpu.dma_semaphore, #tpu.memory_space<semaphore_mem>> -> memref<!tpu.dma_semaphore, #tpu.memory_space<semaphore_mem>>
    %dma_start3A_55 = arith.constant 0 : i32
    %dma_start3A_56 = arith.constant 0 : i32
    %dma_start3A_57 = tpu.memref_slice %arg5[%dma_start3A_43, %dma_start3A_55, %dma_start3A_56] : memref<4x2x125xi32, #tpu.memory_space<vmem>> -> memref<1x2x125xi32, #tpu.memory_space<vmem>>
    %dma_start3A_58 = tpu.memref_squeeze %dma_start3A_57 : memref<1x2x125xi32, #tpu.memory_space<vmem>> -> memref<2x125xi32, #tpu.memory_space<vmem>>
    %dma_start3A_59 = arith.constant 0 : i32
    %dma_start3A_60 = arith.constant 0 : i32
    %dma_start3A_61 = tpu.memref_slice %arg3[%add3A, %dma_start3A_42, %dma_start3A_59, %dma_start3A_60] : memref<32x80x2x125xi32, #tpu.memory_space<hbm>> -> memref<1x1x2x125xi32, #tpu.memory_space<hbm>>
    %dma_start3A_62 = tpu.memref_squeeze %dma_start3A_61 : memref<1x1x2x125xi32, #tpu.memory_space<hbm>> -> memref<2x125xi32, #tpu.memory_space<hbm>>
    tpu.enqueue_dma source(%dma_start3A_62 : memref<2x125xi32, #tpu.memory_space<hbm>>) target(%dma_start3A_58 : memref<2x125xi32, #tpu.memory_space<vmem>>) target_semaphore(%dma_start3A_54 : memref<!tpu.dma_semaphore, #tpu.memory_space<semaphore_mem>>)
    %scan3A = arith.constant 0 : i32
    %scan3A_63 = arith.constant 0 : i32
    %scan3A_64 = arith.constant 125 : i32
    %scan3A_65 = arith.addi %scan3A_63, %scan3A_64 : i32
    %scan3A_66 = arith.constant 1 : i32
    %scan3A_67 = scf.for %scan3A_165 = %scan3A_63 to %scan3A_65 step %scan3A_66 iter_args(%scan3A_166 = %scan3A) -> (i32)  : i32 {
      %broadcast_in_dim3A = arith.constant 0.000000e+00 : f32
      %broadcast_in_dim3A_167 = vector.broadcast %broadcast_in_dim3A : f32 to vector<16xf32>
      %swap3A = arith.constant 0 : i32
      %swap3A_168 = arith.index_cast %swap3A : i32 to index
      %swap3A_169 = arith.index_cast %scan3A_165 : i32 to index
      %swap3A_170 = arith.constant 0 : index
      %swap3A_171 = tpu.vector_load %arg6[%swap3A_168, %swap3A_169, %swap3A_170] {strides = array<i32>} : memref<3x125x128xf32, #tpu.memory_space<vmem>>, vector<1x1x16xf32>,
      %swap3A_172 = vector.shape_cast %swap3A_171 : vector<1x1x16xf32> to vector<16xf32>
      %swap3A_173 = vector.shape_cast %broadcast_in_dim3A_167 : vector<16xf32> to vector<1x1x16xf32>
      tpu.vector_store %arg6[%swap3A_168, %swap3A_169, %swap3A_170], %swap3A_173 {strides = array<i32>} : memref<3x125x128xf32, #tpu.memory_space<vmem>>, vector<1x1x16xf32>,
      %broadcast_in_dim3A_174 = arith.constant 0.000000e+00 : f32
      %broadcast_in_dim3A_175 = vector.broadcast %broadcast_in_dim3A_174 : f32 to vector<16xf32>
      %swap3A_176 = arith.constant 0 : i32
      %swap3A_177 = arith.index_cast %swap3A_176 : i32 to index
      %swap3A_178 = arith.index_cast %scan3A_165 : i32 to index
      %swap3A_179 = arith.constant 16 : index
      %swap3A_180 = tpu.vector_load %arg6[%swap3A_177, %swap3A_178, %swap3A_179] {strides = array<i32>} : memref<3x125x128xf32, #tpu.memory_space<vmem>>, vector<1x1x16xf32>,
      %swap3A_181 = vector.shape_cast %swap3A_180 : vector<1x1x16xf32> to vector<16xf32>
      %swap3A_182 = vector.shape_cast %broadcast_in_dim3A_175 : vector<16xf32> to vector<1x1x16xf32>
      tpu.vector_store %arg6[%swap3A_177, %swap3A_178, %swap3A_179], %swap3A_182 {strides = array<i32>} : memref<3x125x128xf32, #tpu.memory_space<vmem>>, vector<1x1x16xf32>,
      %broadcast_in_dim3A_183 = arith.constant 0.000000e+00 : f32
      %broadcast_in_dim3A_184 = vector.broadcast %broadcast_in_dim3A_183 : f32 to vector<16xf32>
      %swap3A_185 = arith.constant 0 : i32
      %swap3A_186 = arith.index_cast %swap3A_185 : i32 to index
      %swap3A_187 = arith.index_cast %scan3A_165 : i32 to index
      %swap3A_188 = arith.constant 32 : index
      %swap3A_189 = tpu.vector_load %arg6[%swap3A_186, %swap3A_187, %swap3A_188] {strides = array<i32>} : memref<3x125x128xf32, #tpu.memory_space<vmem>>, vector<1x1x16xf32>,
      %swap3A_190 = vector.shape_cast %swap3A_189 : vector<1x1x16xf32> to vector<16xf32>
      %swap3A_191 = vector.shape_cast %broadcast_in_dim3A_184 : vector<16xf32> to vector<1x1x16xf32>
      tpu.vector_store %arg6[%swap3A_186, %swap3A_187, %swap3A_188], %swap3A_191 {strides = array<i32>} : memref<3x125x128xf32, #tpu.memory_space<vmem>>, vector<1x1x16xf32>,
      %broadcast_in_dim3A_192 = arith.constant 0.000000e+00 : f32
      %broadcast_in_dim3A_193 = vector.broadcast %broadcast_in_dim3A_192 : f32 to vector<16xf32>
      %swap3A_194 = arith.constant 0 : i32
      %swap3A_195 = arith.index_cast %swap3A_194 : i32 to index
      %swap3A_196 = arith.index_cast %scan3A_165 : i32 to index
      %swap3A_197 = arith.constant 48 : index
      %swap3A_198 = tpu.vector_load %arg6[%swap3A_195, %swap3A_196, %swap3A_197] {strides = array<i32>} : memref<3x125x128xf32, #tpu.memory_space<vmem>>, vector<1x1x16xf32>,
      %swap3A_199 = vector.shape_cast %swap3A_198 : vector<1x1x16xf32> to vector<16xf32>
      %swap3A_200 = vector.shape_cast %broadcast_in_dim3A_193 : vector<16xf32> to vector<1x1x16xf32>
      tpu.vector_store %arg6[%swap3A_195, %swap3A_196, %swap3A_197], %swap3A_200 {strides = array<i32>} : memref<3x125x128xf32, #tpu.memory_space<vmem>>, vector<1x1x16xf32>,
      %broadcast_in_dim3A_201 = arith.constant 0.000000e+00 : f32
      %broadcast_in_dim3A_202 = vector.broadcast %broadcast_in_dim3A_201 : f32 to vector<16xf32>
      %swap3A_203 = arith.constant 0 : i32
      %swap3A_204 = arith.index_cast %swap3A_203 : i32 to index
      %swap3A_205 = arith.index_cast %scan3A_165 : i32 to index
      %swap3A_206 = arith.constant 64 : index
      %swap3A_207 = tpu.vector_load %arg6[%swap3A_204, %swap3A_205, %swap3A_206] {strides = array<i32>} : memref<3x125x128xf32, #tpu.memory_space<vmem>>, vector<1x1x16xf32>,
      %swap3A_208 = vector.shape_cast %swap3A_207 : vector<1x1x16xf32> to vector<16xf32>
      %swap3A_209 = vector.shape_cast %broadcast_in_dim3A_202 : vector<16xf32> to vector<1x1x16xf32>
      tpu.vector_store %arg6[%swap3A_204, %swap3A_205, %swap3A_206], %swap3A_209 {strides = array<i32>} : memref<3x125x128xf32, #tpu.memory_space<vmem>>, vector<1x1x16xf32>,
      %broadcast_in_dim3A_210 = arith.constant 0.000000e+00 : f32
      %broadcast_in_dim3A_211 = vector.broadcast %broadcast_in_dim3A_210 : f32 to vector<16xf32>
      %swap3A_212 = arith.constant 0 : i32
      %swap3A_213 = arith.index_cast %swap3A_212 : i32 to index
      %swap3A_214 = arith.index_cast %scan3A_165 : i32 to index
      %swap3A_215 = arith.constant 80 : index
      %swap3A_216 = tpu.vector_load %arg6[%swap3A_213, %swap3A_214, %swap3A_215] {strides = array<i32>} : memref<3x125x128xf32, #tpu.memory_space<vmem>>, vector<1x1x16xf32>,
      %swap3A_217 = vector.shape_cast %swap3A_216 : vector<1x1x16xf32> to vector<16xf32>
      %swap3A_218 = vector.shape_cast %broadcast_in_dim3A_211 : vector<16xf32> to vector<1x1x16xf32>
      tpu.vector_store %arg6[%swap3A_213, %swap3A_214, %swap3A_215], %swap3A_218 {strides = array<i32>} : memref<3x125x128xf32, #tpu.memory_space<vmem>>, vector<1x1x16xf32>,
      %broadcast_in_dim3A_219 = arith.constant 0.000000e+00 : f32
      %broadcast_in_dim3A_220 = vector.broadcast %broadcast_in_dim3A_219 : f32 to vector<16xf32>
      %swap3A_221 = arith.constant 0 : i32
      %swap3A_222 = arith.index_cast %swap3A_221 : i32 to index
      %swap3A_223 = arith.index_cast %scan3A_165 : i32 to index
      %swap3A_224 = arith.constant 96 : index
      %swap3A_225 = tpu.vector_load %arg6[%swap3A_222, %swap3A_223, %swap3A_224] {strides = array<i32>} : memref<3x125x128xf32, #tpu.memory_space<vmem>>, vector<1x1x16xf32>,
      %swap3A_226 = vector.shape_cast %swap3A_225 : vector<1x1x16xf32> to vector<16xf32>
      %swap3A_227 = vector.shape_cast %broadcast_in_dim3A_220 : vector<16xf32> to vector<1x1x16xf32>
      tpu.vector_store %arg6[%swap3A_222, %swap3A_223, %swap3A_224], %swap3A_227 {strides = array<i32>} : memref<3x125x128xf32, #tpu.memory_space<vmem>>, vector<1x1x16xf32>,
      %broadcast_in_dim3A_228 = arith.constant 0.000000e+00 : f32
      %broadcast_in_dim3A_229 = vector.broadcast %broadcast_in_dim3A_228 : f32 to vector<16xf32>
      %swap3A_230 = arith.constant 0 : i32
      %swap3A_231 = arith.index_cast %swap3A_230 : i32 to index
      %swap3A_232 = arith.index_cast %scan3A_165 : i32 to index
      %swap3A_233 = arith.constant 112 : index
      %swap3A_234 = tpu.vector_load %arg6[%swap3A_231, %swap3A_232, %swap3A_233] {strides = array<i32>} : memref<3x125x128xf32, #tpu.memory_space<vmem>>, vector<1x1x16xf32>,
      %swap3A_235 = vector.shape_cast %swap3A_234 : vector<1x1x16xf32> to vector<16xf32>
      %swap3A_236 = vector.shape_cast %broadcast_in_dim3A_229 : vector<16xf32> to vector<1x1x16xf32>
      tpu.vector_store %arg6[%swap3A_231, %swap3A_232, %swap3A_233], %swap3A_236 {strides = array<i32>} : memref<3x125x128xf32, #tpu.memory_space<vmem>>, vector<1x1x16xf32>,
      %scan3A_237 = arith.constant 0 : i32
      scf.yield %scan3A_237 : i32
    }
    %scan3A_68 = arith.constant 125 : i32
    %scan3A_69 = arith.constant 0 : i32
    %scan3A_70 = arith.constant 0 : i32
    %scan3A_71 = arith.constant 5 : i32
    %scan3A_72 = arith.addi %scan3A_70, %scan3A_71 : i32
    %scan3A_73 = arith.constant 1 : i32
    %scan3A_74 = scf.for %scan3A_165 = %scan3A_70 to %scan3A_72 step %scan3A_73 iter_args(%scan3A_166 = %scan3A_69) -> (i32)  : i32 {
      %mul3A_167 = arith.constant 632 : i32
      %mul3A_168 = arith.muli %arg1, %mul3A_167 : i32
      %mul3A_169 = arith.constant 120 : i32
      %mul3A_170 = arith.muli %scan3A_165, %mul3A_169 : i32
      %add3A_171 = arith.addi %mul3A_168, %mul3A_170 : i32
      %run_scoped3A_172 = arith.constant 0 : i32
      "tpu.region"() ({
        %run_scoped3A_174 = tpu.sem_alloc : memref<!tpu.dma_semaphore, #tpu.memory_space<semaphore_mem>>
        %dma_start3A_175 = arith.constant 0 : i32
        %dma_start3A_176 = arith.constant 0 : i32
        %dma_start3A_177 = tpu.memref_slice %arg6[%run_scoped3A_172, %dma_start3A_175, %dma_start3A_176] : memref<3x125x128xf32, #tpu.memory_space<vmem>> -> memref<1x120x128xf32, #tpu.memory_space<vmem>>
        %dma_start3A_178 = tpu.memref_squeeze %dma_start3A_177 : memref<1x120x128xf32, #tpu.memory_space<vmem>> -> memref<120x128xf32, #tpu.memory_space<vmem>>
        %dma_start3A_179 = arith.constant 0 : i32
        %dma_start3A_180 = tpu.memref_slice %arg7[%add3A_171, %dma_start3A_179] : memref<10112x128xf32, #tpu.memory_space<vmem_shared>> -> memref<120x128xf32, #tpu.memory_space<vmem_shared>>
        %dma_start3A_181 = arith.constant 0 : i32
        %dma_start3A_182 = tpu.memref_slice %arg7[%add3A_171, %dma_start3A_181] : memref<10112x128xf32, #tpu.memory_space<vmem_shared>> -> memref<120x128xf32, #tpu.memory_space<vmem_shared>>
        %dma_start3A_183 = arith.constant 0 : i32
        %dma_start3A_184 = arith.constant 0 : i32
        %dma_start3A_185 = tpu.memref_slice %arg6[%run_scoped3A_172, %dma_start3A_183, %dma_start3A_184] : memref<3x125x128xf32, #tpu.memory_space<vmem>> -> memref<1x120x128xf32, #tpu.memory_space<vmem>>
        %dma_start3A_186 = tpu.memref_squeeze %dma_start3A_185 : memref<1x120x128xf32, #tpu.memory_space<vmem>> -> memref<120x128xf32, #tpu.memory_space<vmem>>
        tpu.enqueue_dma source(%dma_start3A_186 : memref<120x128xf32, #tpu.memory_space<vmem>>) target(%dma_start3A_182 : memref<120x128xf32, #tpu.memory_space<vmem_shared>>) target_semaphore(%run_scoped3A_174 : memref<!tpu.dma_semaphore, #tpu.memory_space<semaphore_mem>>)
        %dma_wait3A_187 = arith.constant 0 : i32
        %dma_wait3A_188 = arith.constant 0 : i32
        %dma_wait3A_189 = tpu.memref_slice %arg6[%run_scoped3A_172, %dma_wait3A_187, %dma_wait3A_188] : memref<3x125x128xf32, #tpu.memory_space<vmem>> -> memref<1x120x128xf32, #tpu.memory_space<vmem>>
        %dma_wait3A_190 = tpu.memref_squeeze %dma_wait3A_189 : memref<1x120x128xf32, #tpu.memory_space<vmem>> -> memref<120x128xf32, #tpu.memory_space<vmem>>
        %dma_wait3A_191 = arith.constant 0 : i32
        %dma_wait3A_192 = tpu.memref_slice %arg7[%add3A_171, %dma_wait3A_191] : memref<10112x128xf32, #tpu.memory_space<vmem_shared>> -> memref<120x128xf32, #tpu.memory_space<vmem_shared>>
        %dma_wait3A_193 = arith.constant 0 : i32
        %dma_wait3A_194 = tpu.memref_slice %arg7[%add3A_171, %dma_wait3A_193] : memref<10112x128xf32, #tpu.memory_space<vmem_shared>> -> memref<120x128xf32, #tpu.memory_space<vmem_shared>>
        %dma_wait3A_195 = arith.constant 0 : i32
        %dma_wait3A_196 = arith.constant 0 : i32
        %dma_wait3A_197 = tpu.memref_slice %arg6[%run_scoped3A_172, %dma_wait3A_195, %dma_wait3A_196] : memref<3x125x128xf32, #tpu.memory_space<vmem>> -> memref<1x120x128xf32, #tpu.memory_space<vmem>>
        %dma_wait3A_198 = tpu.memref_squeeze %dma_wait3A_197 : memref<1x120x128xf32, #tpu.memory_space<vmem>> -> memref<120x128xf32, #tpu.memory_space<vmem>>
        tpu.wait_dma2 semaphore(%run_scoped3A_174 : memref<!tpu.dma_semaphore, #tpu.memory_space<semaphore_mem>>) src(%dma_wait3A_198 : memref<120x128xf32, #tpu.memory_space<vmem>>) dst(%dma_wait3A_194 : memref<120x128xf32, #tpu.memory_space<vmem_shared>>)
        tpu.yield
      }) : () -> ()
      %scan3A_173 = arith.constant 0 : i32
      scf.yield %scan3A_173 : i32
    }
    %scan3A_75 = arith.constant 5 : i32
    %mul3A_76 = arith.constant 632 : i32
    %mul3A_77 = arith.muli %arg1, %mul3A_76 : i32
    %add3A_78 = arith.constant 600 : i32
    %add3A_79 = arith.addi %mul3A_77, %add3A_78 : i32
    %run_scoped3A = arith.constant 0 : i32
    "tpu.region"() ({
      %run_scoped3A_165 = tpu.sem_alloc : memref<!tpu.dma_semaphore, #tpu.memory_space<semaphore_mem>>
      %dma_start3A_166 = arith.constant 0 : i32
      %dma_start3A_167 = arith.constant 0 : i32
      %dma_start3A_168 = tpu.memref_slice %arg6[%run_scoped3A, %dma_start3A_166, %dma_start3A_167] : memref<3x125x128xf32, #tpu.memory_space<vmem>> -> memref<1x32x128xf32, #tpu.memory_space<vmem>>
      %dma_start3A_169 = tpu.memref_squeeze %dma_start3A_168 : memref<1x32x128xf32, #tpu.memory_space<vmem>> -> memref<32x128xf32, #tpu.memory_space<vmem>>
      %dma_start3A_170 = arith.constant 0 : i32
      %dma_start3A_171 = tpu.memref_slice %arg7[%add3A_79, %dma_start3A_170] : memref<10112x128xf32, #tpu.memory_space<vmem_shared>> -> memref<32x128xf32, #tpu.memory_space<vmem_shared>>
      %dma_start3A_172 = arith.constant 0 : i32
      %dma_start3A_173 = tpu.memref_slice %arg7[%add3A_79, %dma_start3A_172] : memref<10112x128xf32, #tpu.memory_space<vmem_shared>> -> memref<32x128xf32, #tpu.memory_space<vmem_shared>>
      %dma_start3A_174 = arith.constant 0 : i32
      %dma_start3A_175 = arith.constant 0 : i32
      %dma_start3A_176 = tpu.memref_slice %arg6[%run_scoped3A, %dma_start3A_174, %dma_start3A_175] : memref<3x125x128xf32, #tpu.memory_space<vmem>> -> memref<1x32x128xf32, #tpu.memory_space<vmem>>
      %dma_start3A_177 = tpu.memref_squeeze %dma_start3A_176 : memref<1x32x128xf32, #tpu.memory_space<vmem>> -> memref<32x128xf32, #tpu.memory_space<vmem>>
      tpu.enqueue_dma source(%dma_start3A_177 : memref<32x128xf32, #tpu.memory_space<vmem>>) target(%dma_start3A_173 : memref<32x128xf32, #tpu.memory_space<vmem_shared>>) target_semaphore(%run_scoped3A_165 : memref<!tpu.dma_semaphore, #tpu.memory_space<semaphore_mem>>)
      %dma_wait3A_178 = arith.constant 0 : i32
      %dma_wait3A_179 = arith.constant 0 : i32
      %dma_wait3A_180 = tpu.memref_slice %arg6[%run_scoped3A, %dma_wait3A_178, %dma_wait3A_179] : memref<3x125x128xf32, #tpu.memory_space<vmem>> -> memref<1x32x128xf32, #tpu.memory_space<vmem>>
      %dma_wait3A_181 = tpu.memref_squeeze %dma_wait3A_180 : memref<1x32x128xf32, #tpu.memory_space<vmem>> -> memref<32x128xf32, #tpu.memory_space<vmem>>
      %dma_wait3A_182 = arith.constant 0 : i32
      %dma_wait3A_183 = tpu.memref_slice %arg7[%add3A_79, %dma_wait3A_182] : memref<10112x128xf32, #tpu.memory_space<vmem_shared>> -> memref<32x128xf32, #tpu.memory_space<vmem_shared>>
      %dma_wait3A_184 = arith.constant 0 : i32
      %dma_wait3A_185 = tpu.memref_slice %arg7[%add3A_79, %dma_wait3A_184] : memref<10112x128xf32, #tpu.memory_space<vmem_shared>> -> memref<32x128xf32, #tpu.memory_space<vmem_shared>>
      %dma_wait3A_186 = arith.constant 0 : i32
      %dma_wait3A_187 = arith.constant 0 : i32
      %dma_wait3A_188 = tpu.memref_slice %arg6[%run_scoped3A, %dma_wait3A_186, %dma_wait3A_187] : memref<3x125x128xf32, #tpu.memory_space<vmem>> -> memref<1x32x128xf32, #tpu.memory_space<vmem>>
      %dma_wait3A_189 = tpu.memref_squeeze %dma_wait3A_188 : memref<1x32x128xf32, #tpu.memory_space<vmem>> -> memref<32x128xf32, #tpu.memory_space<vmem>>
      tpu.wait_dma2 semaphore(%run_scoped3A_165 : memref<!tpu.dma_semaphore, #tpu.memory_space<semaphore_mem>>) src(%dma_wait3A_189 : memref<32x128xf32, #tpu.memory_space<vmem>>) dst(%dma_wait3A_185 : memref<32x128xf32, #tpu.memory_space<vmem_shared>>)
      tpu.yield
    }) : () -> ()
    %dma_wait3A = arith.constant 0 : i32
    %dma_wait3A_80 = arith.constant 0 : i32
    %dma_wait3A_81 = arith.constant 0 : i32
    %dma_wait3A_82 = arith.constant 0 : i32
    %dma_wait3A_83 = arith.constant 0 : i32
    %dma_wait3A_84 = tpu.memref_slice %arg5[%dma_wait3A_80, %dma_wait3A_82, %dma_wait3A_83] : memref<4x2x125xi32, #tpu.memory_space<vmem>> -> memref<1x2x125xi32, #tpu.memory_space<vmem>>
    %dma_wait3A_85 = tpu.memref_squeeze %dma_wait3A_84 : memref<1x2x125xi32, #tpu.memory_space<vmem>> -> memref<2x125xi32, #tpu.memory_space<vmem>>
    %dma_wait3A_86 = arith.constant 0 : i32
    %dma_wait3A_87 = arith.constant 0 : i32
    %dma_wait3A_88 = tpu.memref_slice %arg3[%add3A, %dma_wait3A, %dma_wait3A_86, %dma_wait3A_87] : memref<32x80x2x125xi32, #tpu.memory_space<hbm>> -> memref<1x1x2x125xi32, #tpu.memory_space<hbm>>
    %dma_wait3A_89 = tpu.memref_squeeze %dma_wait3A_88 : memref<1x1x2x125xi32, #tpu.memory_space<hbm>> -> memref<2x125xi32, #tpu.memory_space<hbm>>
    %dma_wait3A_90 = tpu.memref_slice %arg9[%dma_wait3A_81] : memref<4x!tpu.dma_semaphore, #tpu.memory_space<semaphore_mem>> -> memref<1x!tpu.dma_semaphore, #tpu.memory_space<semaphore_mem>>
    %dma_wait3A_91 = tpu.memref_squeeze %dma_wait3A_90 : memref<1x!tpu.dma_semaphore, #tpu.memory_space<semaphore_mem>> -> memref<!tpu.dma_semaphore, #tpu.memory_space<semaphore_mem>>
    %dma_wait3A_92 = arith.constant 0 : i32
    %dma_wait3A_93 = arith.constant 0 : i32
    %dma_wait3A_94 = tpu.memref_slice %arg5[%dma_wait3A_80, %dma_wait3A_92, %dma_wait3A_93] : memref<4x2x125xi32, #tpu.memory_space<vmem>> -> memref<1x2x125xi32, #tpu.memory_space<vmem>>
    %dma_wait3A_95 = tpu.memref_squeeze %dma_wait3A_94 : memref<1x2x125xi32, #tpu.memory_space<vmem>> -> memref<2x125xi32, #tpu.memory_space<vmem>>
    %dma_wait3A_96 = arith.constant 0 : i32
    %dma_wait3A_97 = arith.constant 0 : i32
    %dma_wait3A_98 = tpu.memref_slice %arg3[%add3A, %dma_wait3A, %dma_wait3A_96, %dma_wait3A_97] : memref<32x80x2x125xi32, #tpu.memory_space<hbm>> -> memref<1x1x2x125xi32, #tpu.memory_space<hbm>>
    %dma_wait3A_99 = tpu.memref_squeeze %dma_wait3A_98 : memref<1x1x2x125xi32, #tpu.memory_space<hbm>> -> memref<2x125xi32, #tpu.memory_space<hbm>>
    tpu.wait_dma2 semaphore(%dma_wait3A_91 : memref<!tpu.dma_semaphore, #tpu.memory_space<semaphore_mem>>) src(%dma_wait3A_99 : memref<2x125xi32, #tpu.memory_space<hbm>>) dst(%dma_wait3A_95 : memref<2x125xi32, #tpu.memory_space<vmem>>)
    %dma_start3A_100 = arith.constant 0 : i32
    %dma_start3A_101 = arith.constant 0 : i32
    %dma_start3A_102 = arith.constant 0 : i32
    %dma_start3A_103 = arith.constant 0 : i32
    %dma_start3A_104 = arith.constant 0 : i32
    %dma_start3A_105 = arith.constant 0 : i32
    %dma_start3A_106 = tpu.memref_slice %arg6[%dma_start3A_102, %dma_start3A_104, %dma_start3A_105] : memref<3x125x128xf32, #tpu.memory_space<vmem>> -> memref<1x125x128xf32, #tpu.memory_space<vmem>>
    %dma_start3A_107 = tpu.memref_squeeze %dma_start3A_106 : memref<1x125x128xf32, #tpu.memory_space<vmem>> -> memref<125x128xf32, #tpu.memory_space<vmem>>
    %dma_start3A_108 = arith.constant 0 : i32
    %dma_start3A_109 = tpu.memref_slice %arg5[%dma_start3A_100, %dma_start3A_101, %dma_start3A_108] : memref<4x2x125xi32, #tpu.memory_space<vmem>> -> memref<1x1x125xi32, #tpu.memory_space<vmem>>
    %dma_start3A_110 = tpu.memref_squeeze %dma_start3A_109 : memref<1x1x125xi32, #tpu.memory_space<vmem>> -> memref<125xi32, #tpu.memory_space<vmem>>
    %dma_start3A_111 = arith.constant 0 : i32
    %dma_start3A_112 = arith.constant 0 : i32
    %dma_start3A_113 = tpu.memref_slice %arg2[%dma_start3A_111, %dma_start3A_112] : memref<10000x128xf32, #tpu.memory_space<hbm>> -> memref<10000x128xf32, #tpu.memory_space<hbm>>
    %dma_start3A_114 = tpu.memref_slice %arg8[%dma_start3A_103] : memref<3x!tpu.dma_semaphore, #tpu.memory_space<semaphore_mem>> -> memref<1x!tpu.dma_semaphore, #tpu.memory_space<semaphore_mem>>
    %dma_start3A_115 = tpu.memref_squeeze %dma_start3A_114 : memref<1x!tpu.dma_semaphore, #tpu.memory_space<semaphore_mem>> -> memref<!tpu.dma_semaphore, #tpu.memory_space<semaphore_mem>>
    tpu.enqueue_indirect_dma source(%dma_start3A_113 : memref<10000x128xf32, #tpu.memory_space<hbm>>) target(%dma_start3A_107 : memref<125x128xf32, #tpu.memory_space<vmem>>) offsets(%dma_start3A_110 : memref<125xi32, #tpu.memory_space<vmem>>) semaphore(%dma_start3A_115 : memref<!tpu.dma_semaphore, #tpu.memory_space<semaphore_mem>>)
    %dma_wait3A_116 = arith.constant 1 : i32
    %dma_wait3A_117 = arith.constant 1 : i32
    %dma_wait3A_118 = arith.constant 1 : i32
    %dma_wait3A_119 = arith.constant 0 : i32
    %dma_wait3A_120 = arith.constant 0 : i32
    %dma_wait3A_121 = tpu.memref_slice %arg5[%dma_wait3A_117, %dma_wait3A_119, %dma_wait3A_120] : memref<4x2x125xi32, #tpu.memory_space<vmem>> -> memref<1x2x125xi32, #tpu.memory_space<vmem>>
    %dma_wait3A_122 = tpu.memref_squeeze %dma_wait3A_121 : memref<1x2x125xi32, #tpu.memory_space<vmem>> -> memref<2x125xi32, #tpu.memory_space<vmem>>
    %dma_wait3A_123 = arith.constant 0 : i32
    %dma_wait3A_124 = arith.constant 0 : i32
    %dma_wait3A_125 = tpu.memref_slice %arg3[%add3A, %dma_wait3A_116, %dma_wait3A_123, %dma_wait3A_124] : memref<32x80x2x125xi32, #tpu.memory_space<hbm>> -> memref<1x1x2x125xi32, #tpu.memory_space<hbm>>
    %dma_wait3A_126 = tpu.memref_squeeze %dma_wait3A_125 : memref<1x1x2x125xi32, #tpu.memory_space<hbm>> -> memref<2x125xi32, #tpu.memory_space<hbm>>
    %dma_wait3A_127 = tpu.memref_slice %arg9[%dma_wait3A_118] : memref<4x!tpu.dma_semaphore, #tpu.memory_space<semaphore_mem>> -> memref<1x!tpu.dma_semaphore, #tpu.memory_space<semaphore_mem>>
    %dma_wait3A_128 = tpu.memref_squeeze %dma_wait3A_127 : memref<1x!tpu.dma_semaphore, #tpu.memory_space<semaphore_mem>> -> memref<!tpu.dma_semaphore, #tpu.memory_space<semaphore_mem>>
    %dma_wait3A_129 = arith.constant 0 : i32
    %dma_wait3A_130 = arith.constant 0 : i32
    %dma_wait3A_131 = tpu.memref_slice %arg5[%dma_wait3A_117, %dma_wait3A_129, %dma_wait3A_130] : memref<4x2x125xi32, #tpu.memory_space<vmem>> -> memref<1x2x125xi32, #tpu.memory_space<vmem>>
    %dma_wait3A_132 = tpu.memref_squeeze %dma_wait3A_131 : memref<1x2x125xi32, #tpu.memory_space<vmem>> -> memref<2x125xi32, #tpu.memory_space<vmem>>
    %dma_wait3A_133 = arith.constant 0 : i32
    %dma_wait3A_134 = arith.constant 0 : i32
    %dma_wait3A_135 = tpu.memref_slice %arg3[%add3A, %dma_wait3A_116, %dma_wait3A_133, %dma_wait3A_134] : memref<32x80x2x125xi32, #tpu.memory_space<hbm>> -> memref<1x1x2x125xi32, #tpu.memory_space<hbm>>
    %dma_wait3A_136 = tpu.memref_squeeze %dma_wait3A_135 : memref<1x1x2x125xi32, #tpu.memory_space<hbm>> -> memref<2x125xi32, #tpu.memory_space<hbm>>
    tpu.wait_dma2 semaphore(%dma_wait3A_128 : memref<!tpu.dma_semaphore, #tpu.memory_space<semaphore_mem>>) src(%dma_wait3A_136 : memref<2x125xi32, #tpu.memory_space<hbm>>) dst(%dma_wait3A_132 : memref<2x125xi32, #tpu.memory_space<vmem>>)
    %dma_start3A_137 = arith.constant 1 : i32
    %dma_start3A_138 = arith.constant 0 : i32
    %dma_start3A_139 = arith.constant 1 : i32
    %dma_start3A_140 = arith.constant 1 : i32
    %dma_start3A_141 = arith.constant 0 : i32
    %dma_start3A_142 = arith.constant 0 : i32
    %dma_start3A_143 = tpu.memref_slice %arg6[%dma_start3A_139, %dma_start3A_141, %dma_start3A_142] : memref<3x125x128xf32, #tpu.memory_space<vmem>> -> memref<1x125x128xf32, #tpu.memory_space<vmem>>
    %dma_start3A_144 = tpu.memref_squeeze %dma_start3A_143 : memref<1x125x128xf32, #tpu.memory_space<vmem>> -> memref<125x128xf32, #tpu.memory_space<vmem>>
    %dma_start3A_145 = arith.constant 0 : i32
    %dma_start3A_146 = tpu.memref_slice %arg5[%dma_start3A_137, %dma_start3A_138, %dma_start3A_145] : memref<4x2x125xi32, #tpu.memory_space<vmem>> -> memref<1x1x125xi32, #tpu.memory_space<vmem>>
    %dma_start3A_147 = tpu.memref_squeeze %dma_start3A_146 : memref<1x1x125xi32, #tpu.memory_space<vmem>> -> memref<125xi32, #tpu.memory_space<vmem>>
    %dma_start3A_148 = arith.constant 0 : i32
    %dma_start3A_149 = arith.constant 0 : i32
    %dma_start3A_150 = tpu.memref_slice %arg2[%dma_start3A_148, %dma_start3A_149] : memref<10000x128xf32, #tpu.memory_space<hbm>> -> memref<10000x128xf32, #tpu.memory_space<hbm>>
    %dma_start3A_151 = tpu.memref_slice %arg8[%dma_start3A_140] : memref<3x!tpu.dma_semaphore, #tpu.memory_space<semaphore_mem>> -> memref<1x!tpu.dma_semaphore, #tpu.memory_space<semaphore_mem>>
    %dma_start3A_152 = tpu.memref_squeeze %dma_start3A_151 : memref<1x!tpu.dma_semaphore, #tpu.memory_space<semaphore_mem>> -> memref<!tpu.dma_semaphore, #tpu.memory_space<semaphore_mem>>
    tpu.enqueue_indirect_dma source(%dma_start3A_150 : memref<10000x128xf32, #tpu.memory_space<hbm>>) target(%dma_start3A_144 : memref<125x128xf32, #tpu.memory_space<vmem>>) offsets(%dma_start3A_147 : memref<125xi32, #tpu.memory_space<vmem>>) semaphore(%dma_start3A_152 : memref<!tpu.dma_semaphore, #tpu.memory_space<semaphore_mem>>)
    %barrier3A = arith.constant 0 : index
    tpu.barrier barrier_id(%barrier3A)
    %scan3A_153 = arith.constant 0 : i32
    %scan3A_154 = arith.constant 0 : i32
    %scan3A_155 = arith.constant 80 : i32
    %scan3A_156 = arith.addi %scan3A_154, %scan3A_155 : i32
    %scan3A_157 = arith.constant 1 : i32
    %scan3A_158 = scf.for %scan3A_165 = %scan3A_154 to %scan3A_156 step %scan3A_157 iter_args(%scan3A_166 = %scan3A_153) -> (i32)  : i32 {
      %rem3A = arith.constant 3 : i32
      %rem3A_167 = arith.remsi %scan3A_165, %rem3A : i32
      %rem3A_168 = arith.constant 4 : i32
      %rem3A_169 = arith.remsi %scan3A_165, %rem3A_168 : i32
      %add3A_170 = arith.constant 2 : i32
      %add3A_171 = arith.addi %scan3A_165, %add3A_170 : i32
      %rem3A_172 = arith.constant 4 : i32
      %rem3A_173 = arith.remsi %add3A_171, %rem3A_172 : i32
      %add3A_174 = arith.constant 3 : i32
      %add3A_175 = arith.addi %scan3A_165, %add3A_174 : i32
      %rem3A_176 = arith.constant 4 : i32
      %rem3A_177 = arith.remsi %add3A_175, %rem3A_176 : i32
      %add3A_178 = arith.constant 3 : i32
      %add3A_179 = arith.addi %scan3A_165, %add3A_178 : i32
      %lt3A = arith.constant 80 : i32
      %lt3A_180 = arith.cmpi slt, %add3A_179, %lt3A : i32
      %convert_element_type3A = arith.extui %lt3A_180 : i1 to i32
      %cond3A = arith.constant 0 : i32
      %cond3A_181 = arith.cmpi ne, %convert_element_type3A, %cond3A : i32
      scf.if %cond3A_181 {
        %add3A_205 = arith.constant 3 : i32
        %add3A_206 = arith.addi %scan3A_165, %add3A_205 : i32
        %dma_start3A_207 = arith.constant 0 : i32
        %dma_start3A_208 = arith.constant 0 : i32
        %dma_start3A_209 = tpu.memref_slice %arg5[%rem3A_177, %dma_start3A_207, %dma_start3A_208] : memref<4x2x125xi32, #tpu.memory_space<vmem>> -> memref<1x2x125xi32, #tpu.memory_space<vmem>>
        %dma_start3A_210 = tpu.memref_squeeze %dma_start3A_209 : memref<1x2x125xi32, #tpu.memory_space<vmem>> -> memref<2x125xi32, #tpu.memory_space<vmem>>
        %dma_start3A_211 = arith.constant 0 : i32
        %dma_start3A_212 = arith.constant 0 : i32
        %dma_start3A_213 = tpu.memref_slice %arg3[%add3A, %add3A_206, %dma_start3A_211, %dma_start3A_212] : memref<32x80x2x125xi32, #tpu.memory_space<hbm>> -> memref<1x1x2x125xi32, #tpu.memory_space<hbm>>
        %dma_start3A_214 = tpu.memref_squeeze %dma_start3A_213 : memref<1x1x2x125xi32, #tpu.memory_space<hbm>> -> memref<2x125xi32, #tpu.memory_space<hbm>>
        %dma_start3A_215 = tpu.memref_slice %arg9[%rem3A_177] : memref<4x!tpu.dma_semaphore, #tpu.memory_space<semaphore_mem>> -> memref<1x!tpu.dma_semaphore, #tpu.memory_space<semaphore_mem>>
        %dma_start3A_216 = tpu.memref_squeeze %dma_start3A_215 : memref<1x!tpu.dma_semaphore, #tpu.memory_space<semaphore_mem>> -> memref<!tpu.dma_semaphore, #tpu.memory_space<semaphore_mem>>
        %dma_start3A_217 = arith.constant 0 : i32
        %dma_start3A_218 = arith.constant 0 : i32
        %dma_start3A_219 = tpu.memref_slice %arg5[%rem3A_177, %dma_start3A_217, %dma_start3A_218] : memref<4x2x125xi32, #tpu.memory_space<vmem>> -> memref<1x2x125xi32, #tpu.memory_space<vmem>>
        %dma_start3A_220 = tpu.memref_squeeze %dma_start3A_219 : memref<1x2x125xi32, #tpu.memory_space<vmem>> -> memref<2x125xi32, #tpu.memory_space<vmem>>
        %dma_start3A_221 = arith.constant 0 : i32
        %dma_start3A_222 = arith.constant 0 : i32
        %dma_start3A_223 = tpu.memref_slice %arg3[%add3A, %add3A_206, %dma_start3A_221, %dma_start3A_222] : memref<32x80x2x125xi32, #tpu.memory_space<hbm>> -> memref<1x1x2x125xi32, #tpu.memory_space<hbm>>
        %dma_start3A_224 = tpu.memref_squeeze %dma_start3A_223 : memref<1x1x2x125xi32, #tpu.memory_space<hbm>> -> memref<2x125xi32, #tpu.memory_space<hbm>>
        tpu.enqueue_dma source(%dma_start3A_224 : memref<2x125xi32, #tpu.memory_space<hbm>>) target(%dma_start3A_220 : memref<2x125xi32, #tpu.memory_space<vmem>>) target_semaphore(%dma_start3A_216 : memref<!tpu.dma_semaphore, #tpu.memory_space<semaphore_mem>>)
      } else {
      }
      %add3A_182 = arith.constant 2 : i32
      %add3A_183 = arith.addi %scan3A_165, %add3A_182 : i32
      %lt3A_184 = arith.constant 80 : i32
      %lt3A_185 = arith.cmpi slt, %add3A_183, %lt3A_184 : i32
      %convert_element_type3A_186 = arith.extui %lt3A_185 : i1 to i32
      %cond3A_187 = arith.constant 0 : i32
      %cond3A_188 = arith.cmpi ne, %convert_element_type3A_186, %cond3A_187 : i32
      scf.if %cond3A_188 {
        %add3A_205 = arith.constant 2 : i32
        %add3A_206 = arith.addi %scan3A_165, %add3A_205 : i32
        %dma_wait3A_207 = arith.constant 0 : i32
        %dma_wait3A_208 = arith.constant 0 : i32
        %dma_wait3A_209 = tpu.memref_slice %arg5[%rem3A_173, %dma_wait3A_207, %dma_wait3A_208] : memref<4x2x125xi32, #tpu.memory_space<vmem>> -> memref<1x2x125xi32, #tpu.memory_space<vmem>>
        %dma_wait3A_210 = tpu.memref_squeeze %dma_wait3A_209 : memref<1x2x125xi32, #tpu.memory_space<vmem>> -> memref<2x125xi32, #tpu.memory_space<vmem>>
        %dma_wait3A_211 = arith.constant 0 : i32
        %dma_wait3A_212 = arith.constant 0 : i32
        %dma_wait3A_213 = tpu.memref_slice %arg3[%add3A, %add3A_206, %dma_wait3A_211, %dma_wait3A_212] : memref<32x80x2x125xi32, #tpu.memory_space<hbm>> -> memref<1x1x2x125xi32, #tpu.memory_space<hbm>>
        %dma_wait3A_214 = tpu.memref_squeeze %dma_wait3A_213 : memref<1x1x2x125xi32, #tpu.memory_space<hbm>> -> memref<2x125xi32, #tpu.memory_space<hbm>>
        %dma_wait3A_215 = tpu.memref_slice %arg9[%rem3A_173] : memref<4x!tpu.dma_semaphore, #tpu.memory_space<semaphore_mem>> -> memref<1x!tpu.dma_semaphore, #tpu.memory_space<semaphore_mem>>
        %dma_wait3A_216 = tpu.memref_squeeze %dma_wait3A_215 : memref<1x!tpu.dma_semaphore, #tpu.memory_space<semaphore_mem>> -> memref<!tpu.dma_semaphore, #tpu.memory_space<semaphore_mem>>
        %dma_wait3A_217 = arith.constant 0 : i32
        %dma_wait3A_218 = arith.constant 0 : i32
        %dma_wait3A_219 = tpu.memref_slice %arg5[%rem3A_173, %dma_wait3A_217, %dma_wait3A_218] : memref<4x2x125xi32, #tpu.memory_space<vmem>> -> memref<1x2x125xi32, #tpu.memory_space<vmem>>
        %dma_wait3A_220 = tpu.memref_squeeze %dma_wait3A_219 : memref<1x2x125xi32, #tpu.memory_space<vmem>> -> memref<2x125xi32, #tpu.memory_space<vmem>>
        %dma_wait3A_221 = arith.constant 0 : i32
        %dma_wait3A_222 = arith.constant 0 : i32
        %dma_wait3A_223 = tpu.memref_slice %arg3[%add3A, %add3A_206, %dma_wait3A_221, %dma_wait3A_222] : memref<32x80x2x125xi32, #tpu.memory_space<hbm>> -> memref<1x1x2x125xi32, #tpu.memory_space<hbm>>
        %dma_wait3A_224 = tpu.memref_squeeze %dma_wait3A_223 : memref<1x1x2x125xi32, #tpu.memory_space<hbm>> -> memref<2x125xi32, #tpu.memory_space<hbm>>
        tpu.wait_dma2 semaphore(%dma_wait3A_216 : memref<!tpu.dma_semaphore, #tpu.memory_space<semaphore_mem>>) src(%dma_wait3A_224 : memref<2x125xi32, #tpu.memory_space<hbm>>) dst(%dma_wait3A_220 : memref<2x125xi32, #tpu.memory_space<vmem>>)
        %add3A_225 = arith.constant 2 : i32
        %add3A_226 = arith.addi %scan3A_165, %add3A_225 : i32
        %rem3A_227 = arith.constant 3 : i32
        %rem3A_228 = arith.remsi %add3A_226, %rem3A_227 : i32
        %add3A_229 = arith.constant 2 : i32
        %add3A_230 = arith.addi %scan3A_165, %add3A_229 : i32
        %rem3A_231 = arith.constant 3 : i32
        %rem3A_232 = arith.remsi %add3A_230, %rem3A_231 : i32
        %dma_start3A_233 = arith.constant 0 : i32
        %dma_start3A_234 = arith.constant 0 : i32
        %dma_start3A_235 = arith.constant 0 : i32
        %dma_start3A_236 = tpu.memref_slice %arg6[%rem3A_228, %dma_start3A_234, %dma_start3A_235] : memref<3x125x128xf32, #tpu.memory_space<vmem>> -> memref<1x125x128xf32, #tpu.memory_space<vmem>>
        %dma_start3A_237 = tpu.memref_squeeze %dma_start3A_236 : memref<1x125x128xf32, #tpu.memory_space<vmem>> -> memref<125x128xf32, #tpu.memory_space<vmem>>
        %dma_start3A_238 = arith.constant 0 : i32
        %dma_start3A_239 = tpu.memref_slice %arg5[%rem3A_173, %dma_start3A_233, %dma_start3A_238] : memref<4x2x125xi32, #tpu.memory_space<vmem>> -> memref<1x1x125xi32, #tpu.memory_space<vmem>>
        %dma_start3A_240 = tpu.memref_squeeze %dma_start3A_239 : memref<1x1x125xi32, #tpu.memory_space<vmem>> -> memref<125xi32, #tpu.memory_space<vmem>>
        %dma_start3A_241 = arith.constant 0 : i32
        %dma_start3A_242 = arith.constant 0 : i32
        %dma_start3A_243 = tpu.memref_slice %arg2[%dma_start3A_241, %dma_start3A_242] : memref<10000x128xf32, #tpu.memory_space<hbm>> -> memref<10000x128xf32, #tpu.memory_space<hbm>>
        %dma_start3A_244 = tpu.memref_slice %arg8[%rem3A_232] : memref<3x!tpu.dma_semaphore, #tpu.memory_space<semaphore_mem>> -> memref<1x!tpu.dma_semaphore, #tpu.memory_space<semaphore_mem>>
        %dma_start3A_245 = tpu.memref_squeeze %dma_start3A_244 : memref<1x!tpu.dma_semaphore, #tpu.memory_space<semaphore_mem>> -> memref<!tpu.dma_semaphore, #tpu.memory_space<semaphore_mem>>
        tpu.enqueue_indirect_dma source(%dma_start3A_243 : memref<10000x128xf32, #tpu.memory_space<hbm>>) target(%dma_start3A_237 : memref<125x128xf32, #tpu.memory_space<vmem>>) offsets(%dma_start3A_240 : memref<125xi32, #tpu.memory_space<vmem>>) semaphore(%dma_start3A_245 : memref<!tpu.dma_semaphore, #tpu.memory_space<semaphore_mem>>)
      } else {
      }
      %dma_wait3A_189 = arith.constant 0 : i32
      %dma_wait3A_190 = arith.constant 0 : i32
      %dma_wait3A_191 = arith.constant 0 : i32
      %dma_wait3A_192 = tpu.memref_slice %arg6[%rem3A_167, %dma_wait3A_190, %dma_wait3A_191] : memref<3x125x128xf32, #tpu.memory_space<vmem>> -> memref<1x125x128xf32, #tpu.memory_space<vmem>>
      %dma_wait3A_193 = tpu.memref_squeeze %dma_wait3A_192 : memref<1x125x128xf32, #tpu.memory_space<vmem>> -> memref<125x128xf32, #tpu.memory_space<vmem>>
      %dma_wait3A_194 = arith.constant 0 : i32
      %dma_wait3A_195 = tpu.memref_slice %arg5[%rem3A_169, %dma_wait3A_189, %dma_wait3A_194] : memref<4x2x125xi32, #tpu.memory_space<vmem>> -> memref<1x1x125xi32, #tpu.memory_space<vmem>>
      %dma_wait3A_196 = tpu.memref_squeeze %dma_wait3A_195 : memref<1x1x125xi32, #tpu.memory_space<vmem>> -> memref<125xi32, #tpu.memory_space<vmem>>
      %dma_wait3A_197 = arith.constant 0 : i32
      %dma_wait3A_198 = arith.constant 0 : i32
      %dma_wait3A_199 = tpu.memref_slice %arg2[%dma_wait3A_197, %dma_wait3A_198] : memref<10000x128xf32, #tpu.memory_space<hbm>> -> memref<10000x128xf32, #tpu.memory_space<hbm>>
      %dma_wait3A_200 = tpu.memref_slice %arg8[%rem3A_167] : memref<3x!tpu.dma_semaphore, #tpu.memory_space<semaphore_mem>> -> memref<1x!tpu.dma_semaphore, #tpu.memory_space<semaphore_mem>>
      %dma_wait3A_201 = tpu.memref_squeeze %dma_wait3A_200 : memref<1x!tpu.dma_semaphore, #tpu.memory_space<semaphore_mem>> -> memref<!tpu.dma_semaphore, #tpu.memory_space<semaphore_mem>>
      tpu.wait_indirect_dma semaphore(%dma_wait3A_201 : memref<!tpu.dma_semaphore, #tpu.memory_space<semaphore_mem>>) src(%dma_wait3A_199 : memref<10000x128xf32, #tpu.memory_space<hbm>>) dst(%dma_wait3A_193 : memref<125x128xf32, #tpu.memory_space<vmem>>)
      %mul3A_202 = arith.constant 632 : i32
      %mul3A_203 = arith.muli %arg1, %mul3A_202 : i32
      "tpu.region"() ({
        %run_scoped3A_205 = tpu.sem_alloc : memref<!tpu.dma_semaphore, #tpu.memory_space<semaphore_mem>>
        %dma_start3A_206 = arith.constant 0 : i32
        %dma_start3A_207 = arith.constant 0 : i32
        %dma_start3A_208 = tpu.memref_slice %arg6[%rem3A_167, %dma_start3A_206, %dma_start3A_207] : memref<3x125x128xf32, #tpu.memory_space<vmem>> -> memref<1x125x128xf32, #tpu.memory_space<vmem>>
        %dma_start3A_209 = tpu.memref_squeeze %dma_start3A_208 : memref<1x125x128xf32, #tpu.memory_space<vmem>> -> memref<125x128xf32, #tpu.memory_space<vmem>>
        %dma_start3A_210 = arith.constant 0 : i32
        %dma_start3A_211 = tpu.memref_slice %arg7[%mul3A_203, %dma_start3A_210] : memref<10112x128xf32, #tpu.memory_space<vmem_shared>> -> memref<125x128xf32, #tpu.memory_space<vmem_shared>>
        %dma_start3A_212 = arith.constant 0 : i32
        %dma_start3A_213 = tpu.memref_slice %arg7[%mul3A_203, %dma_start3A_212] : memref<10112x128xf32, #tpu.memory_space<vmem_shared>> -> memref<125x128xf32, #tpu.memory_space<vmem_shared>>
        %dma_start3A_214 = arith.constant 0 : i32
        %dma_start3A_215 = arith.constant 0 : i32
        %dma_start3A_216 = tpu.memref_slice %arg6[%rem3A_167, %dma_start3A_214, %dma_start3A_215] : memref<3x125x128xf32, #tpu.memory_space<vmem>> -> memref<1x125x128xf32, #tpu.memory_space<vmem>>
        %dma_start3A_217 = tpu.memref_squeeze %dma_start3A_216 : memref<1x125x128xf32, #tpu.memory_space<vmem>> -> memref<125x128xf32, #tpu.memory_space<vmem>>
        tpu.enqueue_dma source(%dma_start3A_217 : memref<125x128xf32, #tpu.memory_space<vmem>>) target(%dma_start3A_213 : memref<125x128xf32, #tpu.memory_space<vmem_shared>>) target_semaphore(%run_scoped3A_205 : memref<!tpu.dma_semaphore, #tpu.memory_space<semaphore_mem>>)
        %dma_wait3A_218 = arith.constant 0 : i32
        %dma_wait3A_219 = arith.constant 0 : i32
        %dma_wait3A_220 = tpu.memref_slice %arg6[%rem3A_167, %dma_wait3A_218, %dma_wait3A_219] : memref<3x125x128xf32, #tpu.memory_space<vmem>> -> memref<1x125x128xf32, #tpu.memory_space<vmem>>
        %dma_wait3A_221 = tpu.memref_squeeze %dma_wait3A_220 : memref<1x125x128xf32, #tpu.memory_space<vmem>> -> memref<125x128xf32, #tpu.memory_space<vmem>>
        %dma_wait3A_222 = arith.constant 0 : i32
        %dma_wait3A_223 = tpu.memref_slice %arg7[%mul3A_203, %dma_wait3A_222] : memref<10112x128xf32, #tpu.memory_space<vmem_shared>> -> memref<125x128xf32, #tpu.memory_space<vmem_shared>>
        %dma_wait3A_224 = arith.constant 0 : i32
        %dma_wait3A_225 = tpu.memref_slice %arg7[%mul3A_203, %dma_wait3A_224] : memref<10112x128xf32, #tpu.memory_space<vmem_shared>> -> memref<125x128xf32, #tpu.memory_space<vmem_shared>>
        %dma_wait3A_226 = arith.constant 0 : i32
        %dma_wait3A_227 = arith.constant 0 : i32
        %dma_wait3A_228 = tpu.memref_slice %arg6[%rem3A_167, %dma_wait3A_226, %dma_wait3A_227] : memref<3x125x128xf32, #tpu.memory_space<vmem>> -> memref<1x125x128xf32, #tpu.memory_space<vmem>>
        %dma_wait3A_229 = tpu.memref_squeeze %dma_wait3A_228 : memref<1x125x128xf32, #tpu.memory_space<vmem>> -> memref<125x128xf32, #tpu.memory_space<vmem>>
        tpu.wait_dma2 semaphore(%run_scoped3A_205 : memref<!tpu.dma_semaphore, #tpu.memory_space<semaphore_mem>>) src(%dma_wait3A_229 : memref<125x128xf32, #tpu.memory_space<vmem>>) dst(%dma_wait3A_225 : memref<125x128xf32, #tpu.memory_space<vmem_shared>>)
        tpu.yield
      }) : () -> ()
      %scan3A_204 = arith.constant 0 : i32
      scf.yield %scan3A_204 : i32
    }
    %scan3A_159 = arith.constant 80 : i32
    %barrier3A_160 = arith.constant 0 : index
    tpu.barrier barrier_id(%barrier3A_160)
    %mul3A_161 = arith.constant 632 : i32
    %mul3A_162 = arith.muli %arg1, %mul3A_161 : i32
    %mul3A_163 = arith.constant 632 : i32
    %mul3A_164 = arith.muli %arg1, %mul3A_163 : i32
    "tpu.region"() ({
      %run_scoped3A_165 = tpu.sem_alloc : memref<!tpu.dma_semaphore, #tpu.memory_space<semaphore_mem>>
      %dma_start3A_166 = arith.constant 0 : i32
      %dma_start3A_167 = tpu.memref_slice %arg4[%arg0, %mul3A_164, %dma_start3A_166] : memref<2x10112x128xf32, #tpu.memory_space<hbm>> -> memref<1x632x128xf32, #tpu.memory_space<hbm>>
      %dma_start3A_168 = tpu.memref_squeeze %dma_start3A_167 : memref<1x632x128xf32, #tpu.memory_space<hbm>> -> memref<632x128xf32, #tpu.memory_space<hbm>>
      %dma_start3A_169 = arith.constant 0 : i32
      %dma_start3A_170 = tpu.memref_slice %arg7[%mul3A_162, %dma_start3A_169] : memref<10112x128xf32, #tpu.memory_space<vmem_shared>> -> memref<632x128xf32, #tpu.memory_space<vmem_shared>>
      tpu.enqueue_dma source(%dma_start3A_170 : memref<632x128xf32, #tpu.memory_space<vmem_shared>>) target(%dma_start3A_168 : memref<632x128xf32, #tpu.memory_space<hbm>>) target_semaphore(%run_scoped3A_165 : memref<!tpu.dma_semaphore, #tpu.memory_space<semaphore_mem>>)
      %dma_wait3A_171 = arith.constant 0 : i32
      %dma_wait3A_172 = tpu.memref_slice %arg4[%arg0, %mul3A_164, %dma_wait3A_171] : memref<2x10112x128xf32, #tpu.memory_space<hbm>> -> memref<1x632x128xf32, #tpu.memory_space<hbm>>
      %dma_wait3A_173 = tpu.memref_squeeze %dma_wait3A_172 : memref<1x632x128xf32, #tpu.memory_space<hbm>> -> memref<632x128xf32, #tpu.memory_space<hbm>>
      %dma_wait3A_174 = arith.constant 0 : i32
      %dma_wait3A_175 = tpu.memref_slice %arg7[%mul3A_162, %dma_wait3A_174] : memref<10112x128xf32, #tpu.memory_space<vmem_shared>> -> memref<632x128xf32, #tpu.memory_space<vmem_shared>>
      tpu.wait_dma2 semaphore(%run_scoped3A_165 : memref<!tpu.dma_semaphore, #tpu.memory_space<semaphore_mem>>) src(%dma_wait3A_175 : memref<632x128xf32, #tpu.memory_space<vmem_shared>>) dst(%dma_wait3A_173 : memref<632x128xf32, #tpu.memory_space<hbm>>)
      tpu.yield
    }) : () -> ()
    return
  }
}

module attributes {stable_mosaic.version = 14 : i64} {
  func.func @body(%arg0: i32, %arg1: memref<2000x128xf32, #tpu.memory_space<vmem>>, %arg2: memref<2x2000x128xf32, #tpu.memory_space<vmem>>, %arg3: memref<128x128xf32, #tpu.memory_space<vmem>>, %arg4: memref<1x128xf32, #tpu.memory_space<vmem>>, %arg5: memref<2000x128xf32, #tpu.memory_space<vmem>>) attributes {dimension_semantics = [#tpu.dimension_semantics<arbitrary>], iteration_bounds = array<i64: 5>, scalar_prefetch = 0 : i64, scratch_operands = 0 : i64, tpu.core_type = #tpu.core_type<tc>, window_params = [{transform_indices = @transform_0, window_bounds = array<i64: 2000, 128>}, {transform_indices = @transform_1, window_bounds = array<i64: 2, 2000, 128>}, {pipeline_mode = #tpu.pipeline_mode<synchronous>, transform_indices = @transform_2, window_bounds = array<i64: 128, 128>}, {pipeline_mode = #tpu.pipeline_mode<synchronous>, transform_indices = @transform_3, window_bounds = array<i64: 1, 128>}, {transform_indices = @transform_4, window_bounds = array<i64: 2000, 128>}]} {
    %get3A = arith.constant 0 : index
    %get3A_0 = arith.constant 0 : index
    %get3A_1 = vector.load %arg1[%get3A, %get3A_0] : memref<2000x128xf32, #tpu.memory_space<vmem>>, vector<2000x128xf32>
    %get3A_2 = arith.constant 0 : index
    %get3A_3 = arith.constant 0 : index
    %get3A_4 = arith.constant 0 : index
    %get3A_5 = vector.load %arg2[%get3A_2, %get3A_3, %get3A_4] : memref<2x2000x128xf32, #tpu.memory_space<vmem>>, vector<1x2000x128xf32>
    %get3A_6 = vector.shape_cast %get3A_5 : vector<1x2000x128xf32> to vector<2000x128xf32>
    %add3A = arith.addf %get3A_1, %get3A_6 : vector<2000x128xf32>
    %get3A_7 = arith.constant 1 : index
    %get3A_8 = arith.constant 0 : index
    %get3A_9 = arith.constant 0 : index
    %get3A_10 = vector.load %arg2[%get3A_7, %get3A_8, %get3A_9] : memref<2x2000x128xf32, #tpu.memory_space<vmem>>, vector<1x2000x128xf32>
    %get3A_11 = vector.shape_cast %get3A_10 : vector<1x2000x128xf32> to vector<2000x128xf32>
    %add3A_12 = arith.addf %add3A, %get3A_11 : vector<2000x128xf32>
    %get3A_13 = arith.constant 0 : index
    %get3A_14 = arith.constant 0 : index
    %get3A_15 = vector.load %arg3[%get3A_13, %get3A_14] : memref<128x128xf32, #tpu.memory_space<vmem>>, vector<128x128xf32>
    %dot_general3A = arith.constant dense<0.000000e+00> : vector<2000x128xf32>
    %dot_general3A_16 = tpu.matmul %add3A_12, %get3A_15, %dot_general3A {dimension_numbers = #tpu.dot_dimension_numbers<[1], [1], [0], [0], [0, 0, 1, 0], [], []>, transpose_lhs_hint = false} : vector<2000x128xf32>, vector<128x128xf32>, vector<2000x128xf32> -> vector<2000x128xf32>
    %get3A_17 = arith.constant 0 : index
    %get3A_18 = arith.constant 0 : index
    %get3A_19 = vector.load %arg4[%get3A_17, %get3A_18] : memref<1x128xf32, #tpu.memory_space<vmem>>, vector<1x128xf32>
    %add3A_20 = vector.broadcast %get3A_19 : vector<1x128xf32> to vector<2000x128xf32>
    %add3A_21 = arith.addf %dot_general3A_16, %add3A_20 : vector<2000x128xf32>
    %swap3A = arith.constant 0 : index
    %swap3A_22 = arith.constant 0 : index
    %swap3A_23 = vector.load %arg5[%swap3A, %swap3A_22] : memref<2000x128xf32, #tpu.memory_space<vmem>>, vector<2000x128xf32>
    tpu.vector_store %arg5[%swap3A, %swap3A_22], %add3A_21 {strides = array<i32>} : memref<2000x128xf32, #tpu.memory_space<vmem>>, vector<2000x128xf32>,
    return
  }
  func.func @transform_0(%arg0: i32) -> (i32, i32) {
    %c0_i32 = arith.constant 0 : i32
    %c0_i32_0 = arith.constant 0 : i32
    return %arg0, %c0_i32 : i32, i32
  }
  func.func @transform_1(%arg0: i32) -> (i32, i32, i32) {
    %c0_i32 = arith.constant 0 : i32
    %c0_i32_0 = arith.constant 0 : i32
    %c0_i32_1 = arith.constant 0 : i32
    return %c0_i32, %arg0, %c0_i32_0 : i32, i32, i32
  }
  func.func @transform_2(%arg0: i32) -> (i32, i32) {
    %c0_i32 = arith.constant 0 : i32
    %c0_i32_0 = arith.constant 0 : i32
    %c0_i32_1 = arith.constant 0 : i32
    return %c0_i32, %c0_i32_0 : i32, i32
  }
  func.func @transform_3(%arg0: i32) -> (i32, i32) {
    %c0_i32 = arith.constant 0 : i32
    %c0_i32_0 = arith.constant 0 : i32
    %c0_i32_1 = arith.constant 0 : i32
    return %c0_i32, %c0_i32_0 : i32, i32
  }
  func.func @transform_4(%arg0: i32) -> (i32, i32) {
    %c0_i32 = arith.constant 0 : i32
    %c0_i32_0 = arith.constant 0 : i32
    return %arg0, %c0_i32 : i32, i32
  }
}

module attributes {stable_mosaic.version = 14 : i64} {
  func.func @body(%arg0: i32, %arg1: memref<2000x128xf32, #tpu.memory_space<vmem>>, %arg2: memref<2x2000x128xf32, #tpu.memory_space<vmem>>, %arg3: memref<128x128xf32, #tpu.memory_space<vmem>>, %arg4: memref<1x128xf32, #tpu.memory_space<vmem>>, %arg5: memref<2000x128xf32, #tpu.memory_space<vmem>>) attributes {dimension_semantics = [#tpu.dimension_semantics<arbitrary>], iteration_bounds = array<i64: 5>, scalar_prefetch = 0 : i64, scratch_operands = 0 : i64, tpu.core_type = #tpu.core_type<tc>, window_params = [{transform_indices = @transform_0, window_bounds = array<i64: 2000, 128>}, {transform_indices = @transform_1, window_bounds = array<i64: 2, 2000, 128>}, {pipeline_mode = #tpu.pipeline_mode<synchronous>, transform_indices = @transform_2, window_bounds = array<i64: 128, 128>}, {pipeline_mode = #tpu.pipeline_mode<synchronous>, transform_indices = @transform_3, window_bounds = array<i64: 1, 128>}, {transform_indices = @transform_4, window_bounds = array<i64: 2000, 128>}]} {
    %get3A = arith.constant 0 : index
    %get3A_0 = arith.constant 0 : index
    %get3A_1 = vector.load %arg1[%get3A, %get3A_0] : memref<2000x128xf32, #tpu.memory_space<vmem>>, vector<2000x128xf32>
    %get3A_2 = arith.constant 0 : index
    %get3A_3 = arith.constant 0 : index
    %get3A_4 = arith.constant 0 : index
    %get3A_5 = vector.load %arg2[%get3A_2, %get3A_3, %get3A_4] : memref<2x2000x128xf32, #tpu.memory_space<vmem>>, vector<1x2000x128xf32>
    %get3A_6 = vector.shape_cast %get3A_5 : vector<1x2000x128xf32> to vector<2000x128xf32>
    %add3A = arith.addf %get3A_1, %get3A_6 : vector<2000x128xf32>
    %get3A_7 = arith.constant 1 : index
    %get3A_8 = arith.constant 0 : index
    %get3A_9 = arith.constant 0 : index
    %get3A_10 = vector.load %arg2[%get3A_7, %get3A_8, %get3A_9] : memref<2x2000x128xf32, #tpu.memory_space<vmem>>, vector<1x2000x128xf32>
    %get3A_11 = vector.shape_cast %get3A_10 : vector<1x2000x128xf32> to vector<2000x128xf32>
    %add3A_12 = arith.addf %add3A, %get3A_11 : vector<2000x128xf32>
    %get3A_13 = arith.constant 0 : index
    %get3A_14 = arith.constant 0 : index
    %get3A_15 = vector.load %arg3[%get3A_13, %get3A_14] : memref<128x128xf32, #tpu.memory_space<vmem>>, vector<128x128xf32>
    %dot_general3A = arith.constant dense<0.000000e+00> : vector<2000x128xf32>
    %dot_general3A_16 = tpu.matmul %add3A_12, %get3A_15, %dot_general3A {dimension_numbers = #tpu.dot_dimension_numbers<[1], [1], [0], [0], [0, 0, 1, 0], [], []>, transpose_lhs_hint = false} : vector<2000x128xf32>, vector<128x128xf32>, vector<2000x128xf32> -> vector<2000x128xf32>
    %get3A_17 = arith.constant 0 : index
    %get3A_18 = arith.constant 0 : index
    %get3A_19 = vector.load %arg4[%get3A_17, %get3A_18] : memref<1x128xf32, #tpu.memory_space<vmem>>, vector<1x128xf32>
    %add3A_20 = vector.broadcast %get3A_19 : vector<1x128xf32> to vector<2000x128xf32>
    %add3A_21 = arith.addf %dot_general3A_16, %add3A_20 : vector<2000x128xf32>
    %max3A = arith.constant 0.000000e+00 : f32
    %max3A_22 = vector.broadcast %max3A : f32 to vector<2000x128xf32>
    %max3A_23 = arith.maximumf %add3A_21, %max3A_22 : vector<2000x128xf32>
    %swap3A = arith.constant 0 : index
    %swap3A_24 = arith.constant 0 : index
    %swap3A_25 = vector.load %arg5[%swap3A, %swap3A_24] : memref<2000x128xf32, #tpu.memory_space<vmem>>, vector<2000x128xf32>
    tpu.vector_store %arg5[%swap3A, %swap3A_24], %max3A_23 {strides = array<i32>} : memref<2000x128xf32, #tpu.memory_space<vmem>>, vector<2000x128xf32>,
    return
  }
  func.func @transform_0(%arg0: i32) -> (i32, i32) {
    %c0_i32 = arith.constant 0 : i32
    %c0_i32_0 = arith.constant 0 : i32
    return %arg0, %c0_i32 : i32, i32
  }
  func.func @transform_1(%arg0: i32) -> (i32, i32, i32) {
    %c0_i32 = arith.constant 0 : i32
    %c0_i32_0 = arith.constant 0 : i32
    %c0_i32_1 = arith.constant 0 : i32
    return %c0_i32, %arg0, %c0_i32_0 : i32, i32, i32
  }
  func.func @transform_2(%arg0: i32) -> (i32, i32) {
    %c0_i32 = arith.constant 0 : i32
    %c0_i32_0 = arith.constant 0 : i32
    %c0_i32_1 = arith.constant 0 : i32
    return %c0_i32, %c0_i32_0 : i32, i32
  }
  func.func @transform_3(%arg0: i32) -> (i32, i32) {
    %c0_i32 = arith.constant 0 : i32
    %c0_i32_0 = arith.constant 0 : i32
    %c0_i32_1 = arith.constant 0 : i32
    return %c0_i32, %c0_i32_0 : i32, i32
  }
  func.func @transform_4(%arg0: i32) -> (i32, i32) {
    %c0_i32 = arith.constant 0 : i32
    %c0_i32_0 = arith.constant 0 : i32
    return %arg0, %c0_i32 : i32, i32
  }
}

</mosaic_0001>

<sc_bundles>
// kernel: kernel.11.cloned.1.call-start
scs
__scs_entry_jumppad:
0x0: {  	(pc) =	sbr.rel $0x88, $3  }
0x1: {  	(tag) =	ssettag $0x0;
	lr =	simm.s32 $0x1  }
0x2: {  	[smem:$0x3F99] =	sst lr;
	_ =	strace $0xD0000000  }
0x3: {  	_ = 	snop  }
0x4: {  	_ = 	snop  }
0x5: {  	_ = 	snop  }
0x6: {  	_ = 	snop  }
0x7: {  	_ = 	snop  }
__scs_overlays_trampoline_lowered:
0x8: {  	[smem:$0x3FA8] =	sst s0  }
0x9: {  	[smem:$0x3FA9] =	sst s1  }
0xa: {  	[smem:$0x3FAA] =	sst s2  }
0xb: {  	[smem:$0x3FAB] =	sst s3  }
0xc: {  	[smem:$0x3FAC] =	sst s4  }
0xd: {  	[smem:$0x3FAD] =	sst s5  }
0xe: {  	[smem:$0x3FAE] =	sst s6  }
0xf: {  	[smem:$0x3FAF] =	sst s7  }
0x10: {  	[smem:$0x3FB0] =	sst s8  }
0x11: {  	[smem:$0x3FB1] =	sst s9;
	s0 =	simm.s32 @!p0 $0x0  }
0x12: {  	s1 =	sld [smem:$0x3F97];
	s0 =	simm.s32 @p0 $0x1  }
0x13: {  	[smem:$0x3FB2] =	sst s0;
	s0 =	simm.s32 @!p1 $0x0  }
0x14: {  	s2 =	sld [smem:$0x3F96];
	s0 =	simm.s32 @p1 $0x1  }
0x15: {  	[smem:$0x3FB3] =	sst s0;
	s0 =	simm.s32 @!p2 $0x0  }
0x16: {  	s3 =	sld [smem:$0x3FDB];
	s0 =	simm.s32 @p2 $0x1  }
0x17: {  	s4 =	simm.s32 $0x1BF5;
	[smem:$0x3FB5] =	sst s0  }
0x18: {  	s0 =	sld [smem:$0x3F98];
	_ =	swait.ge [sflag:s4], $0x0  }
0x19: {  	s7 =	sld [smem:$0x3F99]  }
0x1a: {  	s8 =	sadd.s32 $0xFFFFE003, lr  }
0x1b: {  	s9 =	sadd.s32 $0xFFFFFEF7, lr;
	s5 =	simm.s32 $0xFFFFFFFF;
	p2 =	slt.u32 s8, $0xFFFFF086  }
0x1c: {  	p1 =	slt.u32 s9, $0xF7A;
	s5 =	simm.s32 @!p2 $0x0  }
0x1d: {  	s5 =	simm.s32 @p1 $0x1;
	p0 =	seq.s32 s7, s2  }
0x1e: {  	s7 =	smul.u32 @!p0 $0xF7A, s2;
	p2 =	seq.s32 @!p0 s5, $0x0  }
0x1f: {  	s9 =	smul.u32 $0xF7A, s1;
	s8 =	simm.s32 @!p0 $0x1BF5;
	p2 =	por !p2, p0  }
0x20: {  	[sflag:s8] =	ssyncset.s32 @!p0 $0xFFFFF086;
	s6 =	sadd.s32 @!p0 s3, s7;
	s7 =	simm.s32 @!p0 $0x108  }
0x21: {  	s3 =	sadd.s32 s3, s9;
	s6 =	sadd.s32 @!p0 $0x88, s6;
	s7 =	simm.s32 @p2 $0x1082  }
0x22: {  	[simem:s7], [sflag:s8] =	dma.local @!p0 [hbm:s6], $0xF7A  }
0x23: {  	s9 =	sor.u32 $0xD0000000, s2;
	s6 =	simm.s32 $0x108;
	_ =	swait.ge @!p0 [sflag:s8], $0x0  }
0x24: {  	s3 =	sadd.s32 $0x88, s3;
	s6 =	simm.s32 @!p1 $0x1082;
	[sflag:s4] =	ssyncset.s32 $0xFFFFF086  }
0x25: {  	[simem:s6], [sflag:s4] =	dma.local [hbm:s3], $0xF7A  }
0x26: {  	[smem:$0x3F99] =	sst s1;
	(tag) =	ssettag s2;
	_ =	strace s9  }
0x27: {  	s1 =	sld [smem:$0x3FA9]  }
0x28: {  	s2 =	sld [smem:$0x3FAA]  }
0x29: {  	s4 =	sld [smem:$0x3FAC]  }
0x2a: {  	p0 =	seq.s32 s5, $0x0;
	s5 =	sld [smem:$0x3FAD]  }
0x2b: {  	s6 =	sld [smem:$0x3FAE]  }
0x2c: {  	s7 =	sld [smem:$0x3FAF]  }
0x2d: {  	s3 =	simm.s32 $0x108;
	s8 =	sld [smem:$0x3FB0]  }
0x2e: {  	s3 =	simm.s32 @!p0 $0x1082;
	s9 =	sld [smem:$0x3FB1]  }
0x2f: {  	lr =	sadd.s32 s0, s3;
	s0 =	sld [smem:$0x3FA8]  }
0x30: {  	s3 =	sld [smem:$0x3FAB]  }
0x31: {  	[smem:$0x3FB4] =	sst s10  }
0x32: {  	s10 =	sld [smem:$0x3FB2];
	_ =	sdelay $0x3  }
0x33: {  	p0 =	seq.s32 s10, $0x1;
	s10 =	sld [smem:$0x3FB4];
	_ =	sdelay $0x3  }
0x34: {  	[smem:$0x3FB4] =	sst s10  }
0x35: {  	s10 =	sld [smem:$0x3FB3];
	_ =	sdelay $0x3  }
0x36: {  	p1 =	seq.s32 s10, $0x1;
	s10 =	sld [smem:$0x3FB4];
	_ =	sdelay $0x3  }
0x37: {  	[smem:$0x3FB4] =	sst s10  }
0x38: {  	s10 =	sld [smem:$0x3FB5]  }
0x39: {  	_ = 	snop;
	(pc) =	sbr.ind lr, $3  }
0x3a: {  	_ = 	snop  }
0x3b: {  	_ = 	snop  }
0x3c: {  	p2 =	seq.s32 s10, $0x1;
	s10 =	sld [smem:$0x3FB4]  }
0x3d: {  	_ =	shalt  }
0x3e: {  	_ =	shalt  }
0x3f: {  	_ =	shalt  }
0x40: {  	_ =	shalt  }
0x41: {  	_ =	shalt  }
0x42: {  	_ =	shalt  }
0x43: {  	_ =	shalt  }
0x44: {  	_ =	shalt  }
0x45: {  	_ =	shalt  }
0x46: {  	_ =	shalt  }
0x47: {  	_ =	shalt  }
0x48: {  	_ =	shalt  }
0x49: {  	_ =	shalt  }
0x4a: {  	_ =	shalt  }
0x4b: {  	_ =	shalt  }
0x4c: {  	_ =	shalt  }
0x4d: {  	_ =	shalt  }
0x4e: {  	_ =	shalt  }
0x4f: {  	_ =	shalt  }
0x50: {  	_ =	shalt  }
0x51: {  	_ =	shalt  }
0x52: {  	_ =	shalt  }
0x53: {  	_ =	shalt  }
0x54: {  	_ =	shalt  }
0x55: {  	_ =	shalt  }
0x56: {  	_ =	shalt  }
0x57: {  	_ =	shalt  }
0x58: {  	_ =	shalt  }
0x59: {  	_ =	shalt  }
0x5a: {  	_ =	shalt  }
0x5b: {  	_ =	shalt  }
0x5c: {  	_ =	shalt  }
0x5d: {  	_ =	shalt  }
0x5e: {  	_ =	shalt  }
0x5f: {  	_ =	shalt  }
0x60: {  	_ =	shalt  }
0x61: {  	_ =	shalt  }
0x62: {  	_ =	shalt  }
0x63: {  	_ =	shalt  }
0x64: {  	_ =	shalt  }
0x65: {  	_ =	shalt  }
0x66: {  	_ =	shalt  }
0x67: {  	_ =	shalt  }
0x68: {  	_ =	shalt  }
0x69: {  	_ =	shalt  }
0x6a: {  	_ =	shalt  }
0x6b: {  	_ =	shalt  }
0x6c: {  	_ =	shalt  }
0x6d: {  	_ =	shalt  }
0x6e: {  	_ =	shalt  }
0x6f: {  	_ =	shalt  }
0x70: {  	_ =	shalt  }
0x71: {  	_ =	shalt  }
0x72: {  	_ =	shalt  }
0x73: {  	_ =	shalt  }
0x74: {  	_ =	shalt  }
0x75: {  	_ =	shalt  }
0x76: {  	_ =	shalt  }
0x77: {  	_ =	shalt  }
0x78: {  	_ =	shalt  }
0x79: {  	_ =	shalt  }
0x7a: {  	_ =	shalt  }
0x7b: {  	_ =	shalt  }
0x7c: {  	_ =	shalt  }
0x7d: {  	_ =	shalt  }
0x7e: {  	_ =	shalt  }
0x7f: {  	_ =	shalt  }
0x80: {  	_ =	shalt  }
0x81: {  	_ =	shalt  }
0x82: {  	_ =	shalt  }
0x83: {  	_ =	shalt  }
0x84: {  	_ =	shalt  }
0x85: {  	_ =	shalt  }
0x86: {  	_ =	shalt  }
0x87: {  	_ =	shalt  }
.Lfunc_end0:
.L_simem_size_0:
called_computation.1_lowered:
.L_overlay_start_0:
0x88: {  	s2 =	sld [smem:$0x3FD9]  }
0x89: {  	s3 =	sld [smem:$0x3FFE];
	_ =	sdelay $0x1  }
0x8a: {  	s1 =	srdreg.scid  }
0x8b: {  	s0 =	sand.u32 $0x1, s1  }
0x8c: {  	s17 =	sshll.u32 s0, $0xA;
	s2 =	sadd.s32 s3, s2  }
0x8d: {  	s2 =	sadd.s32 s2, s17  }
0x8e: {  	[smem:$0x3FC0] =	sst s2  }
0x8f: {  	_ = 	snop  }
0x90: {  	s2 =	sld [smem:$0x3FD0];
	(tm) =	ssettm $0x1  }
0x91: {  	s18 =	sld [smem:$0x3FFB];
	_ =	sdelay $0x3  }
0x92: {  	_ =	strace s18  }
0x93: {  	s3 =	sld [smem:$0x3FFC];
	_ =	sdelay $0x3  }
0x94: {  	_ =	strace s3  }
0x95: {  	s3 =	sld [smem:$0x3FFD];
	_ =	sdelay $0x3  }
0x96: {  	_ =	strace s3  }
0x97: {  	_ =	strace $0x8FFFFFFF  }
0x98: {  	s19 =	sld [smem:$0x3FDB];
	_ =	sdelay $0x1  }
0x99: {  	s4 =	simm.s32 $_scs_section_size  }
0x9a: {  	s5 =	simm.s32 $_size__tile_overlayer_lowered;
	s6 =	simm.s32 $_tile_overlayer_lowered  }
0x9b: {  	s22 =	simm.s32 $0x1BFF;
	s21 =	sshll.u32 s6, $0x1;
	s3 =	sadd.s32 s4, s19  }
0x9c: {  	s7 =	simm.s32 $0x0;
	s20 =	sshll.u32 s5, $0x1;
	s5 =	sadd.s32 s21, s3  }
0x9d: {  	[timem:s7], [sflag:s22] =	dma.local [hbm:s5], s20  }
0x9e: {  	_ =	swait.ge [sflag:s22], s20  }
0x9f: {  	s4 =	ssub.s32 $0x0, s20;
	[sflag:s22] =	ssyncset.done $0x0  }
0xa0: {  	[sflag:s22] =	ssyncadd.s32 s4;
	_ =	sdelay $0x1  }
0xa1: {  	s23 =	simm.s32 $0x1B8B  }
0xa2: {  	_ =	swait.ge [sflag:s23], $0x1  }
0xa3: {  	[sflag:s23] =	ssyncset.done $0x0  }
0xa4: {  	s25 =	simm.s32 $0x1B8E;
	s24 =	sld [smem:$0x3FFE];
	[sflag:s23] =	ssyncadd.s32 $0xFFFFFFFF  }
0xa5: {  	s26 =	simm.s32 $execute0_lowered;
	[smem:$0x3FD2] =	sst s25  }
0xa6: {  	s5 =	sshll.u32 s26, $0x1;
	_ =	strace $0x80000049;
	[dreg:$0x1] =	wrdreg $0xFFFFFFFF  }
0xa7: {  	s28 =	simm.s32 $_size_execute0_lowered;
	s3 =	sadd.s32 s3, s5;
	[dreg:$0x0] =	wrdreg $0x0  }
0xa8: {  	s5 =	sshll.u32 s28, $0x1;
	[dreg:$0x2] =	wrdreg s3  }
0xa9: {  	[dreg:$0x3] =	wrdreg s5  }
0xaa: {  	[dreg:$0x4] =	wrdreg $0xC0  }
0xab: {  	_ =	task [dreg:s7], $0x5FFFF  }
0xac: {  	[dreg:$0x1] =	wrdreg $0xFFFFFFFF  }
0xad: {  	[dreg:$0x0] =	wrdreg $0x60  }
0xae: {  	[dreg:$0x2] =	wrdreg s2  }
0xaf: {  	[dreg:$0x3] =	wrdreg s24  }
0xb0: {  	[dreg:$0x4] =	wrdreg $0xC4000  }
0xb1: {  	[dreg:$0x5] =	wrdreg $0x9  }
0xb2: {  	_ =	task.clear_ibuf [dreg:s7], $0x6FFFF;
	_ =	strace $0x90000049  }
0xb3: {  	s29 =	simm.s32 $0x9;
	_ =	strace $0x8000004B  }
0xb4: {  	_ =	swait.ge [sflag:s29], $0x1  }
0xb5: {  	[sflag:s29] =	ssyncadd.s32 $0xFFFFFFFF  }
0xb6: {  	_ =	strace $0x9000004B  }
0xb7: {  	_ =	sfence  }
0xb8: {  	s30 =	sld [smem:$0x0];
	_ =	sdelay $0x2  }
0xb9: {  	s31 =	sshll.u32 s1, $0xD;
	s1 =	sshrl.u32 s1, $0x2  }
0xba: {  	s3 =	sand.u32 $0x4000, s31;
	s1 =	sadd.s32 s1, s30  }
0xbb: {  	s0 =	sor.u32 s3, s0;
	s1 =	sshll.u32 s1, $0x11  }
0xbc: {  	s0 =	sor.u32 s1, s0  }
0xbd: {  	s0 =	sadd.s32 $0x8F2B, s0  }
0xbe: {  	[sflag:s0] =	ssyncadd.remote.s32 $0x1  }
0xbf: {  	_ =	sfence.sel $0xFFFF  }
0xc0: {  	[dreg:$0x0] =	wrdreg $0xFFFFFFFF;
	(pc) =	sbr.abs _section_cstart, $3  }
0xc1: {  	[dreg:$0x1] =	wrdreg $0xFFFFFFFF  }
0xc2: {  	_ =	task.clear_ibuf [dreg:s7], $0x2FFFF;
	_ =	strace $0x9FFFFFFF  }
0xc3: {  	(tm) =	ssettm $0x7FFFFFFF  }
tec
execute0_lowered:
.L_overlay_start_1:
0x0: {  	(tag) =	ssettag $0x1  }
0x1: {  	s0 =	rddreg [dreg:$0x0]  }
0x2: {  	s4 =	rddreg [dreg:$0x1]  }
0x3: {  	s1 =	srdreg.scid;
	s6 =	rddreg [dreg:$0x2]  }
0x4: {  	s2 =	stileid.u32;
	s3 =	simm.s32 $0x0;
	s17 =	simm.s32 $0x200  }
0x5: {  	s18 =	simm.s32 $0x400;
	s19 =	simm.s32 $0x8;
	s20 =	simm.s32 $0x4  }
0x6: {  	s21 =	simm.s32 $0x7D;
	s22 =	simm.s32 $0x5;
	s23 =	simm.s32 $0x4400  }
0x7: {  	s5 =	sand.u32 $0x1, s1;
	s1 =	rddreg [dreg:$0x3];
	s8 =	smul.u32 $0x13C00, s2  }
0x8: {  	s24 =	simm.s32 $0x0;
	[smem:$0x7FF] =	sst s3;
	s10 =	smul.u32 $0x4F000, s2  }
0x9: {  	s9 =	sshll.u32 s2, $0x1;
	s15 =	sadd.s32 $0x2E00, s4;
	s12 =	smul.u32 $0xA000, s2  }
0xa: {  	s7 =	smul.u32 $0x13C000, s5;
	_ =	strace $0x8000004A;
	s28 =	ssub.s32 $0x2, s5  }
0xb: {  	s25 =	sor.u32 s5, s9;
	s31 =	smul.u32 $0x5000, s5;
	s11 =	sshrl.u32 s28, $0x1  }
0xc: {  	s30 =	sshrl.u32 s10, $0x2;
	s7 =	sadd.s32 s8, s7;
	s8 =	smul.u32 $0x5000, s25  }
0xd: {  	s11 =	ssub.s32 s28, s11;
	s6 =	sadd.s32 s30, s6;
	s12 =	sadd.s32 s31, s12  }
0xe: {  	s7 =	sshrl.u32 s7, $0x3;
	s10 =	smax.u32 s11, $0x1;
	s13 =	sor.u32 $0x300, s12  }
.Ltmp0:
0xf: {  	s11 =	sadd.s32 $0x3C00, s6;
	s12 =	sadd.s32 $0x7800, s6;
	(pc) =	sbr.rel .LBB2_1-.Ltmp0, $4  }
0x10: {  	s14 =	sadd.s32 $0xF000, s6;
	s26 =	sadd.s32 s7, s4;
	s29 =	sshrl.u32 s8, $0x3  }
0x11: {  	s8 =	sadd.s32 $0x12C00, s6;
	s16 =	sshrl.u32 s13, $0x3;
	s13 =	sadd.s32 $0xB400, s6  }
0x12: {  	s4 =	sadd.s32 s15, s29;
	s9 =	sadd.s32 $0x16E00, s26;
	s15 =	sadd.s32 s16, s15  }
0x13: {  	v0 =	vimm.f32 $0.0e+00;
	s16 =	simm.s32 $0x100;
	s5 =	sadd.s32 $0x20, s4;
	s7 =	sadd.s32 $0x40, s4  }
.LBB2_9:
0x14: {  	s24 =	sadd.s32 $0x1, s24  }
0x15: {  	s25 =	sshll.u32 s2, $0x6;
	[bflag:$0x0] =	sbarrier.arrive $0xFFFF;
	p0 =	sne.s32 s24, s10  }
.Ltmp1:
0x16: {  	s26 =	sshrl.u32 s6, $0x3;
	s25 =	sor.u32 $0x1C08, s25;
	(pc) =	sbr.rel @!p0 .LBB2_10-.Ltmp1, $4  }
0x17: {  	[hbm:s9], [sflag:s25] =	dma.local [spmem:s26], $0x2780  }
0x18: {  	_ =	swait.ge [sflag:s19], $0x2780  }
0x19: {  	[sflag:s19] =	ssyncset.done $0x0  }
0x1a: {  	[sflag:s19] =	ssyncadd.s32 $0xFFFFD880  }
.LBB2_1:
0x1b: {  	[tilespmem:s3], [sflag:$0x4] =	stream.linear.gather [hbm4b:s4+s3], $0x100, $0x38;
	v63 =	vld [tilespmem:$0x0]  }
0x1c: {  	_ = 	snop  }
0x1d: {  	[tilespmem:s16], [sflag:$0x5] =	stream.linear.gather [hbm4b:s5+s3], $0x100, $0x38;
	v63 =	vld [tilespmem:$0x0]  }
0x1e: {  	s25 =	simm.s32 $0x0;
	s26 =	simm.s32 $0x200  }
0x1f: {  	[tilespmem:s17], [sflag:$0x6] =	stream.linear.gather [hbm4b:s7+s3], $0x100, $0x38;
	v63 =	vld [tilespmem:$0x0]  }
.LBB2_2:
0x20: {  	p0 =	sne.s32 s26, $0xF800;
	[tilespmem:s25+$0x470] =	vst v0  }
0x21: {  	[tilespmem:s25+$0x400] =	vst v0  }
0x22: {  	[tilespmem:s25+$0x410] =	vst v0  }
.Ltmp2:
0x23: {  	[tilespmem:s25+$0x420] =	vst v0;
	(pc) =	sbr.rel @p0 .LBB2_2-.Ltmp2, $4  }
0x24: {  	[tilespmem:s25+$0x430] =	vst v0  }
0x25: {  	[tilespmem:s25+$0x440] =	vst v0  }
0x26: {  	[tilespmem:s25+$0x450] =	vst v0  }
0x27: {  	[tilespmem:s25+$0x460] =	vst v0;
	s25 =	sshra.s32 s26, $0x2;
	s26 =	sadd.s32 $0x200, s26  }
0x28: {  	[tilespmem:s25+$0x470] =	vst v0  }
0x29: {  	[tilespmem:s25+$0x400] =	vst v0  }
0x2a: {  	[tilespmem:s25+$0x410] =	vst v0  }
0x2b: {  	[tilespmem:s25+$0x420] =	vst v0  }
0x2c: {  	[tilespmem:s25+$0x430] =	vst v0  }
0x2d: {  	[tilespmem:s25+$0x440] =	vst v0  }
0x2e: {  	[tilespmem:s25+$0x450] =	vst v0  }
0x2f: {  	[tilespmem:s25+$0x460] =	vst v0  }
0x30: {  	[spmem:s6] =	stream.linear.scatter [tilespmem:s18], [sflag:$0x8], $0x3C00, $0x38;
	v63 =	vld [tilespmem:$0x0]  }
0x31: {  	_ =	swait.ge [sflag:s19], $0x3C00  }
0x32: {  	[sflag:s19] =	ssyncset.done $0x0  }
0x33: {  	[sflag:s19] =	ssyncadd.s32 $0xFFFFC400  }
0x34: {  	[spmem:s11] =	stream.linear.scatter [tilespmem:s18], [sflag:$0x8], $0x3C00, $0x38;
	v63 =	vld [tilespmem:$0x0]  }
0x35: {  	_ =	swait.ge [sflag:s19], $0x3C00  }
0x36: {  	[sflag:s19] =	ssyncset.done $0x0  }
0x37: {  	[sflag:s19] =	ssyncadd.s32 $0xFFFFC400  }
0x38: {  	[spmem:s12] =	stream.linear.scatter [tilespmem:s18], [sflag:$0x8], $0x3C00, $0x38;
	v63 =	vld [tilespmem:$0x0]  }
0x39: {  	_ =	swait.ge [sflag:s19], $0x3C00  }
0x3a: {  	[sflag:s19] =	ssyncset.done $0x0  }
0x3b: {  	[sflag:s19] =	ssyncadd.s32 $0xFFFFC400  }
0x3c: {  	[spmem:s13] =	stream.linear.scatter [tilespmem:s18], [sflag:$0x8], $0x3C00, $0x38;
	v63 =	vld [tilespmem:$0x0]  }
0x3d: {  	_ =	swait.ge [sflag:s19], $0x3C00  }
0x3e: {  	[sflag:s19] =	ssyncset.done $0x0  }
0x3f: {  	[sflag:s19] =	ssyncadd.s32 $0xFFFFC400  }
0x40: {  	[spmem:s14] =	stream.linear.scatter [tilespmem:s18], [sflag:$0x8], $0x3C00, $0x38;
	v63 =	vld [tilespmem:$0x0]  }
0x41: {  	_ =	swait.ge [sflag:s19], $0x3C00  }
0x42: {  	[sflag:s19] =	ssyncset.done $0x0  }
0x43: {  	[sflag:s19] =	ssyncadd.s32 $0xFFFFC400  }
0x44: {  	[spmem:s8] =	stream.linear.scatter [tilespmem:s18], [sflag:$0x8], $0x1000, $0x38;
	v63 =	vld [tilespmem:$0x0]  }
0x45: {  	_ =	swait.ge [sflag:s19], $0x1000  }
0x46: {  	[sflag:s19] =	ssyncset.done $0x0  }
0x47: {  	[sflag:s19] =	ssyncadd.s32 $0xFFFFF000  }
0x48: {  	_ =	swait.ge [sflag:s20], $0x100  }
0x49: {  	[sflag:s20] =	ssyncset.done $0x0  }
0x4a: {  	s25 =	simm.s32 $0x0;
	[sflag:s20] =	ssyncadd.s32 $0xFFFFFF00  }
0x4b: {  	[tilespmem:s18], [sflag:$0x1] =	stream.indirect.gather [hbm4b:s0+s21], $0x80, s25, s21, $0xb8;
	v63 =	vld [tilespmem:$0x0]  }
0x4c: {  	_ =	swait.ge [sflag:s22], $0x100  }
.Ltmp3:
0x4d: {  	[sflag:s22] =	ssyncset.done $0x0;
	(pc) =	sbr.rel .LBB2_4-.Ltmp3, $4  }
0x4e: {  	[sflag:s22] =	ssyncadd.s32 $0xFFFFFF00  }
0x4f: {  	[tilespmem:s23], [sflag:$0x2] =	stream.indirect.gather [hbm4b:s0+s21], $0x80, s16, s21, $0xb8;
	v63 =	vld [tilespmem:$0x0]  }
0x50: {  	[bflag:$0x0] =	sbarrier.arrive $0xFFFF  }
0x51: {  	s26 =	smov.u32 s15  }
.LBB2_5:
0x52: {  	s28 =	sadd.s32 $0xFFFFFFFF, s25  }
0x53: {  	s28 =	sand.u32 $0x3, s28  }
0x54: {  	s29 =	sshll.u32 s28, $0x8;
	s28 =	sor.u32 $0x4, s28  }
0x55: {  	[tilespmem:s29], [sflag:s28] =	stream.linear.gather [hbm4b:s26+s3], $0x100, $0x38;
	v63 =	vld [tilespmem:$0x0]  }
.LBB2_7:
0x56: {  	s28 =	sadd.s32 $0x2, s25  }
0x57: {  	s29 =	smul.u32 $0xAB, s28;
	_ =	sdelay $0x1  }
0x58: {  	s29 =	sshrl.u32 s29, $0x9  }
0x59: {  	s29 =	sand.u32 $0x7F, s29  }
0x5a: {  	s30 =	sand.u32 $0x3, s28;
	s29 =	smul.u32 $0x3, s29  }
0x5b: {  	s31 =	sor.u32 $0x4, s30  }
0x5c: {  	_ =	swait.ge [sflag:s31], $0x100;
	s28 =	ssub.s32 s28, s29  }
0x5d: {  	[sflag:s31] =	ssyncset.done $0x0;
	s28 =	sand.u32 $0xFF, s28  }
0x5e: {  	[sflag:s31] =	ssyncadd.s32 $0xFFFFFF00;
	s31 =	sshll.u32 s28, $0xE  }
0x5f: {  	s30 =	sshll.u32 s30, $0x8;
	s28 =	sadd.s32 $0x1, s28;
	s29 =	sor.u32 $0x400, s31  }
0x60: {  	[tilespmem:s29], [sflag:s28] =	stream.indirect.gather [hbm4b:s0+s21], $0x80, s30, s21, $0xb8;
	v63 =	vld [tilespmem:$0x0]  }
.LBB2_8:
0x61: {  	s28 =	smul.u32 $0xAB, s25;
	_ =	sdelay $0x1  }
0x62: {  	s28 =	sshrl.u32 s28, $0x9  }
0x63: {  	s28 =	sand.u32 $0x7F, s28  }
0x64: {  	s28 =	smul.u32 $0x3, s28;
	_ =	sdelay $0x1  }
0x65: {  	s28 =	ssub.s32 s25, s28  }
0x66: {  	s28 =	sand.u32 $0xFF, s28  }
0x67: {  	s29 =	sadd.s32 $0x1, s28  }
0x68: {  	s25 =	sadd.s32 $0x1, s25;
	_ =	swait.ge [sflag:s29], $0x3E80  }
0x69: {  	p0 =	sne.s32 s25, $0x50;
	s28 =	sshll.u32 s28, $0xE;
	[sflag:s29] =	ssyncset.done $0x0  }
.Ltmp4:
0x6a: {  	s28 =	sor.u32 $0x400, s28;
	[sflag:s29] =	ssyncadd.s32 $0xFFFFC180;
	(pc) =	sbr.rel @!p0 .LBB2_9-.Ltmp4, $4  }
0x6b: {  	[spmem:s6] =	stream.linear.scatter [tilespmem:s28], [sflag:$0x8], $0x3E80, $0x38;
	v63 =	vld [tilespmem:$0x0]  }
0x6c: {  	_ =	swait.ge [sflag:s19], $0x3E80  }
0x6d: {  	[sflag:s19] =	ssyncset.done $0x0  }
0x6e: {  	s26 =	sadd.s32 $0x20, s26;
	[sflag:s19] =	ssyncadd.s32 $0xFFFFC180  }
.LBB2_4:
0x6f: {  	p0 =	sgt.u32 s25, $0x4C  }
.Ltmp5:
0x70: {  	_ = 	snop;
	(pc) =	sbr.rel @!p0 .LBB2_5-.Ltmp5, $1  }
0x71: {  	_ =	sdelay $0x3  }
0x72: {  	p0 =	sne.s32 s25, $0x4D  }
.Ltmp6:
0x73: {  	_ = 	snop;
	(pc) =	sbr.rel @p0 .LBB2_8-.Ltmp6, $4  }
.Ltmp7:
0x74: {  	_ = 	snop;
	(pc) =	sbr.rel @!p0 .LBB2_7-.Ltmp7, $4  }
0x75: {  	_ = 	snop  }
0x76: {  	_ = 	snop  }
0x77: {  	_ = 	snop  }
0x78: {  	_ = 	snop  }
.LBB2_10:
0x79: {  	_ =	sfence.sel $0x180000  }
0x7a: {  	[bflag:$0x0] =	sbarrier.arrive $0xFFFF  }
0x7b: {  	p0 =	sne.s32 s2, $0x0;
	_ =	strace $0x9000004A  }
0x7c: {  	s0 =	sadd.s32 @!p0 $0x100000, s1;
	[bflag:$0x2] =	sbarrier.arrive $0xFFFF  }
0x7d: {  	[sflag:s0] =	ssyncadd.tile.s32 @!p0 $0x1;
	_ =	shalt  }
.Lfunc_end2:
_tile_overlayer_lowered:
.L_overlay_start_2:
0x7e: {  	(tag) =	ssettag $0x2  }
0x7f: {  	s0 =	rddreg [dreg:$0x0];
	s2 =	stileid.u32  }
0x80: {  	s1 =	rddreg [dreg:$0x1];
	p0 =	sne.s32 s2, $0x0  }
0x81: {  	s3 =	rddreg [dreg:$0x2];
	[bflag:$0x3] =	sbarrier.arrive $0xFFFF;
	s2 =	simm.s32 @!p0 $0x1C08  }
0x82: {  	[timem:s3], [sflag:s2] =	dma.local @!p0 [hbm:s0], s1  }
0x83: {  	s0 =	simm.s32 @!p0 $0x8  }
0x84: {  	_ =	swait.ge @!p0 [sflag:s0], s1  }
0x85: {  	s1 =	ssub.s32 @!p0 $0x0, s1;
	[sflag:s0] =	ssyncset.done @!p0 $0x0  }
0x86: {  	[sflag:s0] =	ssyncadd.s32 @!p0 s1  }
0x87: {  	[bflag:$0x3] =	sbarrier.arrive $0xFFFF  }
0x88: {  	_ =	shalt  }

// kernel: kernel.14.cloned.1.call-start
scs
__scs_entry_jumppad:
0x0: {  	(pc) =	sbr.rel $0x88, $3  }
0x1: {  	(tag) =	ssettag $0x0;
	lr =	simm.s32 $0x1  }
0x2: {  	[smem:$0x3F99] =	sst lr;
	_ =	strace $0xD0000000  }
0x3: {  	_ = 	snop  }
0x4: {  	_ = 	snop  }
0x5: {  	_ = 	snop  }
0x6: {  	_ = 	snop  }
0x7: {  	_ = 	snop  }
__scs_overlays_trampoline_lowered:
0x8: {  	[smem:$0x3FA8] =	sst s0  }
0x9: {  	[smem:$0x3FA9] =	sst s1  }
0xa: {  	[smem:$0x3FAA] =	sst s2  }
0xb: {  	[smem:$0x3FAB] =	sst s3  }
0xc: {  	[smem:$0x3FAC] =	sst s4  }
0xd: {  	[smem:$0x3FAD] =	sst s5  }
0xe: {  	[smem:$0x3FAE] =	sst s6  }
0xf: {  	[smem:$0x3FAF] =	sst s7  }
0x10: {  	[smem:$0x3FB0] =	sst s8  }
0x11: {  	[smem:$0x3FB1] =	sst s9;
	s0 =	simm.s32 @!p0 $0x0  }
0x12: {  	s1 =	sld [smem:$0x3F97];
	s0 =	simm.s32 @p0 $0x1  }
0x13: {  	[smem:$0x3FB2] =	sst s0;
	s0 =	simm.s32 @!p1 $0x0  }
0x14: {  	s2 =	sld [smem:$0x3F96];
	s0 =	simm.s32 @p1 $0x1  }
0x15: {  	[smem:$0x3FB3] =	sst s0;
	s0 =	simm.s32 @!p2 $0x0  }
0x16: {  	s3 =	sld [smem:$0x3FDB];
	s0 =	simm.s32 @p2 $0x1  }
0x17: {  	s4 =	simm.s32 $0x1BF5;
	[smem:$0x3FB5] =	sst s0  }
0x18: {  	s0 =	sld [smem:$0x3F98];
	_ =	swait.ge [sflag:s4], $0x0  }
0x19: {  	s7 =	sld [smem:$0x3F99]  }
0x1a: {  	s8 =	sadd.s32 $0xFFFFE003, lr  }
0x1b: {  	s9 =	sadd.s32 $0xFFFFFEF7, lr;
	s5 =	simm.s32 $0xFFFFFFFF;
	p2 =	slt.u32 s8, $0xFFFFF086  }
0x1c: {  	p1 =	slt.u32 s9, $0xF7A;
	s5 =	simm.s32 @!p2 $0x0  }
0x1d: {  	s5 =	simm.s32 @p1 $0x1;
	p0 =	seq.s32 s7, s2  }
0x1e: {  	s7 =	smul.u32 @!p0 $0xF7A, s2;
	p2 =	seq.s32 @!p0 s5, $0x0  }
0x1f: {  	s9 =	smul.u32 $0xF7A, s1;
	s8 =	simm.s32 @!p0 $0x1BF5;
	p2 =	por !p2, p0  }
0x20: {  	[sflag:s8] =	ssyncset.s32 @!p0 $0xFFFFF086;
	s6 =	sadd.s32 @!p0 s3, s7;
	s7 =	simm.s32 @!p0 $0x108  }
0x21: {  	s3 =	sadd.s32 s3, s9;
	s6 =	sadd.s32 @!p0 $0x88, s6;
	s7 =	simm.s32 @p2 $0x1082  }
0x22: {  	[simem:s7], [sflag:s8] =	dma.local @!p0 [hbm:s6], $0xF7A  }
0x23: {  	s9 =	sor.u32 $0xD0000000, s2;
	s6 =	simm.s32 $0x108;
	_ =	swait.ge @!p0 [sflag:s8], $0x0  }
0x24: {  	s3 =	sadd.s32 $0x88, s3;
	s6 =	simm.s32 @!p1 $0x1082;
	[sflag:s4] =	ssyncset.s32 $0xFFFFF086  }
0x25: {  	[simem:s6], [sflag:s4] =	dma.local [hbm:s3], $0xF7A  }
0x26: {  	[smem:$0x3F99] =	sst s1;
	(tag) =	ssettag s2;
	_ =	strace s9  }
0x27: {  	s1 =	sld [smem:$0x3FA9]  }
0x28: {  	s2 =	sld [smem:$0x3FAA]  }
0x29: {  	s4 =	sld [smem:$0x3FAC]  }
0x2a: {  	p0 =	seq.s32 s5, $0x0;
	s5 =	sld [smem:$0x3FAD]  }
0x2b: {  	s6 =	sld [smem:$0x3FAE]  }
0x2c: {  	s7 =	sld [smem:$0x3FAF]  }
0x2d: {  	s3 =	simm.s32 $0x108;
	s8 =	sld [smem:$0x3FB0]  }
0x2e: {  	s3 =	simm.s32 @!p0 $0x1082;
	s9 =	sld [smem:$0x3FB1]  }
0x2f: {  	lr =	sadd.s32 s0, s3;
	s0 =	sld [smem:$0x3FA8]  }
0x30: {  	s3 =	sld [smem:$0x3FAB]  }
0x31: {  	[smem:$0x3FB4] =	sst s10  }
0x32: {  	s10 =	sld [smem:$0x3FB2];
	_ =	sdelay $0x3  }
0x33: {  	p0 =	seq.s32 s10, $0x1;
	s10 =	sld [smem:$0x3FB4];
	_ =	sdelay $0x3  }
0x34: {  	[smem:$0x3FB4] =	sst s10  }
0x35: {  	s10 =	sld [smem:$0x3FB3];
	_ =	sdelay $0x3  }
0x36: {  	p1 =	seq.s32 s10, $0x1;
	s10 =	sld [smem:$0x3FB4];
	_ =	sdelay $0x3  }
0x37: {  	[smem:$0x3FB4] =	sst s10  }
0x38: {  	s10 =	sld [smem:$0x3FB5]  }
0x39: {  	_ = 	snop;
	(pc) =	sbr.ind lr, $3  }
0x3a: {  	_ = 	snop  }
0x3b: {  	_ = 	snop  }
0x3c: {  	p2 =	seq.s32 s10, $0x1;
	s10 =	sld [smem:$0x3FB4]  }
0x3d: {  	_ =	shalt  }
0x3e: {  	_ =	shalt  }
0x3f: {  	_ =	shalt  }
0x40: {  	_ =	shalt  }
0x41: {  	_ =	shalt  }
0x42: {  	_ =	shalt  }
0x43: {  	_ =	shalt  }
0x44: {  	_ =	shalt  }
0x45: {  	_ =	shalt  }
0x46: {  	_ =	shalt  }
0x47: {  	_ =	shalt  }
0x48: {  	_ =	shalt  }
0x49: {  	_ =	shalt  }
0x4a: {  	_ =	shalt  }
0x4b: {  	_ =	shalt  }
0x4c: {  	_ =	shalt  }
0x4d: {  	_ =	shalt  }
0x4e: {  	_ =	shalt  }
0x4f: {  	_ =	shalt  }
0x50: {  	_ =	shalt  }
0x51: {  	_ =	shalt  }
0x52: {  	_ =	shalt  }
0x53: {  	_ =	shalt  }
0x54: {  	_ =	shalt  }
0x55: {  	_ =	shalt  }
0x56: {  	_ =	shalt  }
0x57: {  	_ =	shalt  }
0x58: {  	_ =	shalt  }
0x59: {  	_ =	shalt  }
0x5a: {  	_ =	shalt  }
0x5b: {  	_ =	shalt  }
0x5c: {  	_ =	shalt  }
0x5d: {  	_ =	shalt  }
0x5e: {  	_ =	shalt  }
0x5f: {  	_ =	shalt  }
0x60: {  	_ =	shalt  }
0x61: {  	_ =	shalt  }
0x62: {  	_ =	shalt  }
0x63: {  	_ =	shalt  }
0x64: {  	_ =	shalt  }
0x65: {  	_ =	shalt  }
0x66: {  	_ =	shalt  }
0x67: {  	_ =	shalt  }
0x68: {  	_ =	shalt  }
0x69: {  	_ =	shalt  }
0x6a: {  	_ =	shalt  }
0x6b: {  	_ =	shalt  }
0x6c: {  	_ =	shalt  }
0x6d: {  	_ =	shalt  }
0x6e: {  	_ =	shalt  }
0x6f: {  	_ =	shalt  }
0x70: {  	_ =	shalt  }
0x71: {  	_ =	shalt  }
0x72: {  	_ =	shalt  }
0x73: {  	_ =	shalt  }
0x74: {  	_ =	shalt  }
0x75: {  	_ =	shalt  }
0x76: {  	_ =	shalt  }
0x77: {  	_ =	shalt  }
0x78: {  	_ =	shalt  }
0x79: {  	_ =	shalt  }
0x7a: {  	_ =	shalt  }
0x7b: {  	_ =	shalt  }
0x7c: {  	_ =	shalt  }
0x7d: {  	_ =	shalt  }
0x7e: {  	_ =	shalt  }
0x7f: {  	_ =	shalt  }
0x80: {  	_ =	shalt  }
0x81: {  	_ =	shalt  }
0x82: {  	_ =	shalt  }
0x83: {  	_ =	shalt  }
0x84: {  	_ =	shalt  }
0x85: {  	_ =	shalt  }
0x86: {  	_ =	shalt  }
0x87: {  	_ =	shalt  }
.Lfunc_end0:
.L_simem_size_0:
called_computation.2_lowered:
.L_overlay_start_0:
0x88: {  	s2 =	sld [smem:$0x3FD9]  }
0x89: {  	s3 =	sld [smem:$0x3FFE];
	_ =	sdelay $0x1  }
0x8a: {  	s1 =	srdreg.scid  }
0x8b: {  	s0 =	sand.u32 $0x1, s1  }
0x8c: {  	s17 =	sshll.u32 s0, $0xA;
	s2 =	sadd.s32 s3, s2  }
0x8d: {  	s2 =	sadd.s32 s2, s17  }
0x8e: {  	[smem:$0x3FC0] =	sst s2  }
0x8f: {  	_ = 	snop  }
0x90: {  	s2 =	sld [smem:$0x3FD0];
	(tm) =	ssettm $0x1  }
0x91: {  	s18 =	sld [smem:$0x3FFB];
	_ =	sdelay $0x3  }
0x92: {  	_ =	strace s18  }
0x93: {  	s3 =	sld [smem:$0x3FFC];
	_ =	sdelay $0x3  }
0x94: {  	_ =	strace s3  }
0x95: {  	s3 =	sld [smem:$0x3FFD];
	_ =	sdelay $0x3  }
0x96: {  	_ =	strace s3  }
0x97: {  	_ =	strace $0x8FFFFFFF  }
0x98: {  	s19 =	sld [smem:$0x3FDB];
	_ =	sdelay $0x1  }
0x99: {  	s4 =	simm.s32 $_scs_section_size  }
0x9a: {  	s5 =	simm.s32 $_size__tile_overlayer_lowered;
	s6 =	simm.s32 $_tile_overlayer_lowered  }
0x9b: {  	s22 =	simm.s32 $0x1BFF;
	s21 =	sshll.u32 s6, $0x1;
	s3 =	sadd.s32 s4, s19  }
0x9c: {  	s7 =	simm.s32 $0x0;
	s20 =	sshll.u32 s5, $0x1;
	s5 =	sadd.s32 s21, s3  }
0x9d: {  	[timem:s7], [sflag:s22] =	dma.local [hbm:s5], s20  }
0x9e: {  	_ =	swait.ge [sflag:s22], s20  }
0x9f: {  	s4 =	ssub.s32 $0x0, s20;
	[sflag:s22] =	ssyncset.done $0x0  }
0xa0: {  	[sflag:s22] =	ssyncadd.s32 s4;
	_ =	sdelay $0x1  }
0xa1: {  	s23 =	simm.s32 $0x1B8B  }
0xa2: {  	_ =	swait.ge [sflag:s23], $0x1  }
0xa3: {  	[sflag:s23] =	ssyncset.done $0x0  }
0xa4: {  	s25 =	simm.s32 $0x1B8E;
	s24 =	sld [smem:$0x3FFE];
	[sflag:s23] =	ssyncadd.s32 $0xFFFFFFFF  }
0xa5: {  	s26 =	simm.s32 $execute0_lowered;
	[smem:$0x3FD2] =	sst s25  }
0xa6: {  	s5 =	sshll.u32 s26, $0x1;
	_ =	strace $0x8000004C;
	[dreg:$0x1] =	wrdreg $0xFFFFFFFF  }
0xa7: {  	s28 =	simm.s32 $_size_execute0_lowered;
	s3 =	sadd.s32 s3, s5;
	[dreg:$0x0] =	wrdreg $0x0  }
0xa8: {  	s5 =	sshll.u32 s28, $0x1;
	[dreg:$0x2] =	wrdreg s3  }
0xa9: {  	[dreg:$0x3] =	wrdreg s5  }
0xaa: {  	[dreg:$0x4] =	wrdreg $0xC0  }
0xab: {  	_ =	task [dreg:s7], $0x5FFFF  }
0xac: {  	[dreg:$0x1] =	wrdreg $0xFFFFFFFF  }
0xad: {  	[dreg:$0x0] =	wrdreg $0x60  }
0xae: {  	[dreg:$0x2] =	wrdreg s2  }
0xaf: {  	[dreg:$0x3] =	wrdreg s24  }
0xb0: {  	[dreg:$0x4] =	wrdreg $0xC4000  }
0xb1: {  	[dreg:$0x5] =	wrdreg $0x9  }
0xb2: {  	_ =	task.clear_ibuf [dreg:s7], $0x6FFFF;
	_ =	strace $0x9000004C  }
0xb3: {  	s29 =	simm.s32 $0x9;
	_ =	strace $0x8000004E  }
0xb4: {  	_ =	swait.ge [sflag:s29], $0x1  }
0xb5: {  	[sflag:s29] =	ssyncadd.s32 $0xFFFFFFFF  }
0xb6: {  	_ =	strace $0x9000004E  }
0xb7: {  	_ =	sfence  }
0xb8: {  	s30 =	sld [smem:$0x0];
	_ =	sdelay $0x2  }
0xb9: {  	s31 =	sshll.u32 s1, $0xD;
	s1 =	sshrl.u32 s1, $0x2  }
0xba: {  	s3 =	sand.u32 $0x4000, s31;
	s1 =	sadd.s32 s1, s30  }
0xbb: {  	s0 =	sor.u32 s3, s0;
	s1 =	sshll.u32 s1, $0x11  }
0xbc: {  	s0 =	sor.u32 s1, s0  }
0xbd: {  	s0 =	sadd.s32 $0x8F2B, s0  }
0xbe: {  	[sflag:s0] =	ssyncadd.remote.s32 $0x1  }
0xbf: {  	_ =	sfence.sel $0xFFFF  }
0xc0: {  	[dreg:$0x0] =	wrdreg $0xFFFFFFFF;
	(pc) =	sbr.abs _section_cstart, $3  }
0xc1: {  	[dreg:$0x1] =	wrdreg $0xFFFFFFFF  }
0xc2: {  	_ =	task.clear_ibuf [dreg:s7], $0x2FFFF;
	_ =	strace $0x9FFFFFFF  }
0xc3: {  	(tm) =	ssettm $0x7FFFFFFF  }
tec
execute0_lowered:
.L_overlay_start_1:
0x0: {  	(tag) =	ssettag $0x1  }
0x1: {  	s0 =	rddreg [dreg:$0x0]  }
0x2: {  	s4 =	rddreg [dreg:$0x1]  }
0x3: {  	s1 =	srdreg.scid;
	s6 =	rddreg [dreg:$0x2]  }
0x4: {  	s2 =	stileid.u32;
	s3 =	simm.s32 $0x0;
	s17 =	simm.s32 $0x200  }
0x5: {  	s18 =	simm.s32 $0x400;
	s19 =	simm.s32 $0x8;
	s20 =	simm.s32 $0x4  }
0x6: {  	s21 =	simm.s32 $0x7D;
	s22 =	simm.s32 $0x5;
	s23 =	simm.s32 $0x4400  }
0x7: {  	s5 =	sand.u32 $0x1, s1;
	s1 =	rddreg [dreg:$0x3];
	s8 =	smul.u32 $0x13C00, s2  }
0x8: {  	s24 =	simm.s32 $0x0;
	[smem:$0x7FF] =	sst s3;
	s10 =	smul.u32 $0x4F000, s2  }
0x9: {  	s9 =	sshll.u32 s2, $0x1;
	s15 =	sadd.s32 $0x2E00, s4;
	s12 =	smul.u32 $0xA000, s2  }
0xa: {  	s7 =	smul.u32 $0x13C000, s5;
	_ =	strace $0x8000004D;
	s28 =	ssub.s32 $0x2, s5  }
0xb: {  	s25 =	sor.u32 s5, s9;
	s31 =	smul.u32 $0x5000, s5;
	s11 =	sshrl.u32 s28, $0x1  }
0xc: {  	s30 =	sshrl.u32 s10, $0x2;
	s7 =	sadd.s32 s8, s7;
	s8 =	smul.u32 $0x5000, s25  }
0xd: {  	s11 =	ssub.s32 s28, s11;
	s6 =	sadd.s32 s30, s6;
	s12 =	sadd.s32 s31, s12  }
0xe: {  	s7 =	sshrl.u32 s7, $0x3;
	s10 =	smax.u32 s11, $0x1;
	s13 =	sor.u32 $0x300, s12  }
.Ltmp0:
0xf: {  	s11 =	sadd.s32 $0x3C00, s6;
	s12 =	sadd.s32 $0x7800, s6;
	(pc) =	sbr.rel .LBB2_1-.Ltmp0, $4  }
0x10: {  	s14 =	sadd.s32 $0xF000, s6;
	s26 =	sadd.s32 s7, s4;
	s29 =	sshrl.u32 s8, $0x3  }
0x11: {  	s8 =	sadd.s32 $0x12C00, s6;
	s16 =	sshrl.u32 s13, $0x3;
	s13 =	sadd.s32 $0xB400, s6  }
0x12: {  	s4 =	sadd.s32 s15, s29;
	s9 =	sadd.s32 $0x16E00, s26;
	s15 =	sadd.s32 s16, s15  }
0x13: {  	v0 =	vimm.f32 $0.0e+00;
	s16 =	simm.s32 $0x100;
	s5 =	sadd.s32 $0x20, s4;
	s7 =	sadd.s32 $0x40, s4  }
.LBB2_9:
0x14: {  	s24 =	sadd.s32 $0x1, s24  }
0x15: {  	s25 =	sshll.u32 s2, $0x6;
	[bflag:$0x0] =	sbarrier.arrive $0xFFFF;
	p0 =	sne.s32 s24, s10  }
.Ltmp1:
0x16: {  	s26 =	sshrl.u32 s6, $0x3;
	s25 =	sor.u32 $0x1C08, s25;
	(pc) =	sbr.rel @!p0 .LBB2_10-.Ltmp1, $4  }
0x17: {  	[hbm:s9], [sflag:s25] =	dma.local [spmem:s26], $0x2780  }
0x18: {  	_ =	swait.ge [sflag:s19], $0x2780  }
0x19: {  	[sflag:s19] =	ssyncset.done $0x0  }
0x1a: {  	[sflag:s19] =	ssyncadd.s32 $0xFFFFD880  }
.LBB2_1:
0x1b: {  	[tilespmem:s3], [sflag:$0x4] =	stream.linear.gather [hbm4b:s4+s3], $0x100, $0x38;
	v63 =	vld [tilespmem:$0x0]  }
0x1c: {  	_ = 	snop  }
0x1d: {  	[tilespmem:s16], [sflag:$0x5] =	stream.linear.gather [hbm4b:s5+s3], $0x100, $0x38;
	v63 =	vld [tilespmem:$0x0]  }
0x1e: {  	s25 =	simm.s32 $0x0;
	s26 =	simm.s32 $0x200  }
0x1f: {  	[tilespmem:s17], [sflag:$0x6] =	stream.linear.gather [hbm4b:s7+s3], $0x100, $0x38;
	v63 =	vld [tilespmem:$0x0]  }
.LBB2_2:
0x20: {  	p0 =	sne.s32 s26, $0xF800;
	[tilespmem:s25+$0x470] =	vst v0  }
0x21: {  	[tilespmem:s25+$0x400] =	vst v0  }
0x22: {  	[tilespmem:s25+$0x410] =	vst v0  }
.Ltmp2:
0x23: {  	[tilespmem:s25+$0x420] =	vst v0;
	(pc) =	sbr.rel @p0 .LBB2_2-.Ltmp2, $4  }
0x24: {  	[tilespmem:s25+$0x430] =	vst v0  }
0x25: {  	[tilespmem:s25+$0x440] =	vst v0  }
0x26: {  	[tilespmem:s25+$0x450] =	vst v0  }
0x27: {  	[tilespmem:s25+$0x460] =	vst v0;
	s25 =	sshra.s32 s26, $0x2;
	s26 =	sadd.s32 $0x200, s26  }
0x28: {  	[tilespmem:s25+$0x470] =	vst v0  }
0x29: {  	[tilespmem:s25+$0x400] =	vst v0  }
0x2a: {  	[tilespmem:s25+$0x410] =	vst v0  }
0x2b: {  	[tilespmem:s25+$0x420] =	vst v0  }
0x2c: {  	[tilespmem:s25+$0x430] =	vst v0  }
0x2d: {  	[tilespmem:s25+$0x440] =	vst v0  }
0x2e: {  	[tilespmem:s25+$0x450] =	vst v0  }
0x2f: {  	[tilespmem:s25+$0x460] =	vst v0  }
0x30: {  	[spmem:s6] =	stream.linear.scatter [tilespmem:s18], [sflag:$0x8], $0x3C00, $0x38;
	v63 =	vld [tilespmem:$0x0]  }
0x31: {  	_ =	swait.ge [sflag:s19], $0x3C00  }
0x32: {  	[sflag:s19] =	ssyncset.done $0x0  }
0x33: {  	[sflag:s19] =	ssyncadd.s32 $0xFFFFC400  }
0x34: {  	[spmem:s11] =	stream.linear.scatter [tilespmem:s18], [sflag:$0x8], $0x3C00, $0x38;
	v63 =	vld [tilespmem:$0x0]  }
0x35: {  	_ =	swait.ge [sflag:s19], $0x3C00  }
0x36: {  	[sflag:s19] =	ssyncset.done $0x0  }
0x37: {  	[sflag:s19] =	ssyncadd.s32 $0xFFFFC400  }
0x38: {  	[spmem:s12] =	stream.linear.scatter [tilespmem:s18], [sflag:$0x8], $0x3C00, $0x38;
	v63 =	vld [tilespmem:$0x0]  }
0x39: {  	_ =	swait.ge [sflag:s19], $0x3C00  }
0x3a: {  	[sflag:s19] =	ssyncset.done $0x0  }
0x3b: {  	[sflag:s19] =	ssyncadd.s32 $0xFFFFC400  }
0x3c: {  	[spmem:s13] =	stream.linear.scatter [tilespmem:s18], [sflag:$0x8], $0x3C00, $0x38;
	v63 =	vld [tilespmem:$0x0]  }
0x3d: {  	_ =	swait.ge [sflag:s19], $0x3C00  }
0x3e: {  	[sflag:s19] =	ssyncset.done $0x0  }
0x3f: {  	[sflag:s19] =	ssyncadd.s32 $0xFFFFC400  }
0x40: {  	[spmem:s14] =	stream.linear.scatter [tilespmem:s18], [sflag:$0x8], $0x3C00, $0x38;
	v63 =	vld [tilespmem:$0x0]  }
0x41: {  	_ =	swait.ge [sflag:s19], $0x3C00  }
0x42: {  	[sflag:s19] =	ssyncset.done $0x0  }
0x43: {  	[sflag:s19] =	ssyncadd.s32 $0xFFFFC400  }
0x44: {  	[spmem:s8] =	stream.linear.scatter [tilespmem:s18], [sflag:$0x8], $0x1000, $0x38;
	v63 =	vld [tilespmem:$0x0]  }
0x45: {  	_ =	swait.ge [sflag:s19], $0x1000  }
0x46: {  	[sflag:s19] =	ssyncset.done $0x0  }
0x47: {  	[sflag:s19] =	ssyncadd.s32 $0xFFFFF000  }
0x48: {  	_ =	swait.ge [sflag:s20], $0x100  }
0x49: {  	[sflag:s20] =	ssyncset.done $0x0  }
0x4a: {  	s25 =	simm.s32 $0x0;
	[sflag:s20] =	ssyncadd.s32 $0xFFFFFF00  }
0x4b: {  	[tilespmem:s18], [sflag:$0x1] =	stream.indirect.gather [hbm4b:s0+s21], $0x80, s25, s21, $0xb8;
	v63 =	vld [tilespmem:$0x0]  }
0x4c: {  	_ =	swait.ge [sflag:s22], $0x100  }
.Ltmp3:
0x4d: {  	[sflag:s22] =	ssyncset.done $0x0;
	(pc) =	sbr.rel .LBB2_4-.Ltmp3, $4  }
0x4e: {  	[sflag:s22] =	ssyncadd.s32 $0xFFFFFF00  }
0x4f: {  	[tilespmem:s23], [sflag:$0x2] =	stream.indirect.gather [hbm4b:s0+s21], $0x80, s16, s21, $0xb8;
	v63 =	vld [tilespmem:$0x0]  }
0x50: {  	[bflag:$0x0] =	sbarrier.arrive $0xFFFF  }
0x51: {  	s26 =	smov.u32 s15  }
.LBB2_5:
0x52: {  	s28 =	sadd.s32 $0xFFFFFFFF, s25  }
0x53: {  	s28 =	sand.u32 $0x3, s28  }
0x54: {  	s29 =	sshll.u32 s28, $0x8;
	s28 =	sor.u32 $0x4, s28  }
0x55: {  	[tilespmem:s29], [sflag:s28] =	stream.linear.gather [hbm4b:s26+s3], $0x100, $0x38;
	v63 =	vld [tilespmem:$0x0]  }
.LBB2_7:
0x56: {  	s28 =	sadd.s32 $0x2, s25  }
0x57: {  	s29 =	smul.u32 $0xAB, s28;
	_ =	sdelay $0x1  }
0x58: {  	s29 =	sshrl.u32 s29, $0x9  }
0x59: {  	s29 =	sand.u32 $0x7F, s29  }
0x5a: {  	s30 =	sand.u32 $0x3, s28;
	s29 =	smul.u32 $0x3, s29  }
0x5b: {  	s31 =	sor.u32 $0x4, s30  }
0x5c: {  	_ =	swait.ge [sflag:s31], $0x100;
	s28 =	ssub.s32 s28, s29  }
0x5d: {  	[sflag:s31] =	ssyncset.done $0x0;
	s28 =	sand.u32 $0xFF, s28  }
0x5e: {  	[sflag:s31] =	ssyncadd.s32 $0xFFFFFF00;
	s31 =	sshll.u32 s28, $0xE  }
0x5f: {  	s30 =	sshll.u32 s30, $0x8;
	s28 =	sadd.s32 $0x1, s28;
	s29 =	sor.u32 $0x400, s31  }
0x60: {  	[tilespmem:s29], [sflag:s28] =	stream.indirect.gather [hbm4b:s0+s21], $0x80, s30, s21, $0xb8;
	v63 =	vld [tilespmem:$0x0]  }
.LBB2_8:
0x61: {  	s28 =	smul.u32 $0xAB, s25;
	_ =	sdelay $0x1  }
0x62: {  	s28 =	sshrl.u32 s28, $0x9  }
0x63: {  	s28 =	sand.u32 $0x7F, s28  }
0x64: {  	s28 =	smul.u32 $0x3, s28;
	_ =	sdelay $0x1  }
0x65: {  	s28 =	ssub.s32 s25, s28  }
0x66: {  	s28 =	sand.u32 $0xFF, s28  }
0x67: {  	s29 =	sadd.s32 $0x1, s28  }
0x68: {  	s25 =	sadd.s32 $0x1, s25;
	_ =	swait.ge [sflag:s29], $0x3E80  }
0x69: {  	p0 =	sne.s32 s25, $0x50;
	s28 =	sshll.u32 s28, $0xE;
	[sflag:s29] =	ssyncset.done $0x0  }
.Ltmp4:
0x6a: {  	s28 =	sor.u32 $0x400, s28;
	[sflag:s29] =	ssyncadd.s32 $0xFFFFC180;
	(pc) =	sbr.rel @!p0 .LBB2_9-.Ltmp4, $4  }
0x6b: {  	[spmem:s6] =	stream.linear.scatter [tilespmem:s28], [sflag:$0x8], $0x3E80, $0x38;
	v63 =	vld [tilespmem:$0x0]  }
0x6c: {  	_ =	swait.ge [sflag:s19], $0x3E80  }
0x6d: {  	[sflag:s19] =	ssyncset.done $0x0  }
0x6e: {  	s26 =	sadd.s32 $0x20, s26;
	[sflag:s19] =	ssyncadd.s32 $0xFFFFC180  }
.LBB2_4:
0x6f: {  	p0 =	sgt.u32 s25, $0x4C  }
.Ltmp5:
0x70: {  	_ = 	snop;
	(pc) =	sbr.rel @!p0 .LBB2_5-.Ltmp5, $1  }
0x71: {  	_ =	sdelay $0x3  }
0x72: {  	p0 =	sne.s32 s25, $0x4D  }
.Ltmp6:
0x73: {  	_ = 	snop;
	(pc) =	sbr.rel @p0 .LBB2_8-.Ltmp6, $4  }
.Ltmp7:
0x74: {  	_ = 	snop;
	(pc) =	sbr.rel @!p0 .LBB2_7-.Ltmp7, $4  }
0x75: {  	_ = 	snop  }
0x76: {  	_ = 	snop  }
0x77: {  	_ = 	snop  }
0x78: {  	_ = 	snop  }
.LBB2_10:
0x79: {  	_ =	sfence.sel $0x180000  }
0x7a: {  	[bflag:$0x0] =	sbarrier.arrive $0xFFFF  }
0x7b: {  	p0 =	sne.s32 s2, $0x0;
	_ =	strace $0x9000004D  }
0x7c: {  	s0 =	sadd.s32 @!p0 $0x100000, s1;
	[bflag:$0x2] =	sbarrier.arrive $0xFFFF  }
0x7d: {  	[sflag:s0] =	ssyncadd.tile.s32 @!p0 $0x1;
	_ =	shalt  }
.Lfunc_end2:
_tile_overlayer_lowered:
.L_overlay_start_2:
0x7e: {  	(tag) =	ssettag $0x2  }
0x7f: {  	s0 =	rddreg [dreg:$0x0];
	s2 =	stileid.u32  }
0x80: {  	s1 =	rddreg [dreg:$0x1];
	p0 =	sne.s32 s2, $0x0  }
0x81: {  	s3 =	rddreg [dreg:$0x2];
	[bflag:$0x3] =	sbarrier.arrive $0xFFFF;
	s2 =	simm.s32 @!p0 $0x1C08  }
0x82: {  	[timem:s3], [sflag:s2] =	dma.local @!p0 [hbm:s0], s1  }
0x83: {  	s0 =	simm.s32 @!p0 $0x8  }
0x84: {  	_ =	swait.ge @!p0 [sflag:s0], s1  }
0x85: {  	s1 =	ssub.s32 @!p0 $0x0, s1;
	[sflag:s0] =	ssyncset.done @!p0 $0x0  }
0x86: {  	[sflag:s0] =	ssyncadd.s32 @!p0 s1  }
0x87: {  	[bflag:$0x3] =	sbarrier.arrive $0xFFFF  }
0x88: {  	_ =	shalt  }

// kernel: kernel.8.cloned.1.call-start
scs
__scs_entry_jumppad:
0x0: {  	(pc) =	sbr.rel $0x88, $3  }
0x1: {  	(tag) =	ssettag $0x0;
	lr =	simm.s32 $0x1  }
0x2: {  	[smem:$0x3F99] =	sst lr;
	_ =	strace $0xD0000000  }
0x3: {  	_ = 	snop  }
0x4: {  	_ = 	snop  }
0x5: {  	_ = 	snop  }
0x6: {  	_ = 	snop  }
0x7: {  	_ = 	snop  }
__scs_overlays_trampoline_lowered:
0x8: {  	[smem:$0x3FA8] =	sst s0  }
0x9: {  	[smem:$0x3FA9] =	sst s1  }
0xa: {  	[smem:$0x3FAA] =	sst s2  }
0xb: {  	[smem:$0x3FAB] =	sst s3  }
0xc: {  	[smem:$0x3FAC] =	sst s4  }
0xd: {  	[smem:$0x3FAD] =	sst s5  }
0xe: {  	[smem:$0x3FAE] =	sst s6  }
0xf: {  	[smem:$0x3FAF] =	sst s7  }
0x10: {  	[smem:$0x3FB0] =	sst s8  }
0x11: {  	[smem:$0x3FB1] =	sst s9;
	s0 =	simm.s32 @!p0 $0x0  }
0x12: {  	s1 =	sld [smem:$0x3F97];
	s0 =	simm.s32 @p0 $0x1  }
0x13: {  	[smem:$0x3FB2] =	sst s0;
	s0 =	simm.s32 @!p1 $0x0  }
0x14: {  	s2 =	sld [smem:$0x3F96];
	s0 =	simm.s32 @p1 $0x1  }
0x15: {  	[smem:$0x3FB3] =	sst s0;
	s0 =	simm.s32 @!p2 $0x0  }
0x16: {  	s3 =	sld [smem:$0x3FDB];
	s0 =	simm.s32 @p2 $0x1  }
0x17: {  	s4 =	simm.s32 $0x1BF5;
	[smem:$0x3FB5] =	sst s0  }
0x18: {  	s0 =	sld [smem:$0x3F98];
	_ =	swait.ge [sflag:s4], $0x0  }
0x19: {  	s7 =	sld [smem:$0x3F99]  }
0x1a: {  	s8 =	sadd.s32 $0xFFFFE003, lr  }
0x1b: {  	s9 =	sadd.s32 $0xFFFFFEF7, lr;
	s5 =	simm.s32 $0xFFFFFFFF;
	p2 =	slt.u32 s8, $0xFFFFF086  }
0x1c: {  	p1 =	slt.u32 s9, $0xF7A;
	s5 =	simm.s32 @!p2 $0x0  }
0x1d: {  	s5 =	simm.s32 @p1 $0x1;
	p0 =	seq.s32 s7, s2  }
0x1e: {  	s7 =	smul.u32 @!p0 $0xF7A, s2;
	p2 =	seq.s32 @!p0 s5, $0x0  }
0x1f: {  	s9 =	smul.u32 $0xF7A, s1;
	s8 =	simm.s32 @!p0 $0x1BF5;
	p2 =	por !p2, p0  }
0x20: {  	[sflag:s8] =	ssyncset.s32 @!p0 $0xFFFFF086;
	s6 =	sadd.s32 @!p0 s3, s7;
	s7 =	simm.s32 @!p0 $0x108  }
0x21: {  	s3 =	sadd.s32 s3, s9;
	s6 =	sadd.s32 @!p0 $0x88, s6;
	s7 =	simm.s32 @p2 $0x1082  }
0x22: {  	[simem:s7], [sflag:s8] =	dma.local @!p0 [hbm:s6], $0xF7A  }
0x23: {  	s9 =	sor.u32 $0xD0000000, s2;
	s6 =	simm.s32 $0x108;
	_ =	swait.ge @!p0 [sflag:s8], $0x0  }
0x24: {  	s3 =	sadd.s32 $0x88, s3;
	s6 =	simm.s32 @!p1 $0x1082;
	[sflag:s4] =	ssyncset.s32 $0xFFFFF086  }
0x25: {  	[simem:s6], [sflag:s4] =	dma.local [hbm:s3], $0xF7A  }
0x26: {  	[smem:$0x3F99] =	sst s1;
	(tag) =	ssettag s2;
	_ =	strace s9  }
0x27: {  	s1 =	sld [smem:$0x3FA9]  }
0x28: {  	s2 =	sld [smem:$0x3FAA]  }
0x29: {  	s4 =	sld [smem:$0x3FAC]  }
0x2a: {  	p0 =	seq.s32 s5, $0x0;
	s5 =	sld [smem:$0x3FAD]  }
0x2b: {  	s6 =	sld [smem:$0x3FAE]  }
0x2c: {  	s7 =	sld [smem:$0x3FAF]  }
0x2d: {  	s3 =	simm.s32 $0x108;
	s8 =	sld [smem:$0x3FB0]  }
0x2e: {  	s3 =	simm.s32 @!p0 $0x1082;
	s9 =	sld [smem:$0x3FB1]  }
0x2f: {  	lr =	sadd.s32 s0, s3;
	s0 =	sld [smem:$0x3FA8]  }
0x30: {  	s3 =	sld [smem:$0x3FAB]  }
0x31: {  	[smem:$0x3FB4] =	sst s10  }
0x32: {  	s10 =	sld [smem:$0x3FB2];
	_ =	sdelay $0x3  }
0x33: {  	p0 =	seq.s32 s10, $0x1;
	s10 =	sld [smem:$0x3FB4];
	_ =	sdelay $0x3  }
0x34: {  	[smem:$0x3FB4] =	sst s10  }
0x35: {  	s10 =	sld [smem:$0x3FB3];
	_ =	sdelay $0x3  }
0x36: {  	p1 =	seq.s32 s10, $0x1;
	s10 =	sld [smem:$0x3FB4];
	_ =	sdelay $0x3  }
0x37: {  	[smem:$0x3FB4] =	sst s10  }
0x38: {  	s10 =	sld [smem:$0x3FB5]  }
0x39: {  	_ = 	snop;
	(pc) =	sbr.ind lr, $3  }
0x3a: {  	_ = 	snop  }
0x3b: {  	_ = 	snop  }
0x3c: {  	p2 =	seq.s32 s10, $0x1;
	s10 =	sld [smem:$0x3FB4]  }
0x3d: {  	_ =	shalt  }
0x3e: {  	_ =	shalt  }
0x3f: {  	_ =	shalt  }
0x40: {  	_ =	shalt  }
0x41: {  	_ =	shalt  }
0x42: {  	_ =	shalt  }
0x43: {  	_ =	shalt  }
0x44: {  	_ =	shalt  }
0x45: {  	_ =	shalt  }
0x46: {  	_ =	shalt  }
0x47: {  	_ =	shalt  }
0x48: {  	_ =	shalt  }
0x49: {  	_ =	shalt  }
0x4a: {  	_ =	shalt  }
0x4b: {  	_ =	shalt  }
0x4c: {  	_ =	shalt  }
0x4d: {  	_ =	shalt  }
0x4e: {  	_ =	shalt  }
0x4f: {  	_ =	shalt  }
0x50: {  	_ =	shalt  }
0x51: {  	_ =	shalt  }
0x52: {  	_ =	shalt  }
0x53: {  	_ =	shalt  }
0x54: {  	_ =	shalt  }
0x55: {  	_ =	shalt  }
0x56: {  	_ =	shalt  }
0x57: {  	_ =	shalt  }
0x58: {  	_ =	shalt  }
0x59: {  	_ =	shalt  }
0x5a: {  	_ =	shalt  }
0x5b: {  	_ =	shalt  }
0x5c: {  	_ =	shalt  }
0x5d: {  	_ =	shalt  }
0x5e: {  	_ =	shalt  }
0x5f: {  	_ =	shalt  }
0x60: {  	_ =	shalt  }
0x61: {  	_ =	shalt  }
0x62: {  	_ =	shalt  }
0x63: {  	_ =	shalt  }
0x64: {  	_ =	shalt  }
0x65: {  	_ =	shalt  }
0x66: {  	_ =	shalt  }
0x67: {  	_ =	shalt  }
0x68: {  	_ =	shalt  }
0x69: {  	_ =	shalt  }
0x6a: {  	_ =	shalt  }
0x6b: {  	_ =	shalt  }
0x6c: {  	_ =	shalt  }
0x6d: {  	_ =	shalt  }
0x6e: {  	_ =	shalt  }
0x6f: {  	_ =	shalt  }
0x70: {  	_ =	shalt  }
0x71: {  	_ =	shalt  }
0x72: {  	_ =	shalt  }
0x73: {  	_ =	shalt  }
0x74: {  	_ =	shalt  }
0x75: {  	_ =	shalt  }
0x76: {  	_ =	shalt  }
0x77: {  	_ =	shalt  }
0x78: {  	_ =	shalt  }
0x79: {  	_ =	shalt  }
0x7a: {  	_ =	shalt  }
0x7b: {  	_ =	shalt  }
0x7c: {  	_ =	shalt  }
0x7d: {  	_ =	shalt  }
0x7e: {  	_ =	shalt  }
0x7f: {  	_ =	shalt  }
0x80: {  	_ =	shalt  }
0x81: {  	_ =	shalt  }
0x82: {  	_ =	shalt  }
0x83: {  	_ =	shalt  }
0x84: {  	_ =	shalt  }
0x85: {  	_ =	shalt  }
0x86: {  	_ =	shalt  }
0x87: {  	_ =	shalt  }
.Lfunc_end0:
.L_simem_size_0:
called_computation_lowered:
.L_overlay_start_0:
0x88: {  	s2 =	sld [smem:$0x3FD9]  }
0x89: {  	s3 =	sld [smem:$0x3FFE];
	_ =	sdelay $0x1  }
0x8a: {  	s1 =	srdreg.scid  }
0x8b: {  	s0 =	sand.u32 $0x1, s1  }
0x8c: {  	s17 =	sshll.u32 s0, $0xA;
	s2 =	sadd.s32 s3, s2  }
0x8d: {  	s2 =	sadd.s32 s2, s17  }
0x8e: {  	[smem:$0x3FC0] =	sst s2  }
0x8f: {  	_ = 	snop  }
0x90: {  	s2 =	sld [smem:$0x3FC9];
	(tm) =	ssettm $0x1  }
0x91: {  	s18 =	sld [smem:$0x3FFB];
	_ =	sdelay $0x3  }
0x92: {  	_ =	strace s18  }
0x93: {  	s3 =	sld [smem:$0x3FFC];
	_ =	sdelay $0x3  }
0x94: {  	_ =	strace s3  }
0x95: {  	s3 =	sld [smem:$0x3FFD];
	_ =	sdelay $0x3  }
0x96: {  	_ =	strace s3  }
0x97: {  	_ =	strace $0x8FFFFFFF  }
0x98: {  	s19 =	sld [smem:$0x3FDB];
	_ =	sdelay $0x1  }
0x99: {  	s4 =	simm.s32 $_scs_section_size  }
0x9a: {  	s5 =	simm.s32 $_size__tile_overlayer_lowered;
	s6 =	simm.s32 $_tile_overlayer_lowered  }
0x9b: {  	s22 =	simm.s32 $0x1BFF;
	s21 =	sshll.u32 s6, $0x1;
	s3 =	sadd.s32 s4, s19  }
0x9c: {  	s7 =	simm.s32 $0x0;
	s20 =	sshll.u32 s5, $0x1;
	s5 =	sadd.s32 s21, s3  }
0x9d: {  	[timem:s7], [sflag:s22] =	dma.local [hbm:s5], s20  }
0x9e: {  	_ =	swait.ge [sflag:s22], s20  }
0x9f: {  	s4 =	ssub.s32 $0x0, s20;
	[sflag:s22] =	ssyncset.done $0x0  }
0xa0: {  	[sflag:s22] =	ssyncadd.s32 s4;
	_ =	sdelay $0x1  }
0xa1: {  	s23 =	simm.s32 $0x1B8B  }
0xa2: {  	_ =	swait.ge [sflag:s23], $0x1  }
0xa3: {  	[sflag:s23] =	ssyncset.done $0x0  }
0xa4: {  	s25 =	simm.s32 $0x1B8E;
	s24 =	sld [smem:$0x3FFE];
	[sflag:s23] =	ssyncadd.s32 $0xFFFFFFFF  }
0xa5: {  	s26 =	simm.s32 $execute0_lowered;
	[smem:$0x3FD2] =	sst s25  }
0xa6: {  	s5 =	sshll.u32 s26, $0x1;
	_ =	strace $0x80000046;
	[dreg:$0x1] =	wrdreg $0xFFFFFFFF  }
0xa7: {  	s28 =	simm.s32 $_size_execute0_lowered;
	s3 =	sadd.s32 s3, s5;
	[dreg:$0x0] =	wrdreg $0x0  }
0xa8: {  	s5 =	sshll.u32 s28, $0x1;
	[dreg:$0x2] =	wrdreg s3  }
0xa9: {  	[dreg:$0x3] =	wrdreg s5  }
0xaa: {  	[dreg:$0x4] =	wrdreg $0xC0  }
0xab: {  	_ =	task [dreg:s7], $0x5FFFF  }
0xac: {  	[dreg:$0x1] =	wrdreg $0xFFFFFFFF  }
0xad: {  	[dreg:$0x0] =	wrdreg $0x60  }
0xae: {  	[dreg:$0x2] =	wrdreg s2  }
0xaf: {  	[dreg:$0x3] =	wrdreg s24  }
0xb0: {  	[dreg:$0x4] =	wrdreg $0xC4000  }
0xb1: {  	[dreg:$0x5] =	wrdreg $0x9  }
0xb2: {  	_ =	task.clear_ibuf [dreg:s7], $0x6FFFF;
	_ =	strace $0x90000046  }
0xb3: {  	s29 =	simm.s32 $0x9;
	_ =	strace $0x80000048  }
0xb4: {  	_ =	swait.ge [sflag:s29], $0x1  }
0xb5: {  	[sflag:s29] =	ssyncadd.s32 $0xFFFFFFFF  }
0xb6: {  	_ =	strace $0x90000048  }
0xb7: {  	_ =	sfence  }
0xb8: {  	s30 =	sld [smem:$0x0];
	_ =	sdelay $0x2  }
0xb9: {  	s31 =	sshll.u32 s1, $0xD;
	s1 =	sshrl.u32 s1, $0x2  }
0xba: {  	s3 =	sand.u32 $0x4000, s31;
	s1 =	sadd.s32 s1, s30  }
0xbb: {  	s0 =	sor.u32 s3, s0;
	s1 =	sshll.u32 s1, $0x11  }
0xbc: {  	s0 =	sor.u32 s1, s0  }
0xbd: {  	s0 =	sadd.s32 $0x8F2B, s0  }
0xbe: {  	[sflag:s0] =	ssyncadd.remote.s32 $0x1  }
0xbf: {  	_ =	sfence.sel $0xFFFF  }
0xc0: {  	[dreg:$0x0] =	wrdreg $0xFFFFFFFF;
	(pc) =	sbr.abs _section_cstart, $3  }
0xc1: {  	[dreg:$0x1] =	wrdreg $0xFFFFFFFF  }
0xc2: {  	_ =	task.clear_ibuf [dreg:s7], $0x2FFFF;
	_ =	strace $0x9FFFFFFF  }
0xc3: {  	(tm) =	ssettm $0x7FFFFFFF  }
tec
execute0_lowered:
.L_overlay_start_1:
0x0: {  	(tag) =	ssettag $0x1  }
0x1: {  	s0 =	rddreg [dreg:$0x0]  }
0x2: {  	s4 =	rddreg [dreg:$0x1]  }
0x3: {  	s1 =	srdreg.scid;
	s6 =	rddreg [dreg:$0x2]  }
0x4: {  	s2 =	stileid.u32;
	s3 =	simm.s32 $0x0;
	s17 =	simm.s32 $0x200  }
0x5: {  	s18 =	simm.s32 $0x400;
	s19 =	simm.s32 $0x8;
	s20 =	simm.s32 $0x4  }
0x6: {  	s21 =	simm.s32 $0x7D;
	s22 =	simm.s32 $0x5;
	s23 =	simm.s32 $0x4400  }
0x7: {  	s5 =	sand.u32 $0x1, s1;
	s1 =	rddreg [dreg:$0x3];
	s8 =	smul.u32 $0x13C00, s2  }
0x8: {  	s24 =	simm.s32 $0x0;
	[smem:$0x7FF] =	sst s3;
	s10 =	smul.u32 $0x4F000, s2  }
0x9: {  	s9 =	sshll.u32 s2, $0x1;
	s15 =	sadd.s32 $0x2E00, s4;
	s12 =	smul.u32 $0xA000, s2  }
0xa: {  	s7 =	smul.u32 $0x13C000, s5;
	_ =	strace $0x80000047;
	s28 =	ssub.s32 $0x2, s5  }
0xb: {  	s25 =	sor.u32 s5, s9;
	s31 =	smul.u32 $0x5000, s5;
	s11 =	sshrl.u32 s28, $0x1  }
0xc: {  	s30 =	sshrl.u32 s10, $0x2;
	s7 =	sadd.s32 s8, s7;
	s8 =	smul.u32 $0x5000, s25  }
0xd: {  	s11 =	ssub.s32 s28, s11;
	s6 =	sadd.s32 s30, s6;
	s12 =	sadd.s32 s31, s12  }
0xe: {  	s7 =	sshrl.u32 s7, $0x3;
	s10 =	smax.u32 s11, $0x1;
	s13 =	sor.u32 $0x300, s12  }
.Ltmp0:
0xf: {  	s11 =	sadd.s32 $0x3C00, s6;
	s12 =	sadd.s32 $0x7800, s6;
	(pc) =	sbr.rel .LBB2_1-.Ltmp0, $4  }
0x10: {  	s14 =	sadd.s32 $0xF000, s6;
	s26 =	sadd.s32 s7, s4;
	s29 =	sshrl.u32 s8, $0x3  }
0x11: {  	s8 =	sadd.s32 $0x12C00, s6;
	s16 =	sshrl.u32 s13, $0x3;
	s13 =	sadd.s32 $0xB400, s6  }
0x12: {  	s4 =	sadd.s32 s15, s29;
	s9 =	sadd.s32 $0x16E00, s26;
	s15 =	sadd.s32 s16, s15  }
0x13: {  	v0 =	vimm.f32 $0.0e+00;
	s16 =	simm.s32 $0x100;
	s5 =	sadd.s32 $0x20, s4;
	s7 =	sadd.s32 $0x40, s4  }
.LBB2_9:
0x14: {  	s24 =	sadd.s32 $0x1, s24  }
0x15: {  	s25 =	sshll.u32 s2, $0x6;
	[bflag:$0x0] =	sbarrier.arrive $0xFFFF;
	p0 =	sne.s32 s24, s10  }
.Ltmp1:
0x16: {  	s26 =	sshrl.u32 s6, $0x3;
	s25 =	sor.u32 $0x1C08, s25;
	(pc) =	sbr.rel @!p0 .LBB2_10-.Ltmp1, $4  }
0x17: {  	[hbm:s9], [sflag:s25] =	dma.local [spmem:s26], $0x2780  }
0x18: {  	_ =	swait.ge [sflag:s19], $0x2780  }
0x19: {  	[sflag:s19] =	ssyncset.done $0x0  }
0x1a: {  	[sflag:s19] =	ssyncadd.s32 $0xFFFFD880  }
.LBB2_1:
0x1b: {  	[tilespmem:s3], [sflag:$0x4] =	stream.linear.gather [hbm4b:s4+s3], $0x100, $0x38;
	v63 =	vld [tilespmem:$0x0]  }
0x1c: {  	_ = 	snop  }
0x1d: {  	[tilespmem:s16], [sflag:$0x5] =	stream.linear.gather [hbm4b:s5+s3], $0x100, $0x38;
	v63 =	vld [tilespmem:$0x0]  }
0x1e: {  	s25 =	simm.s32 $0x0;
	s26 =	simm.s32 $0x200  }
0x1f: {  	[tilespmem:s17], [sflag:$0x6] =	stream.linear.gather [hbm4b:s7+s3], $0x100, $0x38;
	v63 =	vld [tilespmem:$0x0]  }
.LBB2_2:
0x20: {  	p0 =	sne.s32 s26, $0xF800;
	[tilespmem:s25+$0x470] =	vst v0  }
0x21: {  	[tilespmem:s25+$0x400] =	vst v0  }
0x22: {  	[tilespmem:s25+$0x410] =	vst v0  }
.Ltmp2:
0x23: {  	[tilespmem:s25+$0x420] =	vst v0;
	(pc) =	sbr.rel @p0 .LBB2_2-.Ltmp2, $4  }
0x24: {  	[tilespmem:s25+$0x430] =	vst v0  }
0x25: {  	[tilespmem:s25+$0x440] =	vst v0  }
0x26: {  	[tilespmem:s25+$0x450] =	vst v0  }
0x27: {  	[tilespmem:s25+$0x460] =	vst v0;
	s25 =	sshra.s32 s26, $0x2;
	s26 =	sadd.s32 $0x200, s26  }
0x28: {  	[tilespmem:s25+$0x470] =	vst v0  }
0x29: {  	[tilespmem:s25+$0x400] =	vst v0  }
0x2a: {  	[tilespmem:s25+$0x410] =	vst v0  }
0x2b: {  	[tilespmem:s25+$0x420] =	vst v0  }
0x2c: {  	[tilespmem:s25+$0x430] =	vst v0  }
0x2d: {  	[tilespmem:s25+$0x440] =	vst v0  }
0x2e: {  	[tilespmem:s25+$0x450] =	vst v0  }
0x2f: {  	[tilespmem:s25+$0x460] =	vst v0  }
0x30: {  	[spmem:s6] =	stream.linear.scatter [tilespmem:s18], [sflag:$0x8], $0x3C00, $0x38;
	v63 =	vld [tilespmem:$0x0]  }
0x31: {  	_ =	swait.ge [sflag:s19], $0x3C00  }
0x32: {  	[sflag:s19] =	ssyncset.done $0x0  }
0x33: {  	[sflag:s19] =	ssyncadd.s32 $0xFFFFC400  }
0x34: {  	[spmem:s11] =	stream.linear.scatter [tilespmem:s18], [sflag:$0x8], $0x3C00, $0x38;
	v63 =	vld [tilespmem:$0x0]  }
0x35: {  	_ =	swait.ge [sflag:s19], $0x3C00  }
0x36: {  	[sflag:s19] =	ssyncset.done $0x0  }
0x37: {  	[sflag:s19] =	ssyncadd.s32 $0xFFFFC400  }
0x38: {  	[spmem:s12] =	stream.linear.scatter [tilespmem:s18], [sflag:$0x8], $0x3C00, $0x38;
	v63 =	vld [tilespmem:$0x0]  }
0x39: {  	_ =	swait.ge [sflag:s19], $0x3C00  }
0x3a: {  	[sflag:s19] =	ssyncset.done $0x0  }
0x3b: {  	[sflag:s19] =	ssyncadd.s32 $0xFFFFC400  }
0x3c: {  	[spmem:s13] =	stream.linear.scatter [tilespmem:s18], [sflag:$0x8], $0x3C00, $0x38;
	v63 =	vld [tilespmem:$0x0]  }
0x3d: {  	_ =	swait.ge [sflag:s19], $0x3C00  }
0x3e: {  	[sflag:s19] =	ssyncset.done $0x0  }
0x3f: {  	[sflag:s19] =	ssyncadd.s32 $0xFFFFC400  }
0x40: {  	[spmem:s14] =	stream.linear.scatter [tilespmem:s18], [sflag:$0x8], $0x3C00, $0x38;
	v63 =	vld [tilespmem:$0x0]  }
0x41: {  	_ =	swait.ge [sflag:s19], $0x3C00  }
0x42: {  	[sflag:s19] =	ssyncset.done $0x0  }
0x43: {  	[sflag:s19] =	ssyncadd.s32 $0xFFFFC400  }
0x44: {  	[spmem:s8] =	stream.linear.scatter [tilespmem:s18], [sflag:$0x8], $0x1000, $0x38;
	v63 =	vld [tilespmem:$0x0]  }
0x45: {  	_ =	swait.ge [sflag:s19], $0x1000  }
0x46: {  	[sflag:s19] =	ssyncset.done $0x0  }
0x47: {  	[sflag:s19] =	ssyncadd.s32 $0xFFFFF000  }
0x48: {  	_ =	swait.ge [sflag:s20], $0x100  }
0x49: {  	[sflag:s20] =	ssyncset.done $0x0  }
0x4a: {  	s25 =	simm.s32 $0x0;
	[sflag:s20] =	ssyncadd.s32 $0xFFFFFF00  }
0x4b: {  	[tilespmem:s18], [sflag:$0x1] =	stream.indirect.gather [hbm4b:s0+s21], $0x80, s25, s21, $0xb8;
	v63 =	vld [tilespmem:$0x0]  }
0x4c: {  	_ =	swait.ge [sflag:s22], $0x100  }
.Ltmp3:
0x4d: {  	[sflag:s22] =	ssyncset.done $0x0;
	(pc) =	sbr.rel .LBB2_4-.Ltmp3, $4  }
0x4e: {  	[sflag:s22] =	ssyncadd.s32 $0xFFFFFF00  }
0x4f: {  	[tilespmem:s23], [sflag:$0x2] =	stream.indirect.gather [hbm4b:s0+s21], $0x80, s16, s21, $0xb8;
	v63 =	vld [tilespmem:$0x0]  }
0x50: {  	[bflag:$0x0] =	sbarrier.arrive $0xFFFF  }
0x51: {  	s26 =	smov.u32 s15  }
.LBB2_5:
0x52: {  	s28 =	sadd.s32 $0xFFFFFFFF, s25  }
0x53: {  	s28 =	sand.u32 $0x3, s28  }
0x54: {  	s29 =	sshll.u32 s28, $0x8;
	s28 =	sor.u32 $0x4, s28  }
0x55: {  	[tilespmem:s29], [sflag:s28] =	stream.linear.gather [hbm4b:s26+s3], $0x100, $0x38;
	v63 =	vld [tilespmem:$0x0]  }
.LBB2_7:
0x56: {  	s28 =	sadd.s32 $0x2, s25  }
0x57: {  	s29 =	smul.u32 $0xAB, s28;
	_ =	sdelay $0x1  }
0x58: {  	s29 =	sshrl.u32 s29, $0x9  }
0x59: {  	s29 =	sand.u32 $0x7F, s29  }
0x5a: {  	s30 =	sand.u32 $0x3, s28;
	s29 =	smul.u32 $0x3, s29  }
0x5b: {  	s31 =	sor.u32 $0x4, s30  }
0x5c: {  	_ =	swait.ge [sflag:s31], $0x100;
	s28 =	ssub.s32 s28, s29  }
0x5d: {  	[sflag:s31] =	ssyncset.done $0x0;
	s28 =	sand.u32 $0xFF, s28  }
0x5e: {  	[sflag:s31] =	ssyncadd.s32 $0xFFFFFF00;
	s31 =	sshll.u32 s28, $0xE  }
0x5f: {  	s30 =	sshll.u32 s30, $0x8;
	s28 =	sadd.s32 $0x1, s28;
	s29 =	sor.u32 $0x400, s31  }
0x60: {  	[tilespmem:s29], [sflag:s28] =	stream.indirect.gather [hbm4b:s0+s21], $0x80, s30, s21, $0xb8;
	v63 =	vld [tilespmem:$0x0]  }
.LBB2_8:
0x61: {  	s28 =	smul.u32 $0xAB, s25;
	_ =	sdelay $0x1  }
0x62: {  	s28 =	sshrl.u32 s28, $0x9  }
0x63: {  	s28 =	sand.u32 $0x7F, s28  }
0x64: {  	s28 =	smul.u32 $0x3, s28;
	_ =	sdelay $0x1  }
0x65: {  	s28 =	ssub.s32 s25, s28  }
0x66: {  	s28 =	sand.u32 $0xFF, s28  }
0x67: {  	s29 =	sadd.s32 $0x1, s28  }
0x68: {  	s25 =	sadd.s32 $0x1, s25;
	_ =	swait.ge [sflag:s29], $0x3E80  }
0x69: {  	p0 =	sne.s32 s25, $0x50;
	s28 =	sshll.u32 s28, $0xE;
	[sflag:s29] =	ssyncset.done $0x0  }
.Ltmp4:
0x6a: {  	s28 =	sor.u32 $0x400, s28;
	[sflag:s29] =	ssyncadd.s32 $0xFFFFC180;
	(pc) =	sbr.rel @!p0 .LBB2_9-.Ltmp4, $4  }
0x6b: {  	[spmem:s6] =	stream.linear.scatter [tilespmem:s28], [sflag:$0x8], $0x3E80, $0x38;
	v63 =	vld [tilespmem:$0x0]  }
0x6c: {  	_ =	swait.ge [sflag:s19], $0x3E80  }
0x6d: {  	[sflag:s19] =	ssyncset.done $0x0  }
0x6e: {  	s26 =	sadd.s32 $0x20, s26;
	[sflag:s19] =	ssyncadd.s32 $0xFFFFC180  }
.LBB2_4:
0x6f: {  	p0 =	sgt.u32 s25, $0x4C  }
.Ltmp5:
0x70: {  	_ = 	snop;
	(pc) =	sbr.rel @!p0 .LBB2_5-.Ltmp5, $1  }
0x71: {  	_ =	sdelay $0x3  }
0x72: {  	p0 =	sne.s32 s25, $0x4D  }
.Ltmp6:
0x73: {  	_ = 	snop;
	(pc) =	sbr.rel @p0 .LBB2_8-.Ltmp6, $4  }
.Ltmp7:
0x74: {  	_ = 	snop;
	(pc) =	sbr.rel @!p0 .LBB2_7-.Ltmp7, $4  }
0x75: {  	_ = 	snop  }
0x76: {  	_ = 	snop  }
0x77: {  	_ = 	snop  }
0x78: {  	_ = 	snop  }
.LBB2_10:
0x79: {  	_ =	sfence.sel $0x180000  }
0x7a: {  	[bflag:$0x0] =	sbarrier.arrive $0xFFFF  }
0x7b: {  	p0 =	sne.s32 s2, $0x0;
	_ =	strace $0x90000047  }
0x7c: {  	s0 =	sadd.s32 @!p0 $0x100000, s1;
	[bflag:$0x2] =	sbarrier.arrive $0xFFFF  }
0x7d: {  	[sflag:s0] =	ssyncadd.tile.s32 @!p0 $0x1;
	_ =	shalt  }
.Lfunc_end2:
_tile_overlayer_lowered:
.L_overlay_start_2:
0x7e: {  	(tag) =	ssettag $0x2  }
0x7f: {  	s0 =	rddreg [dreg:$0x0];
	s2 =	stileid.u32  }
0x80: {  	s1 =	rddreg [dreg:$0x1];
	p0 =	sne.s32 s2, $0x0  }
0x81: {  	s3 =	rddreg [dreg:$0x2];
	[bflag:$0x3] =	sbarrier.arrive $0xFFFF;
	s2 =	simm.s32 @!p0 $0x1C08  }
0x82: {  	[timem:s3], [sflag:s2] =	dma.local @!p0 [hbm:s0], s1  }
0x83: {  	s0 =	simm.s32 @!p0 $0x8  }
0x84: {  	_ =	swait.ge @!p0 [sflag:s0], s1  }
0x85: {  	s1 =	ssub.s32 @!p0 $0x0, s1;
	[sflag:s0] =	ssyncset.done @!p0 $0x0  }
0x86: {  	[sflag:s0] =	ssyncadd.s32 @!p0 s1  }
0x87: {  	[bflag:$0x3] =	sbarrier.arrive $0xFFFF  }
0x88: {  	_ =	shalt  }

</sc_bundles>
